<compile_context>
chip_gen: v7x
topology: tpu7x:2x2x1
jax: 0.10.2.dev20260603
libtpu: 0.0.44.dev20260713+nightly
codegen_flags: <defaults>
</compile_context>

<pallas_src>
import functools

import jax
import jax.numpy as jnp
from jax import lax
from jax.experimental import pallas as pl
from jax.experimental.pallas import tpu as pltpu
from jax.experimental.pallas import tpu_sc as plsc

N = 50000
E = 800000
K = 8

CH = 128
EP = 802816
NA = 50176
BLK = 2000
NB = N // BLK
CNT = 8.0 * N



def _seg_kernel(nch, wpad, split_features, tab_hbm, idxq_hbm, zeros_hbm,
                out_hbm, d0, d1, d2, d3, r0, r1, r2, r3, acc_sh,
                i0, i1, i2, i3, g0, g1, g2, g3, s0, s1, s2, s3):
    sd = [d0, d1, d2, d3]
    rows = [r0, r1, r2, r3]
    isem = [i0, i1, i2, i3]
    gsem = [g0, g1, g2, g3]
    ssem = [s0, s1, s2, s3]
    c = lax.axis_index("c")
    s = lax.axis_index("s")
    zr = NA // 16
    pltpu.sync_copy(zeros_hbm.at[pl.ds(s * zr, zr)], acc_sh.at[pl.ds(s * zr, zr)])
    plsc.subcore_barrier()
    if split_features:
        cb = (c * EP + s * (EP // 16)) // CH
    else:
        cb = ((c * 16 + s) * (EP // 32)) // CH

    def fire_idx(jj, b):
        pltpu.async_copy(idxq_hbm.at[cb + jj], sd[b], isem[b])

    def wait_idx(jj, b):
        pltpu.make_async_copy(idxq_hbm.at[cb + jj], sd[b], isem[b]).wait()

    def fire_gather(jj, b):
        pltpu.async_copy(tab_hbm.at[sd[b].at[0]], rows[b], gsem[b])

    def wait_gather(jj, b):
        pltpu.make_async_copy(tab_hbm.at[sd[b].at[0]], rows[b], gsem[b]).wait()

    def fire_scatter(jj, b):
        pltpu.async_copy(rows[b], acc_sh.at[sd[b].at[1]], ssem[b], add=True)

    def wait_scatter(jj, b):
        pltpu.make_async_copy(rows[b], acc_sh.at[sd[b].at[1]], ssem[b]).wait()

    def body(i, _):
        for b in range(4):
            jj = i * 4 + b

            @pl.when(i >= 1)
            def _ws():
                wait_scatter(jj - 4, b)
            fire_idx(jj, b)
            b2 = (b + 2) % 4
            b3 = (b + 1) % 4
            if b >= 2:
                wait_idx(jj - 2, b2)
                fire_gather(jj - 2, b2)
            else:
                @pl.when(i >= 1)
                def _wg():
                    wait_idx(jj - 2, b2)
                    fire_gather(jj - 2, b2)
            if b >= 3:
                wait_gather(jj - 3, b3)
                fire_scatter(jj - 3, b3)
            else:
                @pl.when(i >= 1)
                def _wsc():
                    wait_gather(jj - 3, b3)
                    fire_scatter(jj - 3, b3)
        return _

    lax.fori_loop(0, nch // 4, body, None)
    for jj in (nch - 2, nch - 1):
        b = jj % 4
        wait_idx(jj, b)
        fire_gather(jj, b)
    for jj in (nch - 3, nch - 2, nch - 1):
        b = jj % 4
        wait_gather(jj, b)
        fire_scatter(jj, b)
    for jj in range(nch - 4, nch):
        wait_scatter(jj, jj % 4)
    plsc.subcore_barrier()
    pltpu.sync_copy(acc_sh.at[pl.ds(s * zr, zr)],
                    out_hbm.at[c].at[pl.ds(s * zr, zr)])


def _make_seg(nch, wpad, split_features):
    mesh = plsc.VectorSubcoreMesh(core_axis_name="c", subcore_axis_name="s")
    dma = pltpu.SemaphoreType.DMA
    return pl.kernel(
        functools.partial(_seg_kernel, nch, wpad, split_features),
        out_type=jax.ShapeDtypeStruct((2, NA, wpad), jnp.float32),
        mesh=mesh,
        scratch_types=(
            [pltpu.VMEM((2, CH), jnp.int32)] * 4
            + [pltpu.VMEM((CH, wpad), jnp.float32)] * 4
            + [pltpu.VMEM_SHARED((NA, wpad), jnp.float32)]
            + [dma] * 12
        ),
        compiler_params=pltpu.CompilerParams(use_tc_tiling_on_sc=False),
    )


_seg64 = _make_seg(EP // (16 * CH), 32, True)
_seg8 = _make_seg(EP // (32 * CH), 16, False)



def _embed_body(x_ref, wh_ref, bh_ref, o_ref):
    o_ref[...] = jnp.dot(x_ref[...], wh_ref[...], preferred_element_type=jnp.float32) + bh_ref[...]


def _edge_body(ea_ref, we_ref, be_ref, o_ref):
    o_ref[...] = ea_ref[...] * we_ref[...] + be_ref[...]


def _embed_h(x, Wh, bh):
    n, d = x.shape
    dout = Wh.shape[1]
    return pl.pallas_call(
        _embed_body,
        grid=(n // BLK,),
        in_specs=[
            pl.BlockSpec((BLK, d), lambda i: (i, 0)),
            pl.BlockSpec((d, dout), lambda i: (0, 0)),
            pl.BlockSpec((1, dout), lambda i: (0, 0)),
        ],
        out_specs=pl.BlockSpec((BLK, dout), lambda i: (i, 0)),
        out_shape=jax.ShapeDtypeStruct((n, dout), jnp.float32),
    )(x, Wh, bh.reshape(1, dout))


def _embed_e(edge_attr, We, be):
    e = edge_attr.shape[0]
    dout = We.shape[1]
    blk = 8000
    return pl.pallas_call(
        _edge_body,
        grid=(e // blk,),
        in_specs=[
            pl.BlockSpec((blk, 1), lambda i: (i, 0)),
            pl.BlockSpec((1, dout), lambda i: (0, 0)),
            pl.BlockSpec((1, dout), lambda i: (0, 0)),
        ],
        out_specs=pl.BlockSpec((blk, dout), lambda i: (i, 0)),
        out_shape=jax.ShapeDtypeStruct((e, dout), jnp.float32),
    )(edge_attr.reshape(e, 1), We.reshape(1, dout), be.reshape(1, dout))


def _fold_stats(s1, s2, bmat):
    mu_w = jnp.dot(s1, bmat, preferred_element_type=jnp.float32,
                   precision=lax.Precision.HIGHEST) / CNT
    ex2_w = jnp.dot(s2, bmat, preferred_element_type=jnp.float32,
                    precision=lax.Precision.HIGHEST) / CNT
    inv_w = lax.rsqrt(ex2_w - mu_w * mu_w + 1e-5)
    return mu_w, inv_w


def _dense1_body(pe_ref, agg_ref, wk1_ref, b1_ref, wk2_ref, b2_ref, bm_ref,
                 op_ref, om_ref, st_ref):
    p = pl.program_id(0)
    i = pl.program_id(1)
    z = pe_ref[...]
    z = jnp.where(jnp.isnan(z), 0.0, z)
    m = z + agg_ref[0, :, :8] + agg_ref[1, :, :8]
    v = jnp.concatenate(
        [m[:, k:k + 1] * wk1_ref[...] + b1_ref[...] for k in range(8)], axis=1)

    @pl.when((p == 0) & (i == 0))
    def _init():
        st_ref[...] = jnp.zeros_like(st_ref)

    @pl.when(p == 0)
    def _stats():
        st_ref[0:1, :] += jnp.sum(v, axis=0, keepdims=True)
        st_ref[1:2, :] += jnp.sum(v * v, axis=0, keepdims=True)

    @pl.when(p == 1)
    def _out():
        mu_w, inv_w = _fold_stats(st_ref[0:1, :], st_ref[1:2, :], bm_ref[...])
        u = (v - mu_w) * inv_w
        def mlp2(uu):
            return jnp.concatenate(
                [jnp.dot(uu[:, g * 8:(g + 1) * 8], wk2_ref[...],
                         preferred_element_type=jnp.float32) + b2_ref[...]
                 for g in range(8)], axis=1)
        outp = mlp2(jnp.maximum(u, 0.0))
        outm = mlp2(jnp.maximum(-u, 0.0))
        op_ref[0] = outp[:, :32]
        op_ref[1] = outp[:, 32:]
        om_ref[0] = outm[:, :32]
        om_ref[1] = outm[:, 32:]


def _dense1(pe, agg1, wk1, b1t, wk2, b2t, bm):
    spec_tab = pl.BlockSpec((2, BLK, 32), lambda p, i: (0, i, 0))
    return pl.pallas_call(
        _dense1_body,
        grid=(2, NB),
        in_specs=[
            pl.BlockSpec((BLK, 8), lambda p, i: (i, 0)),
            pl.BlockSpec((2, BLK, 16), lambda p, i: (0, i, 0)),
            pl.BlockSpec((1, 8), lambda p, i: (0, 0)),
            pl.BlockSpec((1, 8), lambda p, i: (0, 0)),
            pl.BlockSpec((8, 8), lambda p, i: (0, 0)),
            pl.BlockSpec((1, 8), lambda p, i: (0, 0)),
            pl.BlockSpec((64, 64), lambda p, i: (0, 0)),
        ],
        out_specs=[spec_tab, spec_tab],
        out_shape=[jax.ShapeDtypeStruct((2, N, 32), jnp.float32)] * 2,
        scratch_shapes=[pltpu.VMEM((2, 64), jnp.float32)],
    )(pe, agg1, wk1, b1t, wk2, b2t, bm)


def _dense23_body(outw, tp_ref, aggp_ref, tm_ref, aggm_ref,
                  wk1_ref, b1_ref, wk2_ref, b2_ref, bm_ref,
                  op_ref, om_ref, st_ref):
    p = pl.program_id(0)
    i = pl.program_id(1)

    def halves(t_ref, agg_ref):
        out = []
        for c in (0, 1):
            m = t_ref[c] + agg_ref[c]
            out.append(jnp.concatenate(
                [jnp.dot(m[:, g * 8:(g + 1) * 8], wk1_ref[...],
                         preferred_element_type=jnp.float32) + b1_ref[...]
                 for g in range(4)], axis=1))
        return out

    vp = halves(tp_ref, aggp_ref)
    vm = halves(tm_ref, aggm_ref)

    @pl.when((p == 0) & (i == 0))
    def _init():
        st_ref[...] = jnp.zeros_like(st_ref)

    @pl.when(p == 0)
    def _stats():
        st_ref[0:1, :] += jnp.sum(vp[0] + vp[1], axis=0, keepdims=True)
        st_ref[1:2, :] += jnp.sum(vp[0] * vp[0] + vp[1] * vp[1], axis=0, keepdims=True)
        st_ref[2:3, :] += jnp.sum(vm[0] + vm[1], axis=0, keepdims=True)
        st_ref[3:4, :] += jnp.sum(vm[0] * vm[0] + vm[1] * vm[1], axis=0, keepdims=True)

    @pl.when(p == 1)
    def _out():
        for v, o_ref, r0, r1 in ((vp, op_ref, 0, 1), (vm, om_ref, 2, 3)):
            mu_w, inv_w = _fold_stats(st_ref[r0:r0 + 1, :], st_ref[r1:r1 + 1, :],
                                      bm_ref[...])
            for c in (0, 1):
                u = jnp.maximum((v[c] - mu_w) * inv_w, 0.0)
                o_ref[c] = jnp.concatenate(
                    [jnp.dot(u[:, g * 8:(g + 1) * 8], wk2_ref[...],
                             preferred_element_type=jnp.float32) + b2_ref[...]
                     for g in range(4)], axis=1)


def _dense23(outw, tp, aggp, tm, aggm, wk1, b1t, wk2, b2t, bm):
    spec_in = pl.BlockSpec((2, BLK, 32), lambda p, i: (0, i, 0))
    spec_out = pl.BlockSpec((2, BLK, outw), lambda p, i: (0, i, 0))
    return pl.pallas_call(
        functools.partial(_dense23_body, outw),
        grid=(2, NB),
        in_specs=[
            spec_in, spec_in, spec_in, spec_in,
            pl.BlockSpec((8, 8), lambda p, i: (0, 0)),
            pl.BlockSpec((1, 8), lambda p, i: (0, 0)),
            pl.BlockSpec((8, outw // 4), lambda p, i: (0, 0)),
            pl.BlockSpec((1, outw // 4), lambda p, i: (0, 0)),
            pl.BlockSpec((32, 32), lambda p, i: (0, 0)),
        ],
        out_specs=[spec_out, spec_out],
        out_shape=[jax.ShapeDtypeStruct((2, N, outw), jnp.float32)] * 2,
        scratch_shapes=[pltpu.VMEM((4, 32), jnp.float32)],
    )(tp, aggp, tm, aggm, wk1, b1t, wk2, b2t, bm)


def _rho_body(tp_ref, tm_ref, rw1_ref, rb1_ref, rw2_ref, rb2_ref, o_ref, st_ref):
    p = pl.program_id(0)
    i = pl.program_id(1)
    h = jnp.concatenate([tp_ref[0] + tm_ref[0], tp_ref[1] + tm_ref[1]], axis=1)
    r = jnp.dot(h, rw1_ref[...], preferred_element_type=jnp.float32) + rb1_ref[...]

    @pl.when((p == 0) & (i == 0))
    def _init():
        st_ref[...] = jnp.zeros_like(st_ref)

    @pl.when(p == 0)
    def _stats():
        st_ref[0:1, :] += jnp.sum(r, axis=0, keepdims=True)
        st_ref[1:2, :] += jnp.sum(r * r, axis=0, keepdims=True)

    @pl.when(p == 1)
    def _out():
        mu = st_ref[0:1, :] / N
        ex2 = st_ref[1:2, :] / N
        inv = lax.rsqrt(ex2 - mu * mu + 1e-5)
        u = jnp.maximum((r - mu) * inv, 0.0)
        o_ref[...] = jnp.dot(u, rw2_ref[...], preferred_element_type=jnp.float32) + rb2_ref[...]


def _rho(tp, tm, rw1, rb1, rw2, rb2):
    spec_in = pl.BlockSpec((2, BLK, 16), lambda p, i: (0, i, 0))
    return pl.pallas_call(
        _rho_body,
        grid=(2, NB),
        in_specs=[
            spec_in, spec_in,
            pl.BlockSpec((32, 8), lambda p, i: (0, 0)),
            pl.BlockSpec((1, 8), lambda p, i: (0, 0)),
            pl.BlockSpec((8, 16), lambda p, i: (0, 0)),
            pl.BlockSpec((1, 16), lambda p, i: (0, 0)),
        ],
        out_specs=pl.BlockSpec((BLK, 16), lambda p, i: (i, 0)),
        out_shape=jax.ShapeDtypeStruct((N, 16), jnp.float32),
        scratch_shapes=[pltpu.VMEM((2, 8), jnp.float32)],
    )(tp, tm, rw1, rb1.reshape(1, 8), rw2, rb2.reshape(1, 16))



def _signnet(pe, edge_index, phi_params, rho_params):
    src = edge_index[0].astype(jnp.int32)
    dst = edge_index[1].astype(jnp.int32)
    pad = EP - E
    pad_dst = N + (jnp.arange(pad, dtype=jnp.int32) % CH)
    src_p = jnp.concatenate([src, jnp.zeros((pad,), jnp.int32)])
    dst_2d = jnp.concatenate([dst, pad_dst]).reshape(EP // CH, CH)
    src_2d = src_p.reshape(EP // CH, CH)
    srcq_2d = jnp.stack([src_2d, src_2d + N])
    dstb_2d = jnp.broadcast_to(dst_2d, (2, EP // CH, CH))
    idx64 = jnp.stack([srcq_2d, dstb_2d], axis=2).reshape(2 * EP // CH, 2, CH)
    zeros32 = jnp.zeros((NA, 32), jnp.float32)
    zeros16 = jnp.zeros((NA, 16), jnp.float32)

    (w11, b11, w12, b12), l2, l3 = phi_params
    eye8 = jnp.eye(8, dtype=jnp.float32)
    bm64 = jnp.kron(jnp.ones((8, 8), jnp.float32), eye8)
    bm32 = jnp.kron(jnp.ones((4, 4), jnp.float32), eye8)

    ztab = jnp.concatenate(
        [jnp.where(jnp.isnan(pe), 0.0, pe), jnp.zeros((N, K), jnp.float32)], axis=1)
    agg1 = _seg8(ztab, idx64, zeros16)
    tp, tm = _dense1(pe, agg1, w11, b11.reshape(1, 8), w12,
                     b12.reshape(1, 8), bm64)

    for li, (w1, b1, w2, b2) in enumerate((l2, l3)):
        outw = w2.shape[1] * 4
        wk1 = w1
        b1t = b1.reshape(1, 8)
        wk2 = w2
        b2t = b2.reshape(1, outw // 4)
        aggp = _seg64(tp.reshape(2 * N, 32), idx64, zeros32)
        aggm = _seg64(tm.reshape(2 * N, 32), idx64, zeros32)
        tp, tm = _dense23(outw, tp, aggp, tm, aggm, wk1, b1t, wk2, b2t, bm32)

    rw1, rb1, rw2, rb2 = rho_params
    return _rho(tp, tm, rw1, rb1, rw2, rb2)


def kernel(x, edge_index, laplacian_pe, batch, edge_attr, Wh, bh, We, be, phi_params, rho_params):
    h = _embed_h(x.astype(jnp.float32), Wh, bh)
    e = _embed_e(edge_attr.astype(jnp.float32), We, be)
    pos_enc = _signnet(laplacian_pe, edge_index, phi_params, rho_params)
    x_new = jnp.concatenate([h, pos_enc], axis=1)
    return x_new, e, pos_enc

# --- scband reference (transcript-rebuilt; emitter-appended) ---
"""Pipeline reference for scband-sign-net-encoder-20598663152208 (READ-ONLY COPY).

The authoritative reference and input builder live on the scoring server;
editing this copy changes nothing except your own understanding.
"""

import jax, jax.numpy as jnp
import numpy as np

N, E, K = 50000, 800000, 8
HID, OUT, DIM_PE = 8, 4, 16
D_NODE, DIM_EMB, DIM_INNER = 128, 128, 128


def _lin(key, din, dout):
    k1, _ = jax.random.split(key)
    w = jax.random.normal(k1, (din, dout), jnp.float32) / np.sqrt(din)
    b = jnp.zeros((dout,), jnp.float32)
    return w, b


def setup_inputs(seed: int = 0) -> dict:
    key = jax.random.key(seed)
    ks = jax.random.split(key, 16)
    x = jax.random.normal(ks[0], (N, D_NODE), jnp.float32)
    edge_index = jax.random.randint(ks[1], (2, E), 0, N).astype(jnp.int64)
    laplacian_pe = jax.random.normal(ks[2], (N, K), jnp.float32)
    batch = jnp.sort(jax.random.randint(ks[3], (N,), 0, 64)).astype(jnp.int64)
    edge_attr = jax.random.normal(ks[4], (E,), jnp.float32)
    Wh, bh = _lin(ks[5], D_NODE, DIM_EMB - DIM_PE)
    We, be = _lin(ks[6], 1, DIM_INNER)
    phi_dims = [(1, HID, HID), (HID, HID, HID), (HID, HID, OUT)]
    phi_params = []
    for i, (a, h, c) in enumerate(phi_dims):
        w1, b1 = _lin(ks[7 + i], a, h)
        w2, b2 = _lin(ks[10 + i], h, c)
        phi_params.append([w1, b1, w2, b2])
    rw1, rb1 = _lin(ks[13], K * OUT, HID)
    rw2, rb2 = _lin(ks[14], HID, DIM_PE)
    rho_params = [rw1, rb1, rw2, rb2]
    return {"x": x, "edge_index": edge_index, "laplacian_pe": laplacian_pe,
            "batch": batch, "edge_attr": edge_attr, "Wh": Wh, "bh": bh,
            "We": We, "be": be, "phi_params": phi_params, "rho_params": rho_params}


def _bn(h):
    axes = tuple(range(h.ndim - 1))
    mu = h.mean(axis=axes, keepdims=True)
    var = h.var(axis=axes, keepdims=True)
    return (h - mu) / jnp.sqrt(var + 1e-5)


def _gin_layer(h, src, dst, w1, b1, w2, b2):
    # GINConv: MLP((1+eps)*x + sum_{j in N(i)} x_j), eps=0
    agg = jax.ops.segment_sum(h[src], dst, num_segments=N)
    m = h + agg
    m = m @ w1 + b1
    m = _bn(m)
    m = jax.nn.relu(m)
    m = m @ w2 + b2
    return m


def _signnet(pe, edge_index, phi_params, rho_params):
    src, dst = edge_index[0], edge_index[1]
    z = pe[..., None]                       # [N, K, 1]
    z = jnp.where(jnp.isnan(z), 0.0, z)     # pos_enc[empty_mask] = 0

    def enc(h):
        for (w1, b1, w2, b2) in phi_params:
            h = _gin_layer(h, src, dst, w1, b1, w2, b2)
        return h

    h = enc(z) + enc(-z)                    # sign-invariant phi(x)+phi(-x), [N, K, OUT]
    h = h.reshape(h.shape[0], -1)           # [N, K*OUT]
    rw1, rb1, rw2, rb2 = rho_params
    h = h @ rw1 + rb1
    h = _bn(h)
    h = jax.nn.relu(h)
    h = h @ rw2 + rb2                       # [N, DIM_PE]
    return h


def reference(x, edge_index, laplacian_pe, batch, edge_attr, Wh, bh, We, be, phi_params, rho_params):
    h = x.astype(jnp.float32) @ Wh + bh                      # embedding_h (linear)
    e = edge_attr[:, None].astype(jnp.float32) @ We + be     # embedding_e (linear)
    pos_enc = _signnet(laplacian_pe, edge_index, phi_params, rho_params)
    x_new = jnp.concatenate([h, pos_enc], axis=1)            # data.x
    return x_new, e, pos_enc                                 # (data.x, data.edge_attr, data.SignNet_pe)

if __name__ == "__main__":
    import jax
    _d = setup_inputs()
    print(jax.jit(kernel)(*tuple(_d.values())))

</pallas_src>

<mosaic_0001>
module attributes {stable_mosaic.version = 14 : i64} {
  func.func @_embed_body(%arg0: i32, %arg1: memref<2000x128xf32, #tpu.memory_space<vmem>>, %arg2: memref<128x112xf32, #tpu.memory_space<vmem>>, %arg3: memref<1x112xf32, #tpu.memory_space<vmem>>, %arg4: memref<2000x112xf32, #tpu.memory_space<vmem>>) attributes {dimension_semantics = [#tpu.dimension_semantics<arbitrary>], iteration_bounds = array<i64: 25>, scalar_prefetch = 0 : i64, scratch_operands = 0 : i64, tpu.core_type = #tpu.core_type<tc>, window_params = [{transform_indices = @transform_0, window_bounds = array<i64: 2000, 128>}, {pipeline_mode = #tpu.pipeline_mode<synchronous>, transform_indices = @transform_1, window_bounds = array<i64: 128, 112>}, {pipeline_mode = #tpu.pipeline_mode<synchronous>, transform_indices = @transform_2, window_bounds = array<i64: 1, 112>}, {transform_indices = @transform_3, window_bounds = array<i64: 2000, 112>}]} {
    %get3A = arith.constant 0 : index
    %get3A_0 = arith.constant 0 : index
    %get3A_1 = vector.load %arg1[%get3A, %get3A_0] : memref<2000x128xf32, #tpu.memory_space<vmem>>, vector<2000x128xf32>
    %get3A_2 = arith.constant 0 : index
    %get3A_3 = arith.constant 0 : index
    %get3A_4 = vector.load %arg2[%get3A_2, %get3A_3] : memref<128x112xf32, #tpu.memory_space<vmem>>, vector<128x112xf32>
    %dot_general3A = arith.constant dense<0.000000e+00> : vector<2000x112xf32>
    %dot_general3A_5 = tpu.matmul %get3A_1, %get3A_4, %dot_general3A {dimension_numbers = #tpu.dot_dimension_numbers<[1], [0], [0], [1], [0, 0, 1, 1], [], []>, transpose_lhs_hint = false} : vector<2000x128xf32>, vector<128x112xf32>, vector<2000x112xf32> -> vector<2000x112xf32>
    %get3A_6 = arith.constant 0 : index
    %get3A_7 = arith.constant 0 : index
    %get3A_8 = vector.load %arg3[%get3A_6, %get3A_7] : memref<1x112xf32, #tpu.memory_space<vmem>>, vector<1x112xf32>
    %add3A = vector.broadcast %get3A_8 : vector<1x112xf32> to vector<2000x112xf32>
    %add3A_9 = arith.addf %dot_general3A_5, %add3A : vector<2000x112xf32>
    %swap3A = arith.constant 0 : index
    %swap3A_10 = arith.constant 0 : index
    %swap3A_11 = vector.load %arg4[%swap3A, %swap3A_10] : memref<2000x112xf32, #tpu.memory_space<vmem>>, vector<2000x112xf32>
    tpu.vector_store %arg4[%swap3A, %swap3A_10], %add3A_9 {strides = array<i32>} : memref<2000x112xf32, #tpu.memory_space<vmem>>, vector<2000x112xf32>,
    return
  }
  func.func @transform_0(%arg0: i32) -> (i32, i32) {
    %c0_i32 = arith.constant 0 : i32
    %c0_i32_0 = arith.constant 0 : i32
    return %arg0, %c0_i32 : i32, i32
  }
  func.func @transform_1(%arg0: i32) -> (i32, i32) {
    %c0_i32 = arith.constant 0 : i32
    %c0_i32_0 = arith.constant 0 : i32
    %c0_i32_1 = arith.constant 0 : i32
    return %c0_i32, %c0_i32_0 : i32, i32
  }
  func.func @transform_2(%arg0: i32) -> (i32, i32) {
    %c0_i32 = arith.constant 0 : i32
    %c0_i32_0 = arith.constant 0 : i32
    %c0_i32_1 = arith.constant 0 : i32
    return %c0_i32, %c0_i32_0 : i32, i32
  }
  func.func @transform_3(%arg0: i32) -> (i32, i32) {
    %c0_i32 = arith.constant 0 : i32
    %c0_i32_0 = arith.constant 0 : i32
    return %arg0, %c0_i32 : i32, i32
  }
}

module attributes {stable_mosaic.version = 14 : i64} {
  func.func @_edge_body(%arg0: i32, %arg1: memref<8000x1xf32, #tpu.memory_space<vmem>>, %arg2: memref<1x128xf32, #tpu.memory_space<vmem>>, %arg3: memref<1x128xf32, #tpu.memory_space<vmem>>, %arg4: memref<8000x128xf32, #tpu.memory_space<vmem>>) attributes {dimension_semantics = [#tpu.dimension_semantics<arbitrary>], iteration_bounds = array<i64: 100>, scalar_prefetch = 0 : i64, scratch_operands = 0 : i64, tpu.core_type = #tpu.core_type<tc>, window_params = [{transform_indices = @transform_0, window_bounds = array<i64: 8000, 1>}, {pipeline_mode = #tpu.pipeline_mode<synchronous>, transform_indices = @transform_1, window_bounds = array<i64: 1, 128>}, {pipeline_mode = #tpu.pipeline_mode<synchronous>, transform_indices = @transform_2, window_bounds = array<i64: 1, 128>}, {transform_indices = @transform_3, window_bounds = array<i64: 8000, 128>}]} {
    %get3A = arith.constant 0 : index
    %get3A_0 = arith.constant 0 : index
    %get3A_1 = vector.load %arg1[%get3A, %get3A_0] : memref<8000x1xf32, #tpu.memory_space<vmem>>, vector<8000x1xf32>
    %get3A_2 = arith.constant 0 : index
    %get3A_3 = arith.constant 0 : index
    %get3A_4 = vector.load %arg2[%get3A_2, %get3A_3] : memref<1x128xf32, #tpu.memory_space<vmem>>, vector<1x128xf32>
    %mul3A = vector.broadcast %get3A_1 : vector<8000x1xf32> to vector<8000x128xf32>
    %mul3A_5 = vector.broadcast %get3A_4 : vector<1x128xf32> to vector<8000x128xf32>
    %mul3A_6 = arith.mulf %mul3A, %mul3A_5 : vector<8000x128xf32>
    %get3A_7 = arith.constant 0 : index
    %get3A_8 = arith.constant 0 : index
    %get3A_9 = vector.load %arg3[%get3A_7, %get3A_8] : memref<1x128xf32, #tpu.memory_space<vmem>>, vector<1x128xf32>
    %add3A = vector.broadcast %get3A_9 : vector<1x128xf32> to vector<8000x128xf32>
    %add3A_10 = arith.addf %mul3A_6, %add3A : vector<8000x128xf32>
    %swap3A = arith.constant 0 : index
    %swap3A_11 = arith.constant 0 : index
    %swap3A_12 = vector.load %arg4[%swap3A, %swap3A_11] : memref<8000x128xf32, #tpu.memory_space<vmem>>, vector<8000x128xf32>
    tpu.vector_store %arg4[%swap3A, %swap3A_11], %add3A_10 {strides = array<i32>} : memref<8000x128xf32, #tpu.memory_space<vmem>>, vector<8000x128xf32>,
    return
  }
  func.func @transform_0(%arg0: i32) -> (i32, i32) {
    %c0_i32 = arith.constant 0 : i32
    %c0_i32_0 = arith.constant 0 : i32
    return %arg0, %c0_i32 : i32, i32
  }
  func.func @transform_1(%arg0: i32) -> (i32, i32) {
    %c0_i32 = arith.constant 0 : i32
    %c0_i32_0 = arith.constant 0 : i32
    %c0_i32_1 = arith.constant 0 : i32
    return %c0_i32, %c0_i32_0 : i32, i32
  }
  func.func @transform_2(%arg0: i32) -> (i32, i32) {
    %c0_i32 = arith.constant 0 : i32
    %c0_i32_0 = arith.constant 0 : i32
    %c0_i32_1 = arith.constant 0 : i32
    return %c0_i32, %c0_i32_0 : i32, i32
  }
  func.func @transform_3(%arg0: i32) -> (i32, i32) {
    %c0_i32 = arith.constant 0 : i32
    %c0_i32_0 = arith.constant 0 : i32
    return %arg0, %c0_i32 : i32, i32
  }
}

</mosaic_0001>

<sc_bundles>
// kernel: scatter_offload_async_start.1
scs
__scs_entry_jumppad:
0x0: {  	(pc) =	sbr.rel $0x88, $3  }
0x1: {  	(tag) =	ssettag $0x0;
	lr =	simm.s32 $0x1  }
0x2: {  	[smem:$0x3F89] =	sst lr;
	_ =	strace $0xD0000000  }
0x3: {  	_ = 	snop  }
0x4: {  	_ = 	snop  }
0x5: {  	_ = 	snop  }
0x6: {  	_ = 	snop  }
0x7: {  	_ = 	snop  }
__scs_overlays_trampoline_lowered:
0x8: {  	[smem:$0x3F98] =	sst s0  }
0x9: {  	[smem:$0x3F99] =	sst s1  }
0xa: {  	[smem:$0x3F9A] =	sst s2  }
0xb: {  	[smem:$0x3F9B] =	sst s3  }
0xc: {  	[smem:$0x3F9C] =	sst s4  }
0xd: {  	[smem:$0x3F9D] =	sst s5  }
0xe: {  	[smem:$0x3F9E] =	sst s6  }
0xf: {  	[smem:$0x3F9F] =	sst s7  }
0x10: {  	[smem:$0x3FA0] =	sst s8  }
0x11: {  	[smem:$0x3FA1] =	sst s9;
	s0 =	simm.s32 @!p0 $0x0  }
0x12: {  	s1 =	sld [smem:$0x3F87];
	s0 =	simm.s32 @p0 $0x1  }
0x13: {  	[smem:$0x3FA2] =	sst s0;
	s0 =	simm.s32 @!p1 $0x0  }
0x14: {  	s2 =	sld [smem:$0x3F86];
	s0 =	simm.s32 @p1 $0x1  }
0x15: {  	[smem:$0x3FA3] =	sst s0;
	s0 =	simm.s32 @!p2 $0x0  }
0x16: {  	s3 =	sld [smem:$0x3FDB];
	s0 =	simm.s32 @p2 $0x1  }
0x17: {  	s4 =	simm.s32 $0x1BF5;
	[smem:$0x3FA5] =	sst s0  }
0x18: {  	s0 =	sld [smem:$0x3F88];
	_ =	swait.ge [sflag:s4], $0x0  }
0x19: {  	s7 =	sld [smem:$0x3F89]  }
0x1a: {  	s8 =	sadd.s32 $0xFFFFE003, lr  }
0x1b: {  	s9 =	sadd.s32 $0xFFFFFEF7, lr;
	s5 =	simm.s32 $0xFFFFFFFF;
	p2 =	slt.u32 s8, $0xFFFFF086  }
0x1c: {  	p1 =	slt.u32 s9, $0xF7A;
	s5 =	simm.s32 @!p2 $0x0  }
0x1d: {  	s5 =	simm.s32 @p1 $0x1;
	p0 =	seq.s32 s7, s2  }
0x1e: {  	s7 =	smul.u32 @!p0 $0xF7A, s2;
	p2 =	seq.s32 @!p0 s5, $0x0  }
0x1f: {  	s9 =	smul.u32 $0xF7A, s1;
	s8 =	simm.s32 @!p0 $0x1BF5;
	p2 =	por !p2, p0  }
0x20: {  	[sflag:s8] =	ssyncset.s32 @!p0 $0xFFFFF086;
	s6 =	sadd.s32 @!p0 s3, s7;
	s7 =	simm.s32 @!p0 $0x108  }
0x21: {  	s3 =	sadd.s32 s3, s9;
	s6 =	sadd.s32 @!p0 $0x88, s6;
	s7 =	simm.s32 @p2 $0x1082  }
0x22: {  	[simem:s7], [sflag:s8] =	dma.local @!p0 [hbm:s6], $0xF7A  }
0x23: {  	s9 =	sor.u32 $0xD0000000, s2;
	s6 =	simm.s32 $0x108;
	_ =	swait.ge @!p0 [sflag:s8], $0x0  }
0x24: {  	s3 =	sadd.s32 $0x88, s3;
	s6 =	simm.s32 @!p1 $0x1082;
	[sflag:s4] =	ssyncset.s32 $0xFFFFF086  }
0x25: {  	[simem:s6], [sflag:s4] =	dma.local [hbm:s3], $0xF7A  }
0x26: {  	[smem:$0x3F89] =	sst s1;
	(tag) =	ssettag s2;
	_ =	strace s9  }
0x27: {  	s1 =	sld [smem:$0x3F99]  }
0x28: {  	s2 =	sld [smem:$0x3F9A]  }
0x29: {  	s4 =	sld [smem:$0x3F9C]  }
0x2a: {  	p0 =	seq.s32 s5, $0x0;
	s5 =	sld [smem:$0x3F9D]  }
0x2b: {  	s6 =	sld [smem:$0x3F9E]  }
0x2c: {  	s7 =	sld [smem:$0x3F9F]  }
0x2d: {  	s3 =	simm.s32 $0x108;
	s8 =	sld [smem:$0x3FA0]  }
0x2e: {  	s3 =	simm.s32 @!p0 $0x1082;
	s9 =	sld [smem:$0x3FA1]  }
0x2f: {  	lr =	sadd.s32 s0, s3;
	s0 =	sld [smem:$0x3F98]  }
0x30: {  	s3 =	sld [smem:$0x3F9B]  }
0x31: {  	[smem:$0x3FA4] =	sst s10  }
0x32: {  	s10 =	sld [smem:$0x3FA2];
	_ =	sdelay $0x3  }
0x33: {  	p0 =	seq.s32 s10, $0x1;
	s10 =	sld [smem:$0x3FA4];
	_ =	sdelay $0x3  }
0x34: {  	[smem:$0x3FA4] =	sst s10  }
0x35: {  	s10 =	sld [smem:$0x3FA3];
	_ =	sdelay $0x3  }
0x36: {  	p1 =	seq.s32 s10, $0x1;
	s10 =	sld [smem:$0x3FA4];
	_ =	sdelay $0x3  }
0x37: {  	[smem:$0x3FA4] =	sst s10  }
0x38: {  	s10 =	sld [smem:$0x3FA5]  }
0x39: {  	_ = 	snop;
	(pc) =	sbr.ind lr, $3  }
0x3a: {  	_ = 	snop  }
0x3b: {  	_ = 	snop  }
0x3c: {  	p2 =	seq.s32 s10, $0x1;
	s10 =	sld [smem:$0x3FA4]  }
0x3d: {  	_ =	shalt  }
0x3e: {  	_ =	shalt  }
0x3f: {  	_ =	shalt  }
0x40: {  	_ =	shalt  }
0x41: {  	_ =	shalt  }
0x42: {  	_ =	shalt  }
0x43: {  	_ =	shalt  }
0x44: {  	_ =	shalt  }
0x45: {  	_ =	shalt  }
0x46: {  	_ =	shalt  }
0x47: {  	_ =	shalt  }
0x48: {  	_ =	shalt  }
0x49: {  	_ =	shalt  }
0x4a: {  	_ =	shalt  }
0x4b: {  	_ =	shalt  }
0x4c: {  	_ =	shalt  }
0x4d: {  	_ =	shalt  }
0x4e: {  	_ =	shalt  }
0x4f: {  	_ =	shalt  }
0x50: {  	_ =	shalt  }
0x51: {  	_ =	shalt  }
0x52: {  	_ =	shalt  }
0x53: {  	_ =	shalt  }
0x54: {  	_ =	shalt  }
0x55: {  	_ =	shalt  }
0x56: {  	_ =	shalt  }
0x57: {  	_ =	shalt  }
0x58: {  	_ =	shalt  }
0x59: {  	_ =	shalt  }
0x5a: {  	_ =	shalt  }
0x5b: {  	_ =	shalt  }
0x5c: {  	_ =	shalt  }
0x5d: {  	_ =	shalt  }
0x5e: {  	_ =	shalt  }
0x5f: {  	_ =	shalt  }
0x60: {  	_ =	shalt  }
0x61: {  	_ =	shalt  }
0x62: {  	_ =	shalt  }
0x63: {  	_ =	shalt  }
0x64: {  	_ =	shalt  }
0x65: {  	_ =	shalt  }
0x66: {  	_ =	shalt  }
0x67: {  	_ =	shalt  }
0x68: {  	_ =	shalt  }
0x69: {  	_ =	shalt  }
0x6a: {  	_ =	shalt  }
0x6b: {  	_ =	shalt  }
0x6c: {  	_ =	shalt  }
0x6d: {  	_ =	shalt  }
0x6e: {  	_ =	shalt  }
0x6f: {  	_ =	shalt  }
0x70: {  	_ =	shalt  }
0x71: {  	_ =	shalt  }
0x72: {  	_ =	shalt  }
0x73: {  	_ =	shalt  }
0x74: {  	_ =	shalt  }
0x75: {  	_ =	shalt  }
0x76: {  	_ =	shalt  }
0x77: {  	_ =	shalt  }
0x78: {  	_ =	shalt  }
0x79: {  	_ =	shalt  }
0x7a: {  	_ =	shalt  }
0x7b: {  	_ =	shalt  }
0x7c: {  	_ =	shalt  }
0x7d: {  	_ =	shalt  }
0x7e: {  	_ =	shalt  }
0x7f: {  	_ =	shalt  }
0x80: {  	_ =	shalt  }
0x81: {  	_ =	shalt  }
0x82: {  	_ =	shalt  }
0x83: {  	_ =	shalt  }
0x84: {  	_ =	shalt  }
0x85: {  	_ =	shalt  }
0x86: {  	_ =	shalt  }
0x87: {  	_ =	shalt  }
.Lfunc_end0:
.L_simem_size_0:
called_computation.1_lowered:
.L_overlay_start_0:
0x88: {  	s2 =	sld [smem:$0x3FD9]  }
0x89: {  	s3 =	sld [smem:$0x3FFE];
	_ =	sdelay $0x1  }
0x8a: {  	s1 =	srdreg.scid  }
0x8b: {  	s0 =	sand.u32 $0x1, s1  }
0x8c: {  	s15 =	sshll.u32 s0, $0xA;
	s2 =	sadd.s32 s3, s2  }
0x8d: {  	s2 =	sadd.s32 s2, s15  }
0x8e: {  	[smem:$0x3FB0] =	sst s2  }
0x8f: {  	_ = 	snop  }
0x90: {  	s2 =	sld [smem:$0x3FD0];
	_ =	sdelay $0x2  }
0x91: {  	s16 =	simm.s32 $0xB;
	s4 =	simm.s32 $0x10  }
0x92: {  	[smem:s4], [sflag:s16] =	dma.local [hbm:s2], $0x1  }
0x93: {  	_ =	swait.eq [sflag:s16], $0x1  }
0x94: {  	[sflag:s16] =	ssyncset.done $0x0  }
0x95: {  	[sflag:s16] =	ssyncadd.s32 $0xFFFFFFFF  }
0x96: {  	s17 =	sld [smem:$0x12];
	(tm) =	ssettm $0x1  }
0x97: {  	s18 =	sld [smem:$0x3FFB];
	_ =	sdelay $0x3  }
0x98: {  	_ =	strace s18  }
0x99: {  	s2 =	sld [smem:$0x3FFC];
	_ =	sdelay $0x3  }
0x9a: {  	_ =	strace s2  }
0x9b: {  	s2 =	sld [smem:$0x3FFD];
	_ =	sdelay $0x3  }
0x9c: {  	_ =	strace s2  }
0x9d: {  	_ =	strace $0x8FFFFFFF  }
0x9e: {  	s19 =	sld [smem:$0x3FDB];
	_ =	sdelay $0x1  }
0x9f: {  	s20 =	simm.s32 $_scs_section_size  }
0xa0: {  	s5 =	simm.s32 $_size__tile_overlayer_lowered;
	s6 =	simm.s32 $_tile_overlayer_lowered  }
0xa1: {  	s7 =	simm.s32 $0x1BFF;
	s21 =	sshll.u32 s6, $0x1;
	s4 =	sadd.s32 s20, s19  }
0xa2: {  	s22 =	simm.s32 $0x0;
	s5 =	sshll.u32 s5, $0x1;
	s6 =	sadd.s32 s21, s4  }
0xa3: {  	[timem:s22], [sflag:s7] =	dma.local [hbm:s6], s5  }
0xa4: {  	_ =	swait.ge [sflag:s7], s5  }
0xa5: {  	s5 =	ssub.s32 $0x0, s5;
	[sflag:s7] =	ssyncset.done $0x0  }
0xa6: {  	[sflag:s7] =	ssyncadd.s32 s5;
	_ =	sdelay $0x1  }
0xa7: {  	s23 =	simm.s32 $0x1B8B  }
0xa8: {  	_ =	swait.ge [sflag:s23], $0x1  }
0xa9: {  	[sflag:s23] =	ssyncset.done $0x0  }
0xaa: {  	[sflag:s23] =	ssyncadd.s32 $0xFFFFFFFF  }
0xab: {  	s5 =	sld [smem:$0x0]  }
0xac: {  	s6 =	sand.u32 $0xFFFFFFFE, s1  }
0xad: {  	p0 =	sne.s32 s1, s6  }
0xae: {  	s6 =	sshll.u32 @p0 s6, $0xE  }
0xaf: {  	s6 =	sadd.s32 @p0 $0x11B8D, s6;
	s7 =	sshll.u32 @p0 s5, $0x11  }
0xb0: {  	s6 =	sor.u32 @p0 s7, s6  }
0xb1: {  	[sflag:s6] =	ssyncadd.remote.s32 @p0 $0x1;
	_ =	sdelay $0x1  }
0xb2: {  	s6 =	simm.s32 @p0 $0x1B8D  }
0xb3: {  	_ =	swait.eq @p0 [sflag:s6], $0x1  }
0xb4: {  	[sflag:s6] =	ssyncadd.s32 @p0 $0xFFFFFFFF  }
0xb5: {  	s7 =	sshll.u32 @!p0 s1, $0xE  }
0xb6: {  	s7 =	sor.u32 @!p0 $0x4000, s7;
	s6 =	simm.s32 @!p0 $0x1B8D  }
0xb7: {  	s8 =	sshll.u32 @!p0 s5, $0x11;
	s7 =	sadd.s32 @!p0 $0x11B8D, s7;
	_ =	swait.eq @!p0 [sflag:s6], $0x1  }
0xb8: {  	[sflag:s6] =	ssyncadd.s32 @!p0 $0xFFFFFFFF;
	s6 =	sor.u32 @!p0 s8, s7  }
0xb9: {  	s25 =	simm.s32 $0x1B8E;
	s24 =	sld [smem:$0x3FFE];
	[sflag:s6] =	ssyncadd.remote.s32 @!p0 $0x1  }
0xba: {  	s26 =	simm.s32 $execute0_lowered;
	[smem:$0x3FD2] =	sst s25  }
0xbb: {  	s7 =	sshll.u32 s26, $0x1;
	_ =	strace $0x80000049;
	[dreg:$0x1] =	wrdreg $0xFFFFFFFF  }
0xbc: {  	s28 =	simm.s32 $_size_execute0_lowered;
	s4 =	sadd.s32 s4, s7;
	[dreg:$0x0] =	wrdreg $0x0  }
0xbd: {  	s7 =	sshll.u32 s28, $0x1;
	[dreg:$0x2] =	wrdreg s4  }
0xbe: {  	[dreg:$0x3] =	wrdreg s7  }
0xbf: {  	[dreg:$0x4] =	wrdreg $0xC0  }
0xc0: {  	_ =	task [dreg:s22], $0x5FFFF  }
0xc1: {  	[dreg:$0x1] =	wrdreg $0xFFFFFFFF  }
0xc2: {  	[dreg:$0x0] =	wrdreg $0x60  }
0xc3: {  	[dreg:$0x2] =	wrdreg s24  }
0xc4: {  	[dreg:$0x3] =	wrdreg s17  }
0xc5: {  	[dreg:$0x4] =	wrdreg s1  }
0xc6: {  	[dreg:$0x5] =	wrdreg s5  }
0xc7: {  	[dreg:$0x6] =	wrdreg $0xA  }
0xc8: {  	_ =	task.clear_ibuf [dreg:s22], $0x7FFFF;
	_ =	strace $0x90000049  }
0xc9: {  	s29 =	simm.s32 $0xA;
	_ =	strace $0x8000004B  }
0xca: {  	_ =	swait.ge [sflag:s29], $0x1  }
0xcb: {  	[sflag:s29] =	ssyncadd.s32 $0xFFFFFFFF  }
0xcc: {  	_ =	strace $0x9000004B  }
0xcd: {  	_ =	sfence  }
0xce: {  	s30 =	sld [smem:$0x0];
	_ =	sdelay $0x2  }
0xcf: {  	s31 =	sshll.u32 s1, $0xD;
	s1 =	sshrl.u32 s1, $0x2  }
0xd0: {  	s4 =	sand.u32 $0x4000, s31;
	s1 =	sadd.s32 s1, s30  }
0xd1: {  	s0 =	sor.u32 s4, s0;
	s1 =	sshll.u32 s1, $0x11  }
0xd2: {  	s0 =	sor.u32 s1, s0  }
0xd3: {  	s0 =	sadd.s32 $0x8F2B, s0  }
0xd4: {  	[sflag:s0] =	ssyncadd.remote.s32 $0x1  }
0xd5: {  	_ =	sfence.sel $0xFFFF  }
0xd6: {  	[dreg:$0x0] =	wrdreg $0xFFFFFFFF;
	(pc) =	sbr.abs _section_cstart, $3  }
0xd7: {  	[dreg:$0x1] =	wrdreg $0xFFFFFFFF  }
0xd8: {  	_ =	task.clear_ibuf [dreg:s22], $0x2FFFF;
	_ =	strace $0x9FFFFFFF  }
0xd9: {  	(tm) =	ssettm $0x7FFFFFFF  }
tec
execute0_lowered:
.L_overlay_start_1:
0x0: {  	(tag) =	ssettag $0x1  }
0x1: {  	s11 =	rddreg [dreg:$0x0]  }
0x2: {  	s13 =	rddreg [dreg:$0x1]  }
0x3: {  	s2 =	rddreg [dreg:$0x2];
	_ =	strace $0x8000004A;
	s12 =	simm.s32 $0x1  }
0x4: {  	v0 =	vimm.s32 $0x0;
	[sflag:s12] =	ssyncpa.u1 $0x0  }
0x5: {  	[tilespmem:$0x28] =	vst v0  }
0x6: {  	[tilespmem:$0x38] =	vst v0  }
0x7: {  	[tilespmem:$0x48] =	vst v0  }
0x8: {  	[tilespmem:$0x58] =	vst v0  }
0x9: {  	[tilespmem:$0x68] =	vst v0  }
0xa: {  	[tilespmem:$0x78] =	vst v0  }
0xb: {  	[tilespmem:$0x88] =	vst v0  }
0xc: {  	[tilespmem:$0x98] =	vst v0  }
0xd: {  	[tilespmem:$0xA8] =	vst v0  }
0xe: {  	[tilespmem:$0xB8] =	vst v0  }
0xf: {  	[tilespmem:$0xC8] =	vst v0  }
0x10: {  	[tilespmem:$0xD8] =	vst v0  }
0x11: {  	[tilespmem:$0xE8] =	vst v0  }
0x12: {  	[tilespmem:$0xF8] =	vst v0  }
0x13: {  	[tilespmem:$0x108] =	vst v0  }
0x14: {  	[tilespmem:$0x118] =	vst v0  }
0x15: {  	[tilespmem:$0x128] =	vst v0  }
0x16: {  	[tilespmem:$0x138] =	vst v0  }
0x17: {  	[tilespmem:$0x148] =	vst v0  }
0x18: {  	[tilespmem:$0x158] =	vst v0  }
0x19: {  	[tilespmem:$0x168] =	vst v0  }
0x1a: {  	[tilespmem:$0x178] =	vst v0  }
0x1b: {  	[tilespmem:$0x188] =	vst v0  }
0x1c: {  	[tilespmem:$0x198] =	vst v0  }
0x1d: {  	[tilespmem:$0x1A8] =	vst v0  }
0x1e: {  	[tilespmem:$0x1B8] =	vst v0  }
0x1f: {  	[tilespmem:$0x1C8] =	vst v0  }
0x20: {  	[tilespmem:$0x1D8] =	vst v0  }
0x21: {  	[tilespmem:$0x1E8] =	vst v0  }
0x22: {  	[tilespmem:$0x1F8] =	vst v0  }
0x23: {  	[tilespmem:$0x208] =	vst v0  }
0x24: {  	[tilespmem:$0x218] =	vst v0  }
0x25: {  	[tilespmem:$0x228] =	vst v0  }
0x26: {  	[tilespmem:$0x238] =	vst v0  }
0x27: {  	[tilespmem:$0x248] =	vst v0  }
0x28: {  	[tilespmem:$0x258] =	vst v0  }
0x29: {  	[tilespmem:$0x268] =	vst v0  }
0x2a: {  	[tilespmem:$0x278] =	vst v0  }
0x2b: {  	[tilespmem:$0x288] =	vst v0  }
0x2c: {  	[tilespmem:$0x298] =	vst v0  }
0x2d: {  	[tilespmem:$0x2A8] =	vst v0  }
0x2e: {  	[tilespmem:$0x2B8] =	vst v0  }
0x2f: {  	[tilespmem:$0x2C8] =	vst v0  }
0x30: {  	[tilespmem:$0x2D8] =	vst v0  }
0x31: {  	[tilespmem:$0x2E8] =	vst v0  }
0x32: {  	[tilespmem:$0x2F8] =	vst v0  }
0x33: {  	[tilespmem:$0x308] =	vst v0  }
0x34: {  	[tilespmem:$0x318] =	vst v0  }
0x35: {  	[tilespmem:$0x328] =	vst v0  }
0x36: {  	[tilespmem:$0x338] =	vst v0  }
0x37: {  	[tilespmem:$0x348] =	vst v0  }
0x38: {  	[tilespmem:$0x358] =	vst v0  }
0x39: {  	[tilespmem:$0x368] =	vst v0  }
0x3a: {  	[tilespmem:$0x378] =	vst v0  }
0x3b: {  	[tilespmem:$0x388] =	vst v0  }
0x3c: {  	[tilespmem:$0x398] =	vst v0  }
0x3d: {  	[tilespmem:$0x3A8] =	vst v0  }
0x3e: {  	[tilespmem:$0x3B8] =	vst v0  }
0x3f: {  	[tilespmem:$0x3C8] =	vst v0  }
0x40: {  	[tilespmem:$0x3D8] =	vst v0  }
0x41: {  	[tilespmem:$0x3E8] =	vst v0  }
0x42: {  	[tilespmem:$0x3F8] =	vst v0  }
0x43: {  	[tilespmem:$0x408] =	vst v0  }
0x44: {  	[tilespmem:$0x418] =	vst v0  }
0x45: {  	[tilespmem:$0x428] =	vst v0  }
0x46: {  	[tilespmem:$0x438] =	vst v0  }
0x47: {  	[tilespmem:$0x448] =	vst v0  }
0x48: {  	[tilespmem:$0x458] =	vst v0  }
0x49: {  	[tilespmem:$0x468] =	vst v0  }
0x4a: {  	[tilespmem:$0x478] =	vst v0  }
0x4b: {  	[tilespmem:$0x488] =	vst v0  }
0x4c: {  	[tilespmem:$0x498] =	vst v0  }
0x4d: {  	[tilespmem:$0x4A8] =	vst v0  }
0x4e: {  	[tilespmem:$0x4B8] =	vst v0  }
0x4f: {  	[tilespmem:$0x4C8] =	vst v0  }
0x50: {  	[tilespmem:$0x4D8] =	vst v0  }
0x51: {  	[tilespmem:$0x4E8] =	vst v0  }
0x52: {  	[tilespmem:$0x4F8] =	vst v0  }
0x53: {  	[tilespmem:$0x508] =	vst v0  }
0x54: {  	[tilespmem:$0x518] =	vst v0  }
0x55: {  	[tilespmem:$0x528] =	vst v0  }
0x56: {  	[tilespmem:$0x538] =	vst v0  }
0x57: {  	[tilespmem:$0x548] =	vst v0  }
0x58: {  	[tilespmem:$0x558] =	vst v0  }
0x59: {  	[tilespmem:$0x568] =	vst v0  }
0x5a: {  	[tilespmem:$0x578] =	vst v0  }
0x5b: {  	[tilespmem:$0x588] =	vst v0  }
0x5c: {  	[tilespmem:$0x598] =	vst v0  }
0x5d: {  	[tilespmem:$0x5A8] =	vst v0  }
0x5e: {  	[tilespmem:$0x5B8] =	vst v0  }
0x5f: {  	[tilespmem:$0x5C8] =	vst v0  }
0x60: {  	[tilespmem:$0x5D8] =	vst v0  }
0x61: {  	[tilespmem:$0x5E8] =	vst v0  }
0x62: {  	[tilespmem:$0x5F8] =	vst v0  }
0x63: {  	[tilespmem:$0x608] =	vst v0  }
0x64: {  	[tilespmem:$0x618] =	vst v0  }
0x65: {  	[tilespmem:$0x628] =	vst v0  }
0x66: {  	[tilespmem:$0x638] =	vst v0  }
0x67: {  	[tilespmem:$0x648] =	vst v0  }
0x68: {  	[tilespmem:$0x658] =	vst v0  }
0x69: {  	[tilespmem:$0x668] =	vst v0  }
0x6a: {  	[tilespmem:$0x678] =	vst v0  }
0x6b: {  	[tilespmem:$0x688] =	vst v0  }
0x6c: {  	[tilespmem:$0x698] =	vst v0  }
0x6d: {  	[tilespmem:$0x6A8] =	vst v0  }
0x6e: {  	[tilespmem:$0x6B8] =	vst v0  }
0x6f: {  	[tilespmem:$0x6C8] =	vst v0  }
0x70: {  	[tilespmem:$0x6D8] =	vst v0  }
0x71: {  	[tilespmem:$0x6E8] =	vst v0  }
0x72: {  	[tilespmem:$0x6F8] =	vst v0  }
0x73: {  	[tilespmem:$0x708] =	vst v0  }
0x74: {  	[tilespmem:$0x718] =	vst v0  }
0x75: {  	[tilespmem:$0x728] =	vst v0  }
0x76: {  	[tilespmem:$0x738] =	vst v0  }
0x77: {  	[tilespmem:$0x748] =	vst v0  }
0x78: {  	[tilespmem:$0x758] =	vst v0  }
0x79: {  	[tilespmem:$0x768] =	vst v0  }
0x7a: {  	[tilespmem:$0x778] =	vst v0  }
0x7b: {  	[tilespmem:$0x788] =	vst v0  }
0x7c: {  	[tilespmem:$0x798] =	vst v0  }
0x7d: {  	[tilespmem:$0x7A8] =	vst v0  }
0x7e: {  	[tilespmem:$0x7B8] =	vst v0  }
0x7f: {  	[tilespmem:$0x7C8] =	vst v0  }
0x80: {  	[tilespmem:$0x7D8] =	vst v0  }
0x81: {  	[tilespmem:$0x7E8] =	vst v0  }
0x82: {  	[tilespmem:$0x7F8] =	vst v0  }
0x83: {  	[tilespmem:$0x808] =	vst v0  }
0x84: {  	[tilespmem:$0x818] =	vst v0  }
0x85: {  	[tilespmem:$0x828] =	vst v0  }
0x86: {  	[tilespmem:$0x838] =	vst v0  }
0x87: {  	[tilespmem:$0x848] =	vst v0  }
0x88: {  	[tilespmem:$0x858] =	vst v0  }
0x89: {  	[tilespmem:$0x868] =	vst v0  }
0x8a: {  	[tilespmem:$0x878] =	vst v0  }
0x8b: {  	[tilespmem:$0x888] =	vst v0  }
0x8c: {  	[tilespmem:$0x898] =	vst v0  }
0x8d: {  	[tilespmem:$0x8A8] =	vst v0  }
0x8e: {  	[tilespmem:$0x8B8] =	vst v0  }
0x8f: {  	[tilespmem:$0x8C8] =	vst v0  }
0x90: {  	[tilespmem:$0x8D8] =	vst v0  }
0x91: {  	[tilespmem:$0x8E8] =	vst v0  }
0x92: {  	[tilespmem:$0x8F8] =	vst v0  }
0x93: {  	[tilespmem:$0x908] =	vst v0  }
0x94: {  	[tilespmem:$0x918] =	vst v0  }
0x95: {  	[tilespmem:$0x928] =	vst v0  }
0x96: {  	[tilespmem:$0x938] =	vst v0  }
0x97: {  	[tilespmem:$0x948] =	vst v0  }
0x98: {  	[tilespmem:$0x958] =	vst v0  }
0x99: {  	[tilespmem:$0x968] =	vst v0  }
0x9a: {  	[tilespmem:$0x978] =	vst v0  }
0x9b: {  	[tilespmem:$0x988] =	vst v0  }
0x9c: {  	[tilespmem:$0x998] =	vst v0  }
0x9d: {  	[tilespmem:$0x9A8] =	vst v0  }
0x9e: {  	[tilespmem:$0x9B8] =	vst v0  }
0x9f: {  	[tilespmem:$0x9C8] =	vst v0  }
0xa0: {  	[tilespmem:$0x9D8] =	vst v0  }
0xa1: {  	[tilespmem:$0x9E8] =	vst v0  }
0xa2: {  	[tilespmem:$0x9F8] =	vst v0  }
0xa3: {  	[tilespmem:$0xA08] =	vst v0  }
0xa4: {  	[tilespmem:$0xA18] =	vst v0  }
0xa5: {  	[tilespmem:$0xA28] =	vst v0  }
0xa6: {  	[tilespmem:$0xA38] =	vst v0  }
0xa7: {  	[tilespmem:$0xA48] =	vst v0  }
0xa8: {  	[tilespmem:$0xA58] =	vst v0  }
0xa9: {  	[tilespmem:$0xA68] =	vst v0  }
0xaa: {  	[tilespmem:$0xA78] =	vst v0  }
0xab: {  	[tilespmem:$0xA88] =	vst v0  }
0xac: {  	[tilespmem:$0xA98] =	vst v0  }
0xad: {  	[tilespmem:$0xAA8] =	vst v0  }
0xae: {  	[tilespmem:$0xAB8] =	vst v0  }
0xaf: {  	[tilespmem:$0xAC8] =	vst v0  }
0xb0: {  	[tilespmem:$0xAD8] =	vst v0  }
0xb1: {  	[tilespmem:$0xAE8] =	vst v0  }
0xb2: {  	[tilespmem:$0xAF8] =	vst v0  }
0xb3: {  	[tilespmem:$0xB08] =	vst v0  }
0xb4: {  	[tilespmem:$0xB18] =	vst v0  }
0xb5: {  	[tilespmem:$0xB28] =	vst v0  }
0xb6: {  	[tilespmem:$0xB38] =	vst v0  }
0xb7: {  	[tilespmem:$0xB48] =	vst v0  }
0xb8: {  	[tilespmem:$0xB58] =	vst v0  }
0xb9: {  	[tilespmem:$0xB68] =	vst v0  }
0xba: {  	[tilespmem:$0xB78] =	vst v0  }
0xbb: {  	[tilespmem:$0xB88] =	vst v0  }
0xbc: {  	[tilespmem:$0xB98] =	vst v0  }
0xbd: {  	[tilespmem:$0xBA8] =	vst v0  }
0xbe: {  	[tilespmem:$0xBB8] =	vst v0  }
0xbf: {  	[tilespmem:$0xBC8] =	vst v0  }
0xc0: {  	[tilespmem:$0xBD8] =	vst v0  }
0xc1: {  	[tilespmem:$0xBE8] =	vst v0  }
0xc2: {  	[tilespmem:$0xBF8] =	vst v0  }
0xc3: {  	[tilespmem:$0xC08] =	vst v0  }
0xc4: {  	[tilespmem:$0xC18] =	vst v0  }
0xc5: {  	[tilespmem:$0xC28] =	vst v0  }
0xc6: {  	[tilespmem:$0xC38] =	vst v0  }
0xc7: {  	[tilespmem:$0xC48] =	vst v0  }
0xc8: {  	[tilespmem:$0xC58] =	vst v0  }
0xc9: {  	[tilespmem:$0xC68] =	vst v0  }
0xca: {  	[tilespmem:$0xC78] =	vst v0  }
0xcb: {  	[tilespmem:$0xC88] =	vst v0  }
0xcc: {  	[tilespmem:$0xC98] =	vst v0  }
0xcd: {  	[tilespmem:$0xCA8] =	vst v0  }
0xce: {  	[tilespmem:$0xCB8] =	vst v0  }
0xcf: {  	[tilespmem:$0xCC8] =	vst v0  }
0xd0: {  	[tilespmem:$0xCD8] =	vst v0  }
0xd1: {  	[tilespmem:$0xCE8] =	vst v0  }
0xd2: {  	[tilespmem:$0xCF8] =	vst v0  }
0xd3: {  	[tilespmem:$0xD08] =	vst v0  }
0xd4: {  	[tilespmem:$0xD18] =	vst v0  }
0xd5: {  	[tilespmem:$0xD28] =	vst v0  }
0xd6: {  	[tilespmem:$0xD38] =	vst v0  }
0xd7: {  	[tilespmem:$0xD48] =	vst v0  }
0xd8: {  	[tilespmem:$0xD58] =	vst v0  }
0xd9: {  	[tilespmem:$0xD68] =	vst v0  }
0xda: {  	[tilespmem:$0xD78] =	vst v0  }
0xdb: {  	[tilespmem:$0xD88] =	vst v0  }
0xdc: {  	[tilespmem:$0xD98] =	vst v0  }
0xdd: {  	[tilespmem:$0xDA8] =	vst v0  }
0xde: {  	[tilespmem:$0xDB8] =	vst v0  }
0xdf: {  	[tilespmem:$0xDC8] =	vst v0  }
0xe0: {  	[tilespmem:$0xDD8] =	vst v0  }
0xe1: {  	[tilespmem:$0xDE8] =	vst v0  }
0xe2: {  	[tilespmem:$0xDF8] =	vst v0  }
0xe3: {  	[tilespmem:$0xE08] =	vst v0  }
0xe4: {  	[tilespmem:$0xE18] =	vst v0  }
0xe5: {  	[tilespmem:$0xE28] =	vst v0  }
0xe6: {  	[tilespmem:$0xE38] =	vst v0  }
0xe7: {  	[tilespmem:$0xE48] =	vst v0  }
0xe8: {  	[tilespmem:$0xE58] =	vst v0  }
0xe9: {  	[tilespmem:$0xE68] =	vst v0  }
0xea: {  	[tilespmem:$0xE78] =	vst v0  }
0xeb: {  	[tilespmem:$0xE88] =	vst v0  }
0xec: {  	[tilespmem:$0xE98] =	vst v0  }
0xed: {  	[tilespmem:$0xEA8] =	vst v0  }
0xee: {  	[tilespmem:$0xEB8] =	vst v0  }
0xef: {  	[tilespmem:$0xEC8] =	vst v0  }
0xf0: {  	[tilespmem:$0xED8] =	vst v0  }
0xf1: {  	[tilespmem:$0xEE8] =	vst v0  }
0xf2: {  	[tilespmem:$0xEF8] =	vst v0  }
0xf3: {  	[tilespmem:$0xF08] =	vst v0  }
0xf4: {  	[tilespmem:$0xF18] =	vst v0  }
0xf5: {  	[tilespmem:$0xF28] =	vst v0  }
0xf6: {  	[tilespmem:$0xF38] =	vst v0  }
0xf7: {  	[tilespmem:$0xF48] =	vst v0  }
0xf8: {  	[tilespmem:$0xF58] =	vst v0  }
0xf9: {  	[tilespmem:$0xF68] =	vst v0  }
0xfa: {  	[tilespmem:$0xF78] =	vst v0  }
0xfb: {  	[tilespmem:$0xF88] =	vst v0  }
0xfc: {  	[tilespmem:$0xF98] =	vst v0  }
0xfd: {  	[tilespmem:$0xFA8] =	vst v0  }
0xfe: {  	[tilespmem:$0xFB8] =	vst v0  }
0xff: {  	[tilespmem:$0xFC8] =	vst v0  }
0x100: {  	[tilespmem:$0xFD8] =	vst v0  }
0x101: {  	[tilespmem:$0xFE8] =	vst v0  }
0x102: {  	[tilespmem:$0xFF8] =	vst v0  }
0x103: {  	[tilespmem:$0x1028] =	vst v0  }
0x104: {  	[tilespmem:$0x10E8] =	vst v0  }
0x105: {  	[tilespmem:$0x1068] =	vst v0  }
0x106: {  	[tilespmem:$0x1B28] =	vst v0  }
0x107: {  	[tilespmem:$0x1B18] =	vst v0  }
0x108: {  	[tilespmem:$0x1B08] =	vst v0  }
0x109: {  	[tilespmem:$0x1AF8] =	vst v0  }
0x10a: {  	[tilespmem:$0x1AE8] =	vst v0  }
0x10b: {  	[tilespmem:$0x1AD8] =	vst v0  }
0x10c: {  	[tilespmem:$0x1AC8] =	vst v0  }
0x10d: {  	[tilespmem:$0x1AB8] =	vst v0  }
0x10e: {  	[tilespmem:$0x1AA8] =	vst v0  }
0x10f: {  	[tilespmem:$0x1A98] =	vst v0  }
0x110: {  	[tilespmem:$0x1A88] =	vst v0  }
0x111: {  	[tilespmem:$0x1A78] =	vst v0  }
0x112: {  	[tilespmem:$0x1A68] =	vst v0  }
0x113: {  	[tilespmem:$0x1A58] =	vst v0  }
0x114: {  	[tilespmem:$0x1A48] =	vst v0  }
0x115: {  	[tilespmem:$0x1A38] =	vst v0  }
0x116: {  	[tilespmem:$0x1A28] =	vst v0  }
0x117: {  	[tilespmem:$0x1A18] =	vst v0  }
0x118: {  	[tilespmem:$0x1A08] =	vst v0  }
0x119: {  	[tilespmem:$0x19F8] =	vst v0  }
0x11a: {  	[tilespmem:$0x19E8] =	vst v0  }
0x11b: {  	[tilespmem:$0x19D8] =	vst v0  }
0x11c: {  	[tilespmem:$0x19C8] =	vst v0  }
0x11d: {  	[tilespmem:$0x19B8] =	vst v0  }
0x11e: {  	[tilespmem:$0x19A8] =	vst v0  }
0x11f: {  	[tilespmem:$0x1998] =	vst v0  }
0x120: {  	[tilespmem:$0x1988] =	vst v0  }
0x121: {  	[tilespmem:$0x1978] =	vst v0  }
0x122: {  	[tilespmem:$0x1968] =	vst v0  }
0x123: {  	[tilespmem:$0x1958] =	vst v0  }
0x124: {  	[tilespmem:$0x1948] =	vst v0  }
0x125: {  	[tilespmem:$0x1938] =	vst v0  }
0x126: {  	[tilespmem:$0x1928] =	vst v0  }
0x127: {  	[tilespmem:$0x1918] =	vst v0  }
0x128: {  	[tilespmem:$0x1908] =	vst v0  }
0x129: {  	[tilespmem:$0x18F8] =	vst v0  }
0x12a: {  	[tilespmem:$0x18E8] =	vst v0  }
0x12b: {  	[tilespmem:$0x18D8] =	vst v0  }
0x12c: {  	[tilespmem:$0x18C8] =	vst v0  }
0x12d: {  	[tilespmem:$0x18B8] =	vst v0  }
0x12e: {  	[tilespmem:$0x18A8] =	vst v0  }
0x12f: {  	[tilespmem:$0x1898] =	vst v0  }
0x130: {  	[tilespmem:$0x1888] =	vst v0  }
0x131: {  	[tilespmem:$0x1878] =	vst v0  }
0x132: {  	[tilespmem:$0x1868] =	vst v0  }
0x133: {  	[tilespmem:$0x1858] =	vst v0  }
0x134: {  	[tilespmem:$0x1848] =	vst v0  }
0x135: {  	[tilespmem:$0x1838] =	vst v0  }
0x136: {  	[tilespmem:$0x1828] =	vst v0  }
0x137: {  	[tilespmem:$0x1818] =	vst v0  }
0x138: {  	[tilespmem:$0x1808] =	vst v0  }
0x139: {  	[tilespmem:$0x17F8] =	vst v0  }
0x13a: {  	[tilespmem:$0x17E8] =	vst v0  }
0x13b: {  	[tilespmem:$0x17D8] =	vst v0  }
0x13c: {  	[tilespmem:$0x17C8] =	vst v0  }
0x13d: {  	[tilespmem:$0x17B8] =	vst v0  }
0x13e: {  	[tilespmem:$0x17A8] =	vst v0  }
0x13f: {  	[tilespmem:$0x1798] =	vst v0  }
0x140: {  	[tilespmem:$0x1788] =	vst v0  }
0x141: {  	[tilespmem:$0x1778] =	vst v0  }
0x142: {  	[tilespmem:$0x1768] =	vst v0  }
0x143: {  	[tilespmem:$0x1758] =	vst v0  }
0x144: {  	[tilespmem:$0x1748] =	vst v0  }
0x145: {  	[tilespmem:$0x1738] =	vst v0  }
0x146: {  	[tilespmem:$0x1728] =	vst v0  }
0x147: {  	[tilespmem:$0x1718] =	vst v0  }
0x148: {  	[tilespmem:$0x1708] =	vst v0  }
0x149: {  	[tilespmem:$0x16F8] =	vst v0  }
0x14a: {  	[tilespmem:$0x16E8] =	vst v0  }
0x14b: {  	[tilespmem:$0x16D8] =	vst v0  }
0x14c: {  	[tilespmem:$0x16C8] =	vst v0  }
0x14d: {  	[tilespmem:$0x16B8] =	vst v0  }
0x14e: {  	[tilespmem:$0x16A8] =	vst v0  }
0x14f: {  	[tilespmem:$0x1698] =	vst v0  }
0x150: {  	[tilespmem:$0x1688] =	vst v0  }
0x151: {  	[tilespmem:$0x1678] =	vst v0  }
0x152: {  	[tilespmem:$0x1668] =	vst v0  }
0x153: {  	[tilespmem:$0x1658] =	vst v0  }
0x154: {  	[tilespmem:$0x1648] =	vst v0  }
0x155: {  	[tilespmem:$0x1638] =	vst v0  }
0x156: {  	[tilespmem:$0x1628] =	vst v0  }
0x157: {  	[tilespmem:$0x1618] =	vst v0  }
0x158: {  	[tilespmem:$0x1608] =	vst v0  }
0x159: {  	[tilespmem:$0x15F8] =	vst v0  }
0x15a: {  	[tilespmem:$0x15E8] =	vst v0  }
0x15b: {  	[tilespmem:$0x15D8] =	vst v0  }
0x15c: {  	[tilespmem:$0x15C8] =	vst v0  }
0x15d: {  	[tilespmem:$0x15B8] =	vst v0  }
0x15e: {  	[tilespmem:$0x15A8] =	vst v0  }
0x15f: {  	[tilespmem:$0x1598] =	vst v0  }
0x160: {  	[tilespmem:$0x1588] =	vst v0  }
0x161: {  	[tilespmem:$0x1578] =	vst v0  }
0x162: {  	[tilespmem:$0x1568] =	vst v0  }
0x163: {  	[tilespmem:$0x1558] =	vst v0  }
0x164: {  	[tilespmem:$0x1548] =	vst v0  }
0x165: {  	[tilespmem:$0x1538] =	vst v0  }
0x166: {  	[tilespmem:$0x1528] =	vst v0  }
0x167: {  	[tilespmem:$0x1518] =	vst v0  }
0x168: {  	[tilespmem:$0x1508] =	vst v0  }
0x169: {  	[tilespmem:$0x14F8] =	vst v0  }
0x16a: {  	[tilespmem:$0x14E8] =	vst v0  }
0x16b: {  	[tilespmem:$0x14D8] =	vst v0  }
0x16c: {  	[tilespmem:$0x14C8] =	vst v0  }
0x16d: {  	[tilespmem:$0x14B8] =	vst v0  }
0x16e: {  	[tilespmem:$0x14A8] =	vst v0  }
0x16f: {  	[tilespmem:$0x1498] =	vst v0  }
0x170: {  	[tilespmem:$0x1488] =	vst v0  }
0x171: {  	[tilespmem:$0x1478] =	vst v0  }
0x172: {  	[tilespmem:$0x1468] =	vst v0  }
0x173: {  	[tilespmem:$0x1458] =	vst v0  }
0x174: {  	[tilespmem:$0x1448] =	vst v0  }
0x175: {  	[tilespmem:$0x1438] =	vst v0  }
0x176: {  	[tilespmem:$0x1428] =	vst v0  }
0x177: {  	[tilespmem:$0x1418] =	vst v0  }
0x178: {  	[tilespmem:$0x1408] =	vst v0  }
0x179: {  	[tilespmem:$0x13F8] =	vst v0  }
0x17a: {  	[tilespmem:$0x13E8] =	vst v0  }
0x17b: {  	[tilespmem:$0x13D8] =	vst v0  }
0x17c: {  	[tilespmem:$0x13C8] =	vst v0  }
0x17d: {  	[tilespmem:$0x13B8] =	vst v0  }
0x17e: {  	[tilespmem:$0x13A8] =	vst v0  }
0x17f: {  	[tilespmem:$0x1398] =	vst v0  }
0x180: {  	[tilespmem:$0x1388] =	vst v0  }
0x181: {  	[tilespmem:$0x1378] =	vst v0  }
0x182: {  	[tilespmem:$0x1368] =	vst v0  }
0x183: {  	[tilespmem:$0x1358] =	vst v0  }
0x184: {  	[tilespmem:$0x1348] =	vst v0  }
0x185: {  	[tilespmem:$0x1338] =	vst v0  }
0x186: {  	[tilespmem:$0x1328] =	vst v0  }
0x187: {  	[tilespmem:$0x1318] =	vst v0  }
0x188: {  	[tilespmem:$0x1308] =	vst v0  }
0x189: {  	[tilespmem:$0x12F8] =	vst v0  }
0x18a: {  	[tilespmem:$0x12E8] =	vst v0  }
0x18b: {  	[tilespmem:$0x12D8] =	vst v0  }
0x18c: {  	[tilespmem:$0x12C8] =	vst v0  }
0x18d: {  	[tilespmem:$0x12B8] =	vst v0  }
0x18e: {  	[tilespmem:$0x12A8] =	vst v0  }
0x18f: {  	[tilespmem:$0x1298] =	vst v0  }
0x190: {  	[tilespmem:$0x1288] =	vst v0  }
0x191: {  	[tilespmem:$0x1278] =	vst v0  }
0x192: {  	[tilespmem:$0x1268] =	vst v0  }
0x193: {  	[tilespmem:$0x1258] =	vst v0  }
0x194: {  	[tilespmem:$0x1248] =	vst v0  }
0x195: {  	[tilespmem:$0x1238] =	vst v0  }
0x196: {  	[tilespmem:$0x1228] =	vst v0  }
0x197: {  	[tilespmem:$0x1218] =	vst v0  }
0x198: {  	[tilespmem:$0x1208] =	vst v0  }
0x199: {  	[tilespmem:$0x11F8] =	vst v0  }
0x19a: {  	[tilespmem:$0x11E8] =	vst v0  }
0x19b: {  	[tilespmem:$0x11D8] =	vst v0  }
0x19c: {  	[tilespmem:$0x11C8] =	vst v0  }
0x19d: {  	[tilespmem:$0x11B8] =	vst v0  }
0x19e: {  	[tilespmem:$0x11A8] =	vst v0  }
0x19f: {  	[tilespmem:$0x1198] =	vst v0  }
0x1a0: {  	[tilespmem:$0x1188] =	vst v0  }
0x1a1: {  	[tilespmem:$0x1178] =	vst v0  }
0x1a2: {  	[tilespmem:$0x1168] =	vst v0  }
0x1a3: {  	[tilespmem:$0x1158] =	vst v0  }
0x1a4: {  	[tilespmem:$0x1148] =	vst v0  }
0x1a5: {  	[tilespmem:$0x1138] =	vst v0  }
0x1a6: {  	[tilespmem:$0x1128] =	vst v0  }
0x1a7: {  	[tilespmem:$0x1118] =	vst v0  }
0x1a8: {  	s4 =	stileid.u32;
	[tilespmem:$0x1108] =	vst v0  }
0x1a9: {  	s0 =	smul.u32 $0x39, s4;
	[tilespmem:$0x10F8] =	vst v0  }
0x1aa: {  	s1 =	smin.u32 s4, $0xE;
	[tilespmem:$0x10C8] =	vst v0  }
0x1ab: {  	[tilespmem:$0x10D8] =	vst v0;
	s0 =	sadd.s32 s1, s0  }
0x1ac: {  	p0 =	slt.u32 s4, $0xE;
	[tilespmem:$0x10B8] =	vst v0;
	s1 =	simm.s32 $0x61E0;
	s6 =	smul.u32 $0x1B0, s0  }
0x1ad: {  	s1 =	simm.s32 @!p0 $0x6030;
	[tilespmem:$0x1038] =	vst v0  }
0x1ae: {  	[tilespmem:$0x10A8] =	vst v0;
	s0 =	sadd.s32 s1, s6  }
0x1af: {  	s3 =	simm.s32 $0x2;
	s8 =	simm.s32 $0x9;
	[tilespmem:$0x1098] =	vst v0;
	s7 =	smin.u32 s0, $0x61A80  }
0x1b0: {  	s10 =	simm.s32 $0xA;
	s30 =	simm.s32 $0xB;
	[tilespmem:$0x1088] =	vst v0;
	s0 =	ssub.s32 s7, s6  }
0x1b1: {  	s16 =	simm.s32 $0x0;
	p4 =	por $0x0, $0x0;
	[tilespmem:$0x1078] =	vst v0;
	p0 =	sgt.s32 s0, $0x0  }
0x1b2: {  	s17 =	simm.s32 $0xC;
	s21 =	simm.s32 $0x0;
	[tilespmem:$0x1058] =	vst v0;
	s0 =	simm.s32 @!p0 $0x0  }
0x1b3: {  	s18 =	simm.s32 $0x0;
	s2 =	sand.u32 $0x1, s2;
	[tilespmem:$0x1048] =	vst v0;
	s29 =	smulhi.u32 $0x4BDA12F7, s0  }
0x1b4: {  	s20 =	simm.s32 $0x0;
	s31 =	sshll.u32 s4, $0x5;
	[tilespmem:$0x1018] =	vst v0;
	[dreg:$0x6] =	wrdreg s2  }
0x1b5: {  	s2 =	smul.u32 $0xC350, s2;
	[tilespmem:$0x1008] =	vst v0;
	[sflag:s3] =	ssyncpa.u1 $0x0;
	s1 =	sshrl.u32 s29, $0x7  }
0x1b6: {  	v0 =	vimm.s32 $0xFFFFFFFF;
	s3 =	sadd.s32 $0x56600, s11;
	[dreg:$0x5] =	wrdreg s31;
	s5 =	smul.u32 $0x1B0, s1  }
.Ltmp0:
0x1b7: {  	[tilespmem:$0x3648] =	vst v0;
	[sflag:s8] =	ssyncpa.u1 $0x0;
	s14 =	sadd.s32 s2, s11;
	(pc) =	sbr.rel .LBB2_1-.Ltmp0, $4  }
0x1b8: {  	[sflag:s10] =	ssyncpa.u1 $0x0;
	s11 =	sadd.s32 $0x119C00, s11;
	p0 =	sne.s32 s0, s5  }
0x1b9: {  	s8 =	sadd.s32 s2, s13;
	[sflag:s30] =	ssyncpa.u1 $0x0;
	s12 =	simm.s32 @!p0 $0x0  }
0x1ba: {  	s15 =	sadd.s32 $0x3DE00, s14;
	s19 =	smov.u32 s6;
	s12 =	sadd.s32 s12, s1  }
0x1bb: {  	v0 =	vlaneseq.u32;
	[dreg:$0x7] =	wrdreg s6;
	p0 =	por $0x1, $0x1;
	s4 =	sadd.s32 $0x1, s12  }
.LBB2_18:
0x1bc: {  	s0 =	simm.s32 $0x2  }
0x1bd: {  	_ =	swait.ge [sflag:s0], $0x0  }
0x1be: {  	[sflag:s0] =	ssyncset.done $0x0;
	s0 =	simm.s32 $0x0  }
.LBB2_19:
0x1bf: {  	_ =	swait.ge [sflag:s17], s0  }
0x1c0: {  	s31 =	ssub.s32 $0x0, s0;
	v1 =	vmov s23;
	vm0 =	veq.s32 v0, $0x0;
	[sflag:s17] =	ssyncset.done $0x0  }
0x1c1: {  	vm15 =	veq.s32 v0, $0x2;
	v1 =	vsel vm0, s28, v1;
	[sflag:s17] =	ssyncadd.s32 s31  }
0x1c2: {  	v1 =	vsel vm15, s21, v1;
	[sflag:s17] =	ssyncpa.u1 $0x1  }
0x1c3: {  	[tilespmem:$0x3648] =	vst v1  }
.LBB2_20:
0x1c4: {  	s0 =	sadd.s32 $0x1B0, s19  }
0x1c5: {  	s1 =	smov.u32 s6;
	p1 =	slt.s32 s0, s7  }
0x1c6: {  	s1 =	smov.u32 @p1 s0;
	p1 =	sne.s32 s20, s4  }
.Ltmp1:
0x1c7: {  	_ = 	snop;
	(pc) =	sbr.rel @!p1 .LBB2_21-.Ltmp1, $4  }
0x1c8: {  	_ = 	snop  }
0x1c9: {  	s21 =	smov.u32 s18  }
0x1ca: {  	s31 =	sadd.s32 $0x1, s20;
	s18 =	smov.u32 s19;
	p0 =	por !p0, !p0  }
0x1cb: {  	p4 =	por !p4, !p4;
	s20 =	smov.u32 s31;
	s19 =	smov.u32 s1  }
.LBB2_1:
0x1cc: {  	p2 =	sge.u32 s20, s12  }
0x1cd: {  	s0 =	smulhi.u32 @!p2 $0xAAAAAAAB, s20  }
0x1ce: {  	s1 =	smov.u32 s19;
	p3 =	sgt.s32 @!p2 s19, $0x618D0  }
0x1cf: {  	s2 =	sshra.s32 @!p2 s19, $0x1F;
	p3 =	por !p3, p2;
	s0 =	sshrl.u32 @!p2 s0, $0x1  }
0x1d0: {  	s2 =	sand.u32 @!p2 s2, s19;
	s1 =	simm.s32 @p3 $0x618D0;
	s0 =	smul.u32 @!p2 $0x3, s0  }
0x1d1: {  	s1 =	ssub.s32 @!p2 s1, s2  }
0x1d2: {  	s23 =	sadd.s32 $0xFFFFFFFF, s20;
	s1 =	sadd.s32 @!p2 $0xFFF9E730, s1;
	s0 =	ssub.s32 @!p2 s20, s0  }
0x1d3: {  	s2 =	sshll.u32 @!p2 s1, $0x2;
	p3 =	sgt.s32 @!p2 s1, $0x1AF;
	s0 =	smul.u32 @!p2 $0x6C0, s0  }
0x1d4: {  	s5 =	sand.u32 @!p2 $0x7, s19;
	s1 =	ssub.s32 @!p2 $0x6C0, s2;
	p3 =	por !p3, p2  }
0x1d5: {  	s2 =	sshrl.u32 @!p2 s19, $0x3;
	s1 =	sshrl.u32 @!p2 s1, $0x2;
	s0 =	sshrl.u32 @!p2 s0, $0x2  }
0x1d6: {  	s2 =	sadd.s32 @!p2 s2, s8;
	s1 =	simm.s32 @!p3 $0x0;
	s0 =	sadd.s32 @!p2 $0x3888, s0  }
0x1d7: {  	[tilespmem:s0], [sflag:$0xA] =	stream.linear.gather @!p2 [hbm4b:s2+s5], s1, $0x38;
	[tilespmem:$0x1F0F8] =	vst v63  }
0x1d8: {  	p2 =	sge.u32 s23, s12  }
0x1d9: {  	p3 =	sgt.s32 @!p2 s18, $0x618D0  }
0x1da: {  	s0 =	smov.u32 s18;
	s1 =	sshra.s32 @!p2 s18, $0x1F;
	p3 =	por !p3, p2  }
0x1db: {  	s1 =	sand.u32 @!p2 s1, s18;
	s0 =	simm.s32 @p3 $0x618D0  }
0x1dc: {  	s0 =	ssub.s32 @!p2 s0, s1  }
0x1dd: {  	s0 =	sadd.s32 @!p2 $0xFFF9E730, s0  }
0x1de: {  	s1 =	sshll.u32 @!p2 s0, $0x2  }
0x1df: {  	p3 =	sgt.s32 @!p2 s0, $0x1AF;
	s0 =	ssub.s32 @!p2 $0x6C0, s1  }
0x1e0: {  	s22 =	ssub.s32 @!p2 $0x61A80, s18;
	p3 =	por !p3, p2;
	s0 =	sshrl.u32 @!p2 s0, $0x2  }
0x1e1: {  	s1 =	sand.u32 @!p2 $0x1, s23;
	s0 =	simm.s32 @!p3 $0x0;
	p3 =	slt.s32 @!p2 s22, $0x1  }
0x1e2: {  	s2 =	simm.s32 @!p2 $0xA;
	s1 =	smul.u32 @!p2 $0x6C0, s1;
	p3 =	por p2, p3  }
.Ltmp2:
0x1e3: {  	_ =	swait.ge @!p2 [sflag:s2], s0;
	(pc) =	sbr.rel @p3 .LBB2_7-.Ltmp2, $4  }
0x1e4: {  	s5 =	ssub.s32 @!p2 $0x0, s0;
	[sflag:s2] =	ssyncset.done @!p2 $0x0  }
0x1e5: {  	s1 =	sshrl.u32 @!p2 s1, $0x2;
	[sflag:s2] =	ssyncadd.s32 @!p2 s5;
	s2 =	sshrl.u32 @!p2 s18, $0x3  }
0x1e6: {  	s1 =	sadd.s32 @!p2 $0x3D98, s1;
	s5 =	sand.u32 @!p2 $0x7, s18;
	s2 =	sadd.s32 @!p2 s2, s15  }
0x1e7: {  	[tilespmem:s1], [sflag:$0xB] =	stream.linear.gather @!p2 [hbm4b:s2+s5], s0, $0x38;
	[tilespmem:$0x1F0F8] =	vst v63  }
0x1e8: {  	s0 =	smulhi.u32 $0xAAAAAAAB, s23;
	_ =	sdelay $0x1  }
0x1e9: {  	s0 =	sshrl.u32 s0, $0x1  }
0x1ea: {  	s0 =	smul.u32 $0x3, s0;
	_ =	sdelay $0x1  }
0x1eb: {  	s0 =	ssub.s32 s23, s0  }
0x1ec: {  	s1 =	simm.s32 $0x1;
	s0 =	smul.u32 $0x6C0, s0  }
.Ltmp3:
0x1ed: {  	s1 =	simm.s32 @!p0 $0x0;
	(pc) =	sbr.rel .LBB2_4-.Ltmp3, $4  }
0x1ee: {  	s1 =	smul.u32 $0x36000, s1  }
0x1ef: {  	p3 =	slt.s32 @!p2 s22, $0x1B0;
	s0 =	sshrl.u32 s0, $0x2  }
0x1f0: {  	p2 =	por !p3, p2;
	s1 =	sshrl.u32 s1, $0x2;
	s0 =	sadd.s32 $0x3888, s0  }
0x1f1: {  	s24 =	simm.s32 $0x0;
	s22 =	simm.s32 @p2 $0x1B0;
	s23 =	sadd.s32 $0x40F8, s1;
	v1 =	vmov s0  }
.LBB2_3:
0x1f2: {  	p2 =	sge.s32 s24, s22  }
.Ltmp4:
0x1f3: {  	_ = 	snop;
	(pc) =	sbr.rel @p2 .LBB2_7-.Ltmp4, $2  }
0x1f4: {  	_ =	sdelay $0x2  }
0x1f5: {  	s23 =	sadd.s32 $0x800, s23  }
.LBB2_4:
0x1f6: {  	p2 =	sle.s32 s22, s24  }
.Ltmp5:
0x1f7: {  	_ = 	snop;
	(pc) =	sbr.rel @p2 .LBB2_3-.Ltmp5, $2  }
0x1f8: {  	_ =	sdelay $0x2  }
0x1f9: {  	s0 =	smov.u32 s24;
	s24 =	sadd.s32 $0x10, s24  }
0x1fa: {  	s1 =	ssub.s32 s22, s0  }
0x1fb: {  	p2 =	slt.s32 s1, $0x10  }
0x1fc: {  	s1 =	simm.s32 @!p2 $0x10  }
0x1fd: {  	v2 =	vmov s1  }
0x1fe: {  	vm0 =	vgt.s32 v2, v0;
	_ =	sdelay $0x5  }
0x1ff: {  	v2 =	vld.idx.msk [tilespmem:v1+s0+$0x0 ss:$0x1], vm0;
	_ =	sdelay $0x2  }
0x200: {  	p2 =	slt.s32 s24, s22;
	s1 =	smov.u32 s22  }
0x201: {  	s2 =	smov.u32 s23;
	s25 =	simm.s32 $0x0;
	s1 =	smov.u32 @p2 s24  }
.LBB2_6:
0x202: {  	(v2sf) =	vpush v2, s25;
	_ =	sdelay $0xc  }
0x203: {  	s25 =	sadd.s32 $0x1, s25  }
0x204: {  	s31 =	sadd.s32 s25, s0  }
0x205: {  	p2 =	slt.s32 s31, s1;
	s5 =	spop (v2sf)  }
.Ltmp6:
0x206: {  	s5 =	sshll.u32 s5, $0x4;
	(pc) =	sbr.rel @p2 .LBB2_6-.Ltmp6, $4  }
0x207: {  	s5 =	sand.u32 $0x1FFFFFF0, s5  }
0x208: {  	s5 =	sadd.s32 s11, s5  }
0x209: {  	[tilespmem:s2], [sflag:$0x9] =	stream.linear.gather [hbm4b:s5+s16], $0x8, $0x38;
	[tilespmem:$0x1F0F8] =	vst v63  }
0x20a: {  	s2 =	sadd.s32 $0x80, s2  }
.Ltmp7:
0x20b: {  	_ = 	snop;
	(pc) =	sbr.rel .LBB2_3-.Ltmp7, $1  }
0x20c: {  	_ =	sdelay $0x3  }
.LBB2_7:
0x20d: {  	p2 =	slt.u32 s20, $0x2  }
.Ltmp8:
0x20e: {  	_ = 	snop;
	(pc) =	sbr.rel @p2 .LBB2_20-.Ltmp8, $1  }
0x20f: {  	_ =	sdelay $0x3  }
0x210: {  	p2 =	sgt.s32 s21, $0x618D0  }
0x211: {  	s0 =	smov.u32 s21;
	s1 =	sshra.s32 s21, $0x1F;
	s2 =	ssub.s32 $0x61A80, s21  }
0x212: {  	s0 =	simm.s32 @!p2 $0x618D0;
	s1 =	sand.u32 s1, s21;
	p2 =	slt.s32 s2, $0x1B0  }
0x213: {  	s0 =	ssub.s32 s0, s1;
	s2 =	simm.s32 @!p2 $0x1B0  }
0x214: {  	s0 =	sadd.s32 $0xFFF9E730, s0;
	s24 =	sshll.u32 s2, $0x3  }
0x215: {  	s28 =	simm.s32 $0x9;
	s25 =	sshll.u32 s0, $0x2;
	s1 =	sand.u32 $0x3FFFFFF8, s24  }
0x216: {  	p2 =	sgt.s32 s0, $0x1AF;
	s26 =	ssub.s32 $0x6C0, s25;
	_ =	swait.ge [sflag:s28], s1  }
0x217: {  	s1 =	ssub.s32 $0x0, s1;
	[sflag:s28] =	ssyncset.done $0x0;
	s0 =	sshrl.u32 s26, $0x2  }
0x218: {  	s30 =	simm.s32 $0xB;
	[sflag:s28] =	ssyncadd.s32 s1;
	s0 =	simm.s32 @p2 $0x0  }
0x219: {  	_ =	swait.ge [sflag:s30], s0  }
0x21a: {  	s0 =	ssub.s32 $0x0, s0;
	[sflag:s30] =	ssyncset.done $0x0  }
0x21b: {  	[sflag:s30] =	ssyncadd.s32 s0  }
0x21c: {  	v1 =	vld [tilespmem:$0x3648];
	_ =	sdelay $0x4  }
0x21d: {  	(v2sf) =	vpush v1, $0x0  }
0x21e: {  	(v2sf) =	vpush v1, $0x1  }
0x21f: {  	(v2sf) =	vpush v1, $0x2;
	_ =	sdelay $0x3  }
0x220: {  	s0 =	sadd.s32 $0x1B0, s21  }
0x221: {  	s1 =	ssub.s32 $0xC3500, s21;
	p2 =	slt.s32 s7, s0  }
0x222: {  	s0 =	smov.u32 @p2 s7;
	p2 =	sgt.s32 s1, $0x0  }
0x223: {  	s25 =	ssub.s32 s0, s21;
	s1 =	simm.s32 @!p2 $0x0  }
0x224: {  	p2 =	slt.s32 s1, s25  }
0x225: {  	s25 =	smov.u32 @p2 s1  }
0x226: {  	s24 =	simm.s32 $0x1;
	p2 =	slt.s32 s25, $0x1  }
.Ltmp9:
0x227: {  	s24 =	simm.s32 @!p4 $0x0;
	(pc) =	sbr.rel @p2 .LBB2_12-.Ltmp9, $4  }
0x228: {  	s31 =	smul.u32 $0x6C0, s24  }
0x229: {  	s26 =	spop (v2sf)  }
0x22a: {  	s0 =	sshrl.u32 s31, $0x2;
	s29 =	spop (v2sf)  }
0x22b: {  	s22 =	sadd.s32 $0x3D98, s0;
	s21 =	spop (v2sf)  }
0x22c: {  	s0 =	smin.u32 s25, $0x10  }
0x22d: {  	v1 =	vmov s0  }
0x22e: {  	p3 =	sgt.s32 s25, $0x10;
	vm1 =	vgt.u32 v1, v0  }
.Ltmp10:
0x22f: {  	_ = 	snop;
	(pc) =	sbr.rel @!p3 .LBB2_11-.Ltmp10, $2  }
0x230: {  	_ =	sdelay $0x2  }
0x231: {  	s23 =	simm.s32 $0x10;
	s28 =	sadd.s32 $0xFFFFFFF0, s25;
	s0 =	smov.u32 s22;
	vm0 =	vmmov vm1  }
.LBB2_10:
0x232: {  	s1 =	smin.u32 s28, $0x10;
	s23 =	sadd.s32 $0x10, s23;
	v1 =	vld.msk [tilespmem:s0+$0x0 ss:$0x1], vm1  }
0x233: {  	v2 =	vmov s1;
	p3 =	slt.s32 s23, s25  }
0x234: {  	vm1 =	vgt.u32 v2, v0  }
.Ltmp11:
0x235: {  	(pc) =	sbr.rel @p3 .LBB2_10-.Ltmp11, $3  }
0x236: {  	_ =	sdelay $0x1  }
0x237: {  	v1 =	vshll.u32 v1, $0x4  }
0x238: {  	s28 =	sadd.s32 $0xFFFFFFF0, s28;
	[tilespmem:s0+$0x0] =	vst.msk vm0, v1;
	s0 =	sadd.s32 $0x10, s0;
	vm0 =	vmmov vm1  }
.LBB2_11:
0x239: {  	_ =	sdelay $0x4  }
0x23a: {  	v1 =	vld.msk [tilespmem:s0+$0x0 ss:$0x1], vm1;
	_ =	sdelay $0x4  }
0x23b: {  	v1 =	vshll.u32 v1, $0x4  }
0x23c: {  	[tilespmem:s0+$0x0] =	vst.msk vm0, v1  }
.LBB2_12:
0x23d: {  	s0 =	sand.u32 $0x1, s20  }
0x23e: {  	s0 =	smul.u32 $0x1B0, s0  }
0x23f: {  	p3 =	sne.s32 s29, $0xFFFFFFFF  }
0x240: {  	v1 =	vld.msk @!p3 [tilespmem:s0+$0x3D98], $0x1;
	_ =	sdelay $0x4  }
0x241: {  	(v2sf) =	vpush @!p3 v1, $0x0;
	_ =	sdelay $0xc  }
.Ltmp12:
0x242: {  	_ = 	snop;
	(pc) =	sbr.rel @p2 .LBB2_18-.Ltmp12, $4  }
0x243: {  	_ = 	snop  }
0x244: {  	s28 =	spop @!p3 (v2sf)  }
0x245: {  	s21 =	simm.s32 @!p3 $0x0;
	s23 =	smov.u32 s28  }
0x246: {  	[sflag:s17] =	ssyncpa.u1 $0x0;
	s28 =	smov.u32 @p3 s26;
	s23 =	smov.u32 @p3 s29  }
0x247: {  	v1 =	vld.msk [tilespmem:s22+$0x0], $0x1;
	_ =	sdelay $0x4  }
0x248: {  	(v2sf) =	vpush v1, $0x0;
	_ =	sdelay $0xe  }
0x249: {  	s0 =	simm.s32 @!p4 $0x0;
	s26 =	smul.u32 $0x36000, s24;
	s31 =	spop (v2sf)  }
0x24a: {  	s29 =	ssub.s32 $0x0, s25;
	s0 =	simm.s32 @p4 $0x1;
	p2 =	seq.s32 s28, s31  }
0x24b: {  	s1 =	smov.u32 s28;
	[smem:$0x7FD] =	sst s0;
	p3 =	sgt.s32 @!p2 s28, $0x0  }
0x24c: {  	s0 =	sshrl.u32 s26, $0x2;
	s26 =	sadd.s32 $0x1, s29;
	p3 =	por !p3, p2  }
0x24d: {  	s1 =	simm.s32 @p3 $0x0;
	p3 =	seq.s32 s26, $0x0  }
.Ltmp13:
0x24e: {  	_ = 	snop;
	(pc) =	sbr.rel @p3 .LBB2_15-.Ltmp13, $4  }
0x24f: {  	s6 =	smov.u32 s4;
	s14 =	smov.u32 s8;
	s25 =	simm.s32 $0x0  }
0x250: {  	s24 =	sadd.s32 $0x40F8, s0;
	s0 =	simm.s32 @!p2 $0x1;
	s2 =	smin.u32 @!p2 s1, $0xC34FF  }
0x251: {  	s30 =	sadd.s32 $0x1, s22;
	s0 =	smov.u32 @p2 s25;
	s5 =	sand.u32 @!p2 $0xFFFF8, s2  }
0x252: {  	s1 =	simm.s32 @!p2 $0x1B38;
	s2 =	sand.u32 @!p2 $0x7, s2;
	s5 =	sadd.s32 @!p2 s3, s5  }
.LBB2_14:
0x253: {  	s4 =	smov.u32 s0  }
0x254: {  	[tilespmem:s1], [sflag:$0x2] =	stream.linear.gather @!p2 [hbm4b:s5+s2], $0x8, $0x38;
	[tilespmem:$0x1F0F8] =	vst v63  }
0x255: {  	s26 =	sadd.s32 $0x1, s26;
	s2 =	smov.u32 s31;
	v1 =	vld.msk [tilespmem:s30+$0x0], $0x1  }
0x256: {  	p3 =	seq.s32 s26, $0x0;
	_ =	sdelay $0x3  }
0x257: {  	(v2sf) =	vpush v1, $0x0;
	_ =	sdelay $0xe  }
0x258: {  	s31 =	spop (v2sf)  }
0x259: {  	p2 =	seq.s32 s2, s31  }
0x25a: {  	p4 =	sgt.s32 @!p2 s2, $0x0;
	s1 =	sshll.u32 @!p2 s0, $0x6;
	s0 =	sadd.s32 @!p2 $0x1, s0  }
.Ltmp14:
0x25b: {  	p4 =	por !p4, p2;
	s1 =	sshra.s32 @!p2 s1, $0x2;
	(pc) =	sbr.rel @!p3 .LBB2_14-.Ltmp14, $4  }
0x25c: {  	s0 =	smov.u32 @p2 s4;
	s2 =	simm.s32 @p4 $0x0;
	s1 =	sadd.s32 @!p2 $0x1B38, s1  }
0x25d: {  	s2 =	smin.u32 @!p2 s2, $0xC34FF  }
0x25e: {  	s4 =	sand.u32 @!p2 $0xFFFF8, s2;
	s2 =	sand.u32 @!p2 $0x7, s2  }
0x25f: {  	s30 =	sadd.s32 $0x1, s30;
	s5 =	sadd.s32 @!p2 s3, s4  }
.LBB2_15:
0x260: {  	[tilespmem:s1], [sflag:$0x2] =	stream.linear.gather @!p2 [hbm4b:s5+s2], $0x8, $0x38;
	[tilespmem:$0x1F0F8] =	vst v63  }
0x261: {  	s0 =	sshll.u32 s0, $0x3  }
0x262: {  	s31 =	simm.s32 $0x2;
	s0 =	sand.u32 $0x3FFFFFF8, s0  }
0x263: {  	_ =	swait.ge [sflag:s31], s0  }
0x264: {  	s0 =	ssub.s32 $0x0, s0;
	[sflag:s31] =	ssyncset.done $0x0  }
0x265: {  	[sflag:s31] =	ssyncadd.s32 s0  }
0x266: {  	v1 =	vld.msk [tilespmem:s22+$0x0], $0x1;
	_ =	sdelay $0x4  }
0x267: {  	(v2sf) =	vpush v1, $0x0;
	_ =	sdelay $0xe  }
0x268: {  	s26 =	spop (v2sf)  }
0x269: {  	p2 =	sne.s32 s28, s26  }
0x26a: {  	p4 =	sne.s32 @p2 s28, s23  }
0x26b: {  	p3 =	por !p4, !p2  }
0x26c: {  	s0 =	simm.s32 @!p3 $0x0  }
0x26d: {  	v1 =	vld.msk @!p3 [tilespmem:s0+$0x1B38], $0xff  }
0x26e: {  	p5 =	sgt.u32 @!p3 s28, $0xC34FF  }
0x26f: {  	s1 =	sshll.u32 @!p3 s21, $0x6;
	p6 =	por @p2 p5, !p4  }
0x270: {  	s1 =	sshra.s32 @!p3 s1, $0x2;
	p1 =	por p6, !p2;
	p6 =	por p4, !p2  }
0x271: {  	s2 =	sadd.s32 @!p3 $0x28, s1;
	s4 =	sand.u32 @!p1 $0xFFFF8, s28;
	s5 =	sshll.u32 @!p6 s21, $0x6  }
0x272: {  	s28 =	sand.u32 @!p1 $0x7, s28;
	[tilespmem:s1+$0x28] =	vst.add.f32.msk @!p3 $0xff, v1;
	s1 =	sadd.s32 @!p1 s3, s4;
	s4 =	sshra.s32 @!p6 s5, $0x2  }
0x273: {  	[hbm4b:s1+s28] =	stream.linear.scatter @!p1 [tilespmem:s2], [sflag:$0xC], $0x8, $0x38;
	[tilespmem:$0x1F0F8] =	vst v63  }
0x274: {  	s0 =	rddreg [dreg:$0x5];
	s1 =	sadd.s32 @!p6 $0x28, s4;
	s2 =	simm.s32 @!p6 $0x1  }
0x275: {  	[spmem:s0] =	stream.linear.scatter @!p6 [tilespmem:s1], [sflag:$0x1], $0x8, $0x38;
	[tilespmem:$0x1F0F8] =	vst v63  }
0x276: {  	s0 =	sadd.s32 @p2 $0x1, s21;
	_ =	swait.ge @!p6 [sflag:s2], $0x8  }
0x277: {  	s1 =	sshrl.u32 @p2 s0, $0x4;
	[sflag:s2] =	ssyncset.done @!p6 $0x0  }
0x278: {  	s1 =	smulhi.u32 @p2 $0x97B425F, s1;
	[sflag:s2] =	ssyncadd.s32 @!p6 $0xFFFFFFF8  }
0x279: {  	s28 =	sadd.s32 $0x1, s29;
	v1 =	vld.msk @p2 [tilespmem:s24+$0x0], $0xff  }
0x27a: {  	p1 =	por @p2 !p5, !p4;
	p4 =	seq.s32 s28, $0x0;
	s1 =	smul.u32 @p2 $0x1B0, s1  }
.Ltmp15:
0x27b: {  	p1 =	por !p1, !p2;
	s2 =	simm.s32 @!p3 $0x0;
	(pc) =	sbr.rel @p4 .LBB2_17-.Ltmp15, $4  }
0x27c: {  	s4 =	sshll.u32 @!p2 s21, $0x6;
	s2 =	simm.s32 @!p1 $0x20;
	s0 =	ssub.s32 @p2 s0, s1  }
0x27d: {  	s29 =	simm.s32 $0x0;
	s2 =	sadd.s32 @!p3 $0x0, s2;
	s5 =	sshll.u32 @p2 s0, $0x4  }
0x27e: {  	s30 =	sshra.s32 @!p2 s4, $0x2;
	s1 =	simm.s32 @p2 $0x1;
	s2 =	smov.u32 @p3 s25;
	[tilespmem:s5+$0x28] =	vst.msk @p2 $0xff, v1  }
0x27f: {  	s21 =	smov.u32 @p2 s0;
	s29 =	smov.u32 @p2 s2;
	s25 =	smov.u32 @p2 s1;
	v1 =	vld.msk @!p2 [tilespmem:s24+$0x0], $0xff  }
.LBB2_16:
0x280: {  	_ =	sdelay $0x3  }
0x281: {  	s22 =	sadd.s32 $0x1, s22;
	[tilespmem:s30+$0x28] =	vst.add.f32.msk @!p2 $0xff, v1  }
0x282: {  	v1 =	vld.msk [tilespmem:s22+$0x0], $0x1;
	_ =	sdelay $0x4  }
0x283: {  	(v2sf) =	vpush v1, $0x0;
	_ =	sdelay $0xe  }
0x284: {  	s0 =	smov.u32 s26;
	s26 =	spop (v2sf)  }
0x285: {  	p2 =	sne.s32 s0, s26  }
0x286: {  	p5 =	sne.s32 @p2 s0, s23  }
0x287: {  	s4 =	sshll.u32 @!p2 s21, $0x6;
	p4 =	por !p5, !p2  }
0x288: {  	s30 =	sshra.s32 @!p2 s4, $0x2;
	s4 =	sshll.u32 @!p4 s25, $0x6  }
0x289: {  	s4 =	sshra.s32 @!p4 s4, $0x2  }
0x28a: {  	p1 =	sgt.u32 @!p4 s0, $0xC34FF;
	v1 =	vld.msk @!p4 [tilespmem:s4+$0x1B38], $0xff  }
0x28b: {  	s31 =	sshll.u32 @!p4 s21, $0x6;
	p6 =	por @p2 p1, !p5;
	p1 =	por @p2 !p1, !p5  }
0x28c: {  	s8 =	simm.s32 @!p4 $0x0;
	s31 =	sshra.s32 @!p4 s31, $0x2;
	p1 =	por !p1, !p2  }
0x28d: {  	p5 =	por p5, !p2;
	s8 =	simm.s32 @!p1 $0x20;
	p1 =	por p6, !p2  }
0x28e: {  	s4 =	sadd.s32 @!p4 $0x28, s31;
	s13 =	sshll.u32 @!p5 s21, $0x6;
	s10 =	sand.u32 @!p1 $0xFFFF8, s0  }
0x28f: {  	s13 =	sshra.s32 @!p5 s13, $0x2;
	s0 =	sand.u32 @!p1 $0x7, s0;
	s10 =	sadd.s32 @!p1 s3, s10;
	[tilespmem:s31+$0x28] =	vst.add.f32.msk @!p4 $0xff, v1  }
0x290: {  	[hbm4b:s10+s0] =	stream.linear.scatter @!p1 [tilespmem:s4], [sflag:$0xC], $0x8, $0x38;
	[tilespmem:$0x1F0F8] =	vst v63  }
0x291: {  	s1 =	rddreg [dreg:$0x5];
	s0 =	sadd.s32 @!p5 $0x28, s13;
	s4 =	simm.s32 @!p5 $0x1  }
0x292: {  	[spmem:s1] =	stream.linear.scatter @!p5 [tilespmem:s0], [sflag:$0x1], $0x8, $0x38;
	[tilespmem:$0x1F0F8] =	vst v63  }
0x293: {  	s2 =	sadd.s32 @p2 $0x1, s21;
	_ =	swait.ge @!p5 [sflag:s4], $0x8  }
0x294: {  	s5 =	sshrl.u32 @p2 s2, $0x4;
	[sflag:s4] =	ssyncset.done @!p5 $0x0  }
0x295: {  	s24 =	sadd.s32 $0x80, s24;
	s5 =	smulhi.u32 @p2 $0x97B425F, s5;
	[sflag:s4] =	ssyncadd.s32 @!p5 $0xFFFFFFF8  }
0x296: {  	s28 =	sadd.s32 $0x1, s28;
	v1 =	vld.msk @p2 [tilespmem:s24+$0x0], $0xff  }
0x297: {  	p3 =	seq.s32 s28, $0x0;
	s5 =	smul.u32 @p2 $0x1B0, s5  }
.Ltmp16:
0x298: {  	_ = 	snop;
	(pc) =	sbr.rel @!p3 .LBB2_16-.Ltmp16, $4  }
0x299: {  	s2 =	ssub.s32 @p2 s2, s5  }
0x29a: {  	s8 =	sadd.s32 @!p4 s8, s29;
	s5 =	sshll.u32 @p2 s2, $0x4  }
0x29b: {  	s9 =	sadd.s32 @p2 $0x1, s25;
	s8 =	smov.u32 @p4 s29;
	[tilespmem:s5+$0x28] =	vst.msk @p2 $0xff, v1  }
0x29c: {  	s25 =	smov.u32 @p2 s9;
	s21 =	smov.u32 @p2 s2;
	s29 =	smov.u32 @p2 s8;
	v1 =	vld.msk @!p2 [tilespmem:s24+$0x0], $0xff  }
.LBB2_17:
.Ltmp17:
0x29d: {  	_ = 	snop;
	(pc) =	sbr.rel .LBB2_19-.Ltmp17, $3  }
0x29e: {  	s1 =	sld [smem:$0x7FD];
	_ =	sdelay $0x1  }
0x29f: {  	s0 =	sshrl.u32 s29, $0x2;
	s28 =	smov.u32 s26;
	s8 =	smov.u32 s14  }
0x2a0: {  	s4 =	smov.u32 s6;
	s6 =	rddreg [dreg:$0x7];
	p4 =	seq.s32 s1, $0x1;
	[tilespmem:s30+$0x28] =	vst.add.f32.msk @!p2 $0xff, v1  }
.LBB2_21:
0x2a1: {  	_ =	sfence.sel $0x180000  }
0x2a2: {  	s0 =	simm.s32 $0x9;
	[bflag:$0x0] =	sbarrier.arrive $0xFFFF  }
0x2a3: {  	s24 =	simm.s32 $0xA;
	[sflag:s0] =	ssyncpa.u1 $0x1  }
0x2a4: {  	s25 =	simm.s32 $0xB;
	[sflag:s24] =	ssyncpa.u1 $0x1  }
0x2a5: {  	s26 =	simm.s32 $0x2;
	[sflag:s25] =	ssyncpa.u1 $0x1  }
0x2a6: {  	[sflag:s26] =	ssyncpa.u1 $0x1  }
0x2a7: {  	v0 =	vld [tilespmem:$0x3648];
	_ =	sdelay $0x4  }
0x2a8: {  	(v2sf) =	vpush v0, $0x0  }
0x2a9: {  	(v2sf) =	vpush v0, $0x1;
	_ =	sdelay $0x1  }
0x2aa: {  	(v2sf) =	vpush v0, $0x2;
	_ =	sdelay $0xb  }
0x2ab: {  	s0 =	spop (v2sf)  }
0x2ac: {  	s1 =	spop (v2sf)  }
0x2ad: {  	s2 =	smov.u32 s0;
	p0 =	sne.s32 s0, s1  }
0x2ae: {  	s4 =	spop (v2sf);
	s2 =	simm.s32 @!p0 $0xFFFFFFFF  }
0x2af: {  	v2 =	vimm.s32 $0x1;
	v3 =	vlaneseq.u32;
	p0 =	seq.s32 s4, $0xFFFFFFFF;
	v1 =	vmov s2  }
0x2b0: {  	s16 =	stileid.u32;
	v0 =	vperm.xlane v0, v2;
	p1 =	sne.s32 @!p0 s0, s1;
	v1 =	vperm.xlane v1, v3  }
0x2b1: {  	vm0 =	vcmask $0x3F04;
	s6 =	simm.s32 $0x3648;
	s0 =	simm.s32 @!p0 $0x1;
	p1 =	por !p1, p0  }
0x2b2: {  	s2 =	sshll.u32 s16, $0x1;
	s1 =	sshll.u32 @!p0 s4, $0x6;
	s0 =	simm.s32 @p1 $0x0;
	v0 =	vsel vm0, v1, v0  }
0x2b3: {  	s5 =	sor.u32 $0x200, s2;
	s1 =	sshra.s32 @!p0 s1, $0x2;
	s0 =	sor.u32 @!p0 s0, s2;
	[tilespmem:$0x3648] =	vst v0  }
0x2b4: {  	[spmem:s5] =	stream.linear.scatter [tilespmem:s6], [sflag:$0x1], $0x2, $0x38;
	[tilespmem:$0x1F0F8] =	vst v63  }
0x2b5: {  	s1 =	sadd.s32 @!p0 $0x28, s1;
	s0 =	sshll.u32 @!p0 s0, $0x4  }
0x2b6: {  	[spmem:s0] =	stream.linear.scatter @!p0 [tilespmem:s1], [sflag:$0x1], $0x10, $0x38;
	[tilespmem:$0x1F0F8] =	vst v63  }
0x2b7: {  	s0 =	simm.s32 @!p0 $0x12  }
0x2b8: {  	s28 =	simm.s32 $0x1;
	s0 =	simm.s32 @p0 $0x2  }
0x2b9: {  	_ =	swait.ge [sflag:s28], s0  }
0x2ba: {  	s0 =	ssub.s32 $0x0, s0;
	[sflag:s28] =	ssyncset.done $0x0  }
0x2bb: {  	p0 =	sne.s32 s16, $0x0;
	[sflag:s28] =	ssyncadd.s32 s0  }
.Ltmp18:
0x2bc: {  	_ =	sfence.stream.spmem;
	(pc) =	sbr.rel @p0 .LBB2_38-.Ltmp18, $4  }
0x2bd: {  	s29 =	simm.s32 $0x3;
	[bflag:$0x0] =	sbarrier.arrive $0xFFFF  }
0x2be: {  	s30 =	simm.s32 $0x4;
	[sflag:s29] =	ssyncpa.u1 $0x1  }
0x2bf: {  	s31 =	simm.s32 $0x3C;
	[sflag:s30] =	ssyncpa.u1 $0x1  }
0x2c0: {  	s17 =	rddreg [dreg:$0x6];
	[sflag:s31] =	ssyncpa.u1 $0x1  }
0x2c1: {  	_ =	sfence.stream.spmem;
	s0 =	simm.s32 $0x5  }
0x2c2: {  	s1 =	simm.s32 $0x200;
	s2 =	simm.s32 $0x3658;
	[sflag:s0] =	ssyncpa.u1 $0x0  }
0x2c3: {  	[tilespmem:s2], [sflag:$0x5] =	stream.linear.gather [spmem:s1], $0x20, $0x38;
	[tilespmem:$0x1F0F8] =	vst v63  }
0x2c4: {  	s26 =	simm.s32 $0x0;
	s28 =	simm.s32 $0x3678  }
0x2c5: {  	[tilespmem:s28], [sflag:$0x5] =	stream.linear.gather [spmem:s26], $0x200, $0x38;
	[tilespmem:$0x1F0F8] =	vst v63  }
0x2c6: {  	_ =	swait.ge [sflag:s0], $0x220  }
0x2c7: {  	[sflag:s0] =	ssyncset.done $0x0  }
0x2c8: {  	s29 =	simm.s32 $0x0;
	[sflag:s0] =	ssyncadd.s32 $0xFFFFFDE0  }
0x2c9: {  	v0 =	vld.msk [tilespmem:s29+$0x3658], $0x1;
	_ =	sdelay $0x1  }
0x2ca: {  	s30 =	simm.s32 $0x1  }
0x2cb: {  	v1 =	vld.msk [tilespmem:s30+$0x3658], $0x1;
	_ =	sdelay $0x1  }
0x2cc: {  	(v2sf) =	vpush v0, $0x0;
	_ =	sdelay $0x2  }
0x2cd: {  	(v2sf) =	vpush v1, $0x0;
	_ =	sdelay $0x2  }
0x2ce: {  	s31 =	simm.s32 $0x2  }
0x2cf: {  	v0 =	vld.msk [tilespmem:s31+$0x3658], $0x1;
	_ =	sdelay $0x2  }
0x2d0: {  	s6 =	simm.s32 $0xFFFFFFFF;
	s1 =	simm.s32 $0xFFFFFFFF;
	s0 =	simm.s32 $0xC  }
.LBB2_23:
0x2d1: {  	s2 =	smov.u32 s6;
	s4 =	smov.u32 s1  }
0x2d2: {  	s1 =	sshra.s32 s0, $0x2;
	p1 =	sne.s32 s0, $0x7C;
	s0 =	sadd.s32 $0x4, s0;
	(v2sf) =	vpush v0, $0x0  }
0x2d3: {  	v0 =	vld.msk [tilespmem:s1+$0x3658], $0x1  }
.Ltmp19:
0x2d4: {  	(pc) =	sbr.rel @p1 .LBB2_23-.Ltmp19, $4  }
0x2d5: {  	s6 =	spop (v2sf)  }
0x2d6: {  	p2 =	sne.s32 s4, $0xFFFFFFFF;
	s1 =	smov.u32 s6  }
0x2d7: {  	p3 =	seq.s32 s6, $0xFFFFFFFF;
	s1 =	smov.u32 @p2 s4  }
0x2d8: {  	s6 =	smov.u32 @p3 s2;
	s1 =	smov.u32 @p3 s4  }
0x2d9: {  	(v2sf) =	vpush v0, $0x0;
	_ =	sdelay $0x8  }
0x2da: {  	s0 =	spop (v2sf)  }
0x2db: {  	p1 =	sne.s32 s1, $0xFFFFFFFF;
	s2 =	smov.u32 s0  }
0x2dc: {  	s9 =	simm.s32 $0x6;
	p2 =	seq.s32 s0, $0xFFFFFFFF;
	s2 =	smov.u32 @p1 s1  }
0x2dd: {  	s10 =	simm.s32 $0x3638;
	s2 =	smov.u32 @p2 s1;
	s1 =	spop (v2sf)  }
0x2de: {  	s0 =	smov.u32 @p2 s6;
	p1 =	sne.s32 s2, $0xFFFFFFFF;
	s4 =	smov.u32 s1  }
.Ltmp20:
0x2df: {  	p2 =	seq.s32 s1, $0xFFFFFFFF;
	s4 =	smov.u32 @p1 s2;
	(pc) =	sbr.rel .LBB2_25-.Ltmp20, $4  }
0x2e0: {  	s11 =	simm.s32 $0x0;
	s4 =	smov.u32 @p2 s2;
	s7 =	spop (v2sf)  }
0x2e1: {  	[sflag:s9] =	ssyncpa.u1 $0x0;
	p1 =	sne.s32 s4, $0xFFFFFFFF;
	s8 =	smov.u32 s7  }
0x2e2: {  	s1 =	smov.u32 @p2 s0;
	p2 =	seq.s32 s7, $0xFFFFFFFF;
	s8 =	smov.u32 @p1 s4  }
0x2e3: {  	s6 =	simm.s32 $0x0;
	s7 =	smov.u32 @p2 s1;
	s8 =	smov.u32 @p2 s4  }
.LBB2_30:
0x2e4: {  	p1 =	sgt.u32 s12, $0xC34FF  }
0x2e5: {  	p2 =	seq.s32 @!p1 s12, s8  }
0x2e6: {  	p1 =	por p1, p2  }
0x2e7: {  	p2 =	sne.s32 @!p1 s12, s7  }
0x2e8: {  	p1 =	por p1, !p2  }
0x2e9: {  	s0 =	sshll.u32 @p1 s11, $0x6  }
0x2ea: {  	s0 =	sand.u32 @!p1 $0xFFFF8, s12  }
0x2eb: {  	s1 =	sand.u32 @!p1 $0x7, s12;
	s0 =	sadd.s32 @!p1 s3, s0  }
0x2ec: {  	[tilespmem:s10], [sflag:$0x6] =	stream.linear.gather @!p1 [hbm4b:s0+s1], $0x8, $0x38;
	[tilespmem:$0x1F0F8] =	vst v63  }
0x2ed: {  	_ =	swait.ge @!p1 [sflag:s9], $0x8  }
0x2ee: {  	[sflag:s9] =	ssyncset.done @!p1 $0x0  }
0x2ef: {  	[sflag:s9] =	ssyncadd.s32 @!p1 $0xFFFFFFF8  }
0x2f0: {  	v1 =	vld @!p1 [tilespmem:$0x3638];
	_ =	sdelay $0x2  }
0x2f1: {  	s0 =	sshll.u32 @!p1 s11, $0x6  }
0x2f2: {  	s1 =	sshrl.u32 @!p1 s0, $0x2  }
0x2f3: {  	[tilespmem:s1+$0x3678] =	vst.add.f32.msk @!p1 $0xffff, v1  }
0x2f4: {  	s0 =	sshrl.u32 s0, $0x2;
	[tilespmem:s6+$0x3658] =	vst.msk $0x1, v0  }
0x2f5: {  	v0 =	vld [tilespmem:s0+$0x3678];
	_ =	sdelay $0x2  }
0x2f6: {  	s31 =	sshll.u32 s6, $0x6  }
0x2f7: {  	s0 =	sshra.s32 s31, $0x2  }
0x2f8: {  	s6 =	sadd.s32 $0x1, s6;
	[tilespmem:s0+$0x3678] =	vst v0  }
.LBB2_32:
0x2f9: {  	s11 =	sadd.s32 $0x1, s11  }
0x2fa: {  	p1 =	sne.s32 s11, $0x20  }
.Ltmp21:
0x2fb: {  	_ = 	snop;
	(pc) =	sbr.rel @!p1 .LBB2_33-.Ltmp21, $1  }
0x2fc: {  	_ =	sdelay $0x3  }
.LBB2_25:
0x2fd: {  	v0 =	vld.msk [tilespmem:s11+$0x3658], $0x1;
	_ =	sdelay $0x4  }
0x2fe: {  	(v2sf) =	vpush v0, $0x0;
	_ =	sdelay $0xe  }
0x2ff: {  	s12 =	spop (v2sf)  }
0x300: {  	p1 =	seq.s32 s12, $0xFFFFFFFF  }
.Ltmp22:
0x301: {  	_ = 	snop;
	(pc) =	sbr.rel @p1 .LBB2_32-.Ltmp22, $1  }
0x302: {  	_ =	sdelay $0x3  }
0x303: {  	p1 =	slt.s32 s6, $0x1  }
.Ltmp23:
0x304: {  	_ = 	snop;
	(pc) =	sbr.rel @p1 .LBB2_30-.Ltmp23, $1  }
0x305: {  	_ =	sdelay $0x3  }
0x306: {  	s13 =	simm.s32 $0x3658;
	p1 =	por $0x0, $0x0  }
0x307: {  	v1 =	vld.msk @!p1 [tilespmem:s13+$0x0], $0x1;
	_ =	sdelay $0x4  }
0x308: {  	(v2sf) =	vpush @!p1 v1, $0x0;
	_ =	sdelay $0xd  }
0x309: {  	p3 =	sne.s32 s6, $0x1  }
.Ltmp24:
0x30a: {  	s0 =	spop @!p1 (v2sf);
	(pc) =	sbr.rel @!p3 .LBB2_29-.Ltmp24, $4  }
0x30b: {  	p2 =	seq.s32 @!p1 s12, s0  }
0x30c: {  	s14 =	simm.s32 $0x0;
	p2 =	por !p2, p1  }
0x30d: {  	s0 =	simm.s32 $0xFFFFFFFF;
	s14 =	simm.s32 @p2 $0xFFFFFFFF  }
0x30e: {  	s15 =	simm.s32 $0x1;
	s14 =	smov.u32 @p1 s0  }
.LBB2_28:
0x30f: {  	s0 =	smov.u32 s14;
	p1 =	sne.s32 s14, $0xFFFFFFFF  }
0x310: {  	s13 =	sadd.s32 $0x1, s13;
	s14 =	smov.u32 s15;
	s15 =	sadd.s32 $0x1, s15  }
0x311: {  	p2 =	sne.s32 s6, s15;
	v1 =	vld.msk @!p1 [tilespmem:s13+$0x0], $0x1;
	_ =	sdelay $0x4  }
0x312: {  	(v2sf) =	vpush @!p1 v1, $0x0;
	_ =	sdelay $0xe  }
.Ltmp25:
0x313: {  	s1 =	spop @!p1 (v2sf);
	(pc) =	sbr.rel @p2 .LBB2_28-.Ltmp25, $4  }
0x314: {  	p3 =	seq.s32 @!p1 s12, s1  }
0x315: {  	p3 =	por !p3, p1  }
0x316: {  	s14 =	simm.s32 @p3 $0xFFFFFFFF  }
0x317: {  	s14 =	smov.u32 @p1 s0  }
.LBB2_29:
0x318: {  	p1 =	sne.s32 s14, $0xFFFFFFFF  }
.Ltmp26:
0x319: {  	_ = 	snop;
	(pc) =	sbr.rel @!p1 .LBB2_30-.Ltmp26, $1  }
0x31a: {  	_ =	sdelay $0x3  }
0x31b: {  	s0 =	sshll.u32 s11, $0x4  }
0x31c: {  	s0 =	sand.u32 $0x3FFFFFF0, s0  }
0x31d: {  	v0 =	vld [tilespmem:s0+$0x3678]  }
.Ltmp27:
0x31e: {  	_ = 	snop;
	(pc) =	sbr.rel .LBB2_32-.Ltmp27, $4  }
0x31f: {  	_ = 	snop  }
0x320: {  	s31 =	sshll.u32 s14, $0x6  }
0x321: {  	s0 =	sshra.s32 s31, $0x2  }
0x322: {  	[tilespmem:s0+$0x3678] =	vst.add.f32.msk $0xffff, v0  }
.LBB2_33:
0x323: {  	s0 =	simm.s32 $0x6;
	p1 =	seq.s32 s6, $0x0  }
0x324: {  	[sflag:s0] =	ssyncpa.u1 $0x1;
	v0 =	vimm.s32 @p1 $0xFFFFFFFF  }
0x325: {  	s9 =	sadd.s32 $0xFFFFFFFF, s6;
	[tilespmem:$0x3878] =	vst @p1 v0  }
0x326: {  	v0 =	vld.msk @!p1 [tilespmem:s9+$0x3658], $0x1;
	_ =	sdelay $0x1  }
0x327: {  	v1 =	vld.msk @!p1 [tilespmem:$0x3658], $0x1;
	_ =	sdelay $0x2  }
0x328: {  	p2 =	seq.s32 @!p1 s9, $0x0;
	v0 =	vbroadcast @!p1 v0, $0x0  }
0x329: {  	vm0 =	vmmov @!p1 $0x1;
	p2 =	por !p2, p1  }
0x32a: {  	v1 =	vnsel @!p1 vm0, $0xFFFFFFFF, v1;
	vm0 =	vcmask @!p1 $0x308;
	v0 =	vpsel !p2, $0xFFFFFFFF, v0  }
0x32b: {  	p2 =	sne.s32 @!p1 s8, s7;
	v0 =	vsel @!p1 vm0, v1, v0  }
0x32c: {  	s0 =	simm.s32 @!p1 $0x3678;
	s1 =	simm.s32 @!p1 $0x0;
	p3 =	por !p2, p1;
	[tilespmem:$0x3878] =	vst @!p1 v0  }
0x32d: {  	[spmem:s1] =	stream.linear.scatter @!p1 [tilespmem:s0], [sflag:$0x1], $0x10, $0x38;
	[tilespmem:$0x1F0F8] =	vst v63  }
0x32e: {  	s0 =	sshll.u32 @!p3 s9, $0x6  }
0x32f: {  	s0 =	sshra.s32 @!p3 s0, $0x2  }
0x330: {  	s1 =	simm.s32 @!p3 $0x10;
	s0 =	sadd.s32 @!p3 $0x3678, s0  }
0x331: {  	[spmem:s1] =	stream.linear.scatter @!p3 [tilespmem:s0], [sflag:$0x1], $0x10, $0x38;
	[tilespmem:$0x1F0F8] =	vst v63  }
0x332: {  	s0 =	simm.s32 @!p3 $0x1  }
0x333: {  	_ =	swait.ge @!p3 [sflag:s0], $0x20  }
0x334: {  	p1 =	por p2, p1;
	[sflag:s0] =	ssyncset.done @!p3 $0x0  }
0x335: {  	[sflag:s0] =	ssyncadd.s32 @!p3 $0xFFFFFFE0;
	s0 =	simm.s32 @!p1 $0x1  }
0x336: {  	_ =	swait.ge @!p1 [sflag:s0], $0x10  }
0x337: {  	s29 =	simm.s32 $0x3878;
	[sflag:s0] =	ssyncset.done @!p1 $0x0  }
0x338: {  	s30 =	simm.s32 $0x200;
	s31 =	simm.s32 $0x1;
	[sflag:s0] =	ssyncadd.s32 @!p1 $0xFFFFFFF0  }
0x339: {  	[spmem:s30] =	stream.linear.scatter [tilespmem:s29], [sflag:$0x1], $0x10, $0x38;
	[tilespmem:$0x1F0F8] =	vst v63  }
0x33a: {  	_ =	swait.ge [sflag:s31], $0x10  }
0x33b: {  	[sflag:s31] =	ssyncset.done $0x0  }
0x33c: {  	p1 =	seq.s32 s17, $0x0;
	s8 =	rddreg [dreg:$0x2];
	[sflag:s31] =	ssyncadd.s32 $0xFFFFFFF0  }
0x33d: {  	s1 =	sshll.u32 @p1 s8, $0xE;
	s7 =	rddreg [dreg:$0x3]  }
0x33e: {  	s0 =	sadd.s32 @p1 $0x15C3C, s1;
	s1 =	sshll.u32 @p1 s7, $0x11  }
0x33f: {  	_ =	sfence.stream.spmem;
	s0 =	sor.u32 @p1 s1, s0  }
0x340: {  	[sflag:s0] =	ssyncadd.remote.s32 @p1 $0x1;
	s0 =	simm.s32 @p1 $0x4  }
0x341: {  	s2 =	simm.s32 @!p1 $0x3C;
	s1 =	sand.u32 $0xFFFFFFFE, s8;
	_ =	swait.ge @p1 [sflag:s0], $0x6  }
0x342: {  	s4 =	simm.s32 @!p1 $0x0;
	s1 =	sadd.s32 @!p1 $0x4, s1;
	[sflag:s0] =	ssyncset.done @p1 $0x0  }
0x343: {  	s5 =	simm.s32 @!p1 $0x20;
	[sflag:s0] =	ssyncadd.s32 @p1 $0xFFFFFFFA;
	s0 =	sshll.u32 @!p1 s1, $0x1A  }
0x344: {  	s1 =	sshll.u32 @!p1 s1, $0xD;
	s0 =	sor.u32 @!p1 s0, s7;
	_ =	swait.eq @!p1 [sflag:s2], $0x1  }
0x345: {  	s1 =	sor.u32 @!p1 $0x1C04, s1;
	s2 =	simm.s32 @!p1 $0x1C03;
	s0 =	sor.u32 @!p1 $0x80004000, s0  }
0x346: {  	[spmem:s5], [sflag:s1] =	dma.general @!p1 [spmem:s4], [sflag:s2], length:$0x4, [dreg:$0x0], stride_count:$0x0, ici_dest:s0, dma_misc:DstOpCode:WRITE  }
0x347: {  	p2 =	slt.s32 s9, $0x2;
	s4 =	simm.s32 @!p1 $0x40;
	s5 =	simm.s32 @!p1 $0x42  }
0x348: {  	[spmem:s5], [sflag:s1] =	dma.general @!p1 [spmem:s4], [sflag:s2], length:$0x2, [dreg:$0x0], stride_count:$0x0, ici_dest:s0, dma_misc:DstOpCode:WRITE  }
.Ltmp28:
0x349: {  	s0 =	simm.s32 @!p1 $0x3;
	(pc) =	sbr.rel @p2 .LBB2_37-.Ltmp28, $4  }
0x34a: {  	s1 =	sshll.u32 @!p1 s8, $0xE;
	_ =	swait.ge @!p1 [sflag:s0], $0x6  }
0x34b: {  	s2 =	sshll.u32 @!p1 s7, $0x11;
	s1 =	sadd.s32 @!p1 $0x11C3C, s1;
	[sflag:s0] =	ssyncset.done @!p1 $0x0  }
0x34c: {  	[sflag:s0] =	ssyncadd.s32 @!p1 $0xFFFFFFFA;
	s0 =	sor.u32 @!p1 s2, s1  }
0x34d: {  	[sflag:s0] =	ssyncadd.remote.s32 @!p1 $0xFFFFFFFF;
	s0 =	simm.s32 $0x0  }
0x34e: {  	s0 =	simm.s32 $0x3659  }
0x34f: {  	v0 =	vld.msk [tilespmem:s0+$0x0], $0x1;
	_ =	sdelay $0x4  }
0x350: {  	(v2sf) =	vpush v0, $0x0;
	_ =	sdelay $0xd  }
0x351: {  	s2 =	sadd.s32 $0xFFFFFFFE, s6  }
0x352: {  	s2 =	sadd.s32 $0xFFFFFFFF, s2;
	s0 =	spop (v2sf)  }
0x353: {  	p2 =	sne.s32 s2, $0x0;
	p1 =	sgt.u32 s0, $0xC34FF  }
.Ltmp29:
0x354: {  	s4 =	sand.u32 @!p1 $0xFFFF8, s0;
	(pc) =	sbr.rel @!p2 .LBB2_36-.Ltmp29, $4  }
0x355: {  	s1 =	simm.s32 $0x3688;
	s0 =	sand.u32 @!p1 $0x7, s0;
	s4 =	sadd.s32 @!p1 s3, s4  }
0x356: {  	[hbm4b:s4+s0] =	stream.linear.scatter @!p1 [tilespmem:s1], [sflag:$0x5], $0x8, $0x38;
	[tilespmem:$0x1F0F8] =	vst v63  }
0x357: {  	s0 =	simm.s32 $0x0  }
0x358: {  	s6 =	simm.s32 $0x0;
	s7 =	simm.s32 $0x365A;
	s0 =	simm.s32 @!p1 $0x20  }
.LBB2_35:
0x359: {  	v0 =	vld.msk [tilespmem:s7+$0x0], $0x1;
	s2 =	sadd.s32 $0xFFFFFFFF, s2;
	s6 =	sadd.s32 s6, s0  }
0x35a: {  	p1 =	sne.s32 s2, $0x0;
	_ =	sdelay $0x3  }
0x35b: {  	(v2sf) =	vpush v0, $0x0;
	_ =	sdelay $0xe  }
.Ltmp30:
0x35c: {  	s4 =	spop (v2sf);
	(pc) =	sbr.rel @p1 .LBB2_35-.Ltmp30, $4  }
0x35d: {  	s0 =	simm.s32 $0x0;
	p2 =	sgt.u32 s4, $0xC34FF  }
0x35e: {  	s1 =	sadd.s32 $0x10, s1;
	s0 =	simm.s32 @!p2 $0x20;
	s5 =	sand.u32 @!p2 $0xFFFF8, s4  }
0x35f: {  	s7 =	sadd.s32 $0x1, s7;
	s4 =	sand.u32 @!p2 $0x7, s4;
	s5 =	sadd.s32 @!p2 s3, s5  }
0x360: {  	[hbm4b:s5+s4] =	stream.linear.scatter @!p2 [tilespmem:s1], [sflag:$0x5], $0x8, $0x38;
	[tilespmem:$0x1F0F8] =	vst v63  }
.LBB2_36:
0x361: {  	s0 =	sadd.s32 s6, s0  }
0x362: {  	s0 =	sshrl.u32 s0, $0x2  }
.LBB2_37:
0x363: {  	s1 =	simm.s32 $0x5  }
0x364: {  	_ =	swait.ge [sflag:s1], s0  }
0x365: {  	s31 =	ssub.s32 $0x0, s0;
	[sflag:s1] =	ssyncset.done $0x0  }
0x366: {  	[sflag:s1] =	ssyncadd.s32 s31  }
0x367: {  	[sflag:s1] =	ssyncpa.u1 $0x1  }
.LBB2_38:
0x368: {  	s0 =	sor.u32 s17, s16  }
0x369: {  	p1 =	sne.s32 s0, $0x0  }
.Ltmp31:
0x36a: {  	_ = 	snop;
	(pc) =	sbr.rel @p1 .LBB2_53-.Ltmp31, $3  }
0x36b: {  	_ =	sdelay $0x1  }
0x36c: {  	[bflag:$0x0] =	sbarrier.arrive $0xFFFF  }
0x36d: {  	_ =	sfence  }
0x36e: {  	s0 =	simm.s32 $0x7  }
0x36f: {  	s1 =	simm.s32 $0x200;
	s2 =	simm.s32 $0x3658;
	[sflag:s0] =	ssyncpa.u1 $0x0  }
0x370: {  	[tilespmem:s2], [sflag:$0x7] =	stream.linear.gather [spmem:s1], $0x20, $0x38;
	[tilespmem:$0x1F0F8] =	vst v63  }
0x371: {  	s30 =	simm.s32 $0x3678;
	s1 =	simm.s32 $0x0  }
0x372: {  	[tilespmem:s30], [sflag:$0x7] =	stream.linear.gather [spmem:s1], $0x200, $0x38;
	[tilespmem:$0x1F0F8] =	vst v63  }
.Ltmp32:
0x373: {  	_ = 	snop;
	(pc) =	sbr.rel .LBB2_40-.Ltmp32, $4  }
0x374: {  	_ =	swait.ge [sflag:s0], $0x220  }
0x375: {  	[sflag:s0] =	ssyncset.done $0x0  }
0x376: {  	s31 =	simm.s32 $0x8;
	[sflag:s0] =	ssyncadd.s32 $0xFFFFFDE0  }
0x377: {  	s2 =	simm.s32 $0x0;
	[sflag:s31] =	ssyncpa.u1 $0x0  }
.LBB2_45:
0x378: {  	p1 =	slt.u32 s4, $0xC3500  }
0x379: {  	s0 =	sand.u32 @p1 $0xFFFF8, s4  }
0x37a: {  	s4 =	sand.u32 @p1 $0x7, s4;
	s5 =	simm.s32 @p1 $0x3638;
	s0 =	sadd.s32 @p1 s3, s0  }
0x37b: {  	[tilespmem:s5], [sflag:$0x8] =	stream.linear.gather @p1 [hbm4b:s0+s4], $0x8, $0x38;
	[tilespmem:$0x1F0F8] =	vst v63  }
0x37c: {  	s0 =	simm.s32 @p1 $0x8  }
0x37d: {  	_ =	swait.ge @p1 [sflag:s0], $0x8  }
0x37e: {  	[sflag:s0] =	ssyncset.done @p1 $0x0  }
0x37f: {  	[sflag:s0] =	ssyncadd.s32 @p1 $0xFFFFFFF8  }
0x380: {  	v1 =	vld @p1 [tilespmem:$0x3638];
	_ =	sdelay $0x2  }
0x381: {  	s0 =	sshll.u32 @p1 s2, $0x6  }
0x382: {  	s5 =	sshll.u32 @!p1 s2, $0x6;
	s4 =	sshrl.u32 @p1 s0, $0x2  }
0x383: {  	s5 =	smov.u32 @p1 s0;
	[tilespmem:s4+$0x3678] =	vst.add.f32.msk @p1 $0xffff, v1  }
0x384: {  	s0 =	sshrl.u32 s5, $0x2;
	[tilespmem:s1+$0x3658] =	vst.msk $0x1, v0  }
0x385: {  	v0 =	vld [tilespmem:s0+$0x3678];
	_ =	sdelay $0x2  }
0x386: {  	s31 =	sshll.u32 s1, $0x6  }
0x387: {  	s0 =	sshra.s32 s31, $0x2  }
0x388: {  	s1 =	sadd.s32 $0x1, s1;
	[tilespmem:s0+$0x3678] =	vst v0  }
.LBB2_47:
0x389: {  	s2 =	sadd.s32 $0x1, s2  }
0x38a: {  	p1 =	sne.s32 s2, $0x20  }
.Ltmp33:
0x38b: {  	_ = 	snop;
	(pc) =	sbr.rel @!p1 .LBB2_48-.Ltmp33, $1  }
0x38c: {  	_ =	sdelay $0x3  }
.LBB2_40:
0x38d: {  	v0 =	vld.msk [tilespmem:s2+$0x3658], $0x1;
	_ =	sdelay $0x4  }
0x38e: {  	(v2sf) =	vpush v0, $0x0;
	_ =	sdelay $0xe  }
0x38f: {  	s4 =	spop (v2sf)  }
0x390: {  	p1 =	seq.s32 s4, $0xFFFFFFFF  }
.Ltmp34:
0x391: {  	_ = 	snop;
	(pc) =	sbr.rel @p1 .LBB2_47-.Ltmp34, $1  }
0x392: {  	_ =	sdelay $0x3  }
0x393: {  	p1 =	slt.s32 s1, $0x1  }
.Ltmp35:
0x394: {  	_ = 	snop;
	(pc) =	sbr.rel @p1 .LBB2_45-.Ltmp35, $1  }
0x395: {  	_ =	sdelay $0x3  }
0x396: {  	s5 =	simm.s32 $0x3658;
	p1 =	por $0x0, $0x0  }
0x397: {  	v1 =	vld.msk @!p1 [tilespmem:s5+$0x0], $0x1;
	_ =	sdelay $0x4  }
0x398: {  	(v2sf) =	vpush @!p1 v1, $0x0;
	_ =	sdelay $0xd  }
0x399: {  	p3 =	sne.s32 s1, $0x1  }
.Ltmp36:
0x39a: {  	s0 =	spop @!p1 (v2sf);
	(pc) =	sbr.rel @!p3 .LBB2_44-.Ltmp36, $4  }
0x39b: {  	p2 =	seq.s32 @!p1 s4, s0  }
0x39c: {  	s6 =	simm.s32 $0x0;
	p2 =	por !p2, p1  }
0x39d: {  	s0 =	simm.s32 $0xFFFFFFFF;
	s6 =	simm.s32 @p2 $0xFFFFFFFF  }
0x39e: {  	s7 =	simm.s32 $0x1;
	s6 =	smov.u32 @p1 s0  }
.LBB2_43:
0x39f: {  	s0 =	smov.u32 s6;
	p1 =	sne.s32 s6, $0xFFFFFFFF  }
0x3a0: {  	s5 =	sadd.s32 $0x1, s5;
	s6 =	smov.u32 s7;
	s7 =	sadd.s32 $0x1, s7  }
0x3a1: {  	p2 =	sne.s32 s1, s7;
	v1 =	vld.msk @!p1 [tilespmem:s5+$0x0], $0x1;
	_ =	sdelay $0x4  }
0x3a2: {  	(v2sf) =	vpush @!p1 v1, $0x0;
	_ =	sdelay $0xe  }
.Ltmp37:
0x3a3: {  	s8 =	spop @!p1 (v2sf);
	(pc) =	sbr.rel @p2 .LBB2_43-.Ltmp37, $4  }
0x3a4: {  	p3 =	seq.s32 @!p1 s4, s8  }
0x3a5: {  	p3 =	por !p3, p1  }
0x3a6: {  	s6 =	simm.s32 @p3 $0xFFFFFFFF  }
0x3a7: {  	s6 =	smov.u32 @p1 s0  }
.LBB2_44:
0x3a8: {  	p1 =	sne.s32 s6, $0xFFFFFFFF  }
.Ltmp38:
0x3a9: {  	_ = 	snop;
	(pc) =	sbr.rel @!p1 .LBB2_45-.Ltmp38, $1  }
0x3aa: {  	_ =	sdelay $0x3  }
0x3ab: {  	s0 =	sshll.u32 s2, $0x4  }
0x3ac: {  	s0 =	sand.u32 $0x3FFFFFF0, s0  }
0x3ad: {  	v0 =	vld [tilespmem:s0+$0x3678]  }
.Ltmp39:
0x3ae: {  	_ = 	snop;
	(pc) =	sbr.rel .LBB2_47-.Ltmp39, $4  }
0x3af: {  	_ = 	snop  }
0x3b0: {  	s31 =	sshll.u32 s6, $0x6  }
0x3b1: {  	s0 =	sshra.s32 s31, $0x2  }
0x3b2: {  	[tilespmem:s0+$0x3678] =	vst.add.f32.msk $0xffff, v0  }
.LBB2_48:
0x3b3: {  	p1 =	slt.s32 s1, $0x1  }
.Ltmp40:
0x3b4: {  	_ = 	snop;
	(pc) =	sbr.rel @p1 .LBB2_52-.Ltmp40, $3  }
0x3b5: {  	_ =	sdelay $0x1  }
0x3b6: {  	s0 =	simm.s32 $0x8  }
0x3b7: {  	s2 =	simm.s32 $0x0;
	[sflag:s0] =	ssyncpa.u1 $0x1  }
0x3b8: {  	s0 =	simm.s32 $0x3658  }
0x3b9: {  	v0 =	vld.msk [tilespmem:s0+$0x0], $0x1;
	_ =	sdelay $0x4  }
0x3ba: {  	(v2sf) =	vpush v0, $0x0;
	_ =	sdelay $0xe  }
0x3bb: {  	s1 =	sadd.s32 $0xFFFFFFFF, s1;
	s0 =	spop (v2sf)  }
0x3bc: {  	p2 =	sne.s32 s1, $0x0;
	p1 =	sgt.u32 s0, $0xC34FF  }
.Ltmp41:
0x3bd: {  	s5 =	sand.u32 @!p1 $0xFFFF8, s0;
	(pc) =	sbr.rel @!p2 .LBB2_51-.Ltmp41, $4  }
0x3be: {  	s4 =	simm.s32 $0x3678;
	s0 =	sand.u32 @!p1 $0x7, s0;
	s5 =	sadd.s32 @!p1 s3, s5  }
0x3bf: {  	[hbm4b:s5+s0] =	stream.linear.scatter @!p1 [tilespmem:s4], [sflag:$0x7], $0x8, $0x38;
	[tilespmem:$0x1F0F8] =	vst v63  }
0x3c0: {  	s0 =	simm.s32 $0x0  }
0x3c1: {  	s5 =	simm.s32 $0x3659;
	s0 =	simm.s32 @!p1 $0x20  }
.LBB2_50:
0x3c2: {  	v0 =	vld.msk [tilespmem:s5+$0x0], $0x1;
	s1 =	sadd.s32 $0xFFFFFFFF, s1;
	s2 =	sadd.s32 s2, s0  }
0x3c3: {  	p1 =	sne.s32 s1, $0x0;
	_ =	sdelay $0x3  }
0x3c4: {  	(v2sf) =	vpush v0, $0x0;
	_ =	sdelay $0xe  }
.Ltmp42:
0x3c5: {  	s6 =	spop (v2sf);
	(pc) =	sbr.rel @p1 .LBB2_50-.Ltmp42, $4  }
0x3c6: {  	s0 =	simm.s32 $0x0;
	p2 =	sgt.u32 s6, $0xC34FF  }
0x3c7: {  	s4 =	sadd.s32 $0x10, s4;
	s0 =	simm.s32 @!p2 $0x20;
	s7 =	sand.u32 @!p2 $0xFFFF8, s6  }
0x3c8: {  	s5 =	sadd.s32 $0x1, s5;
	s6 =	sand.u32 @!p2 $0x7, s6;
	s7 =	sadd.s32 @!p2 s3, s7  }
0x3c9: {  	[hbm4b:s7+s6] =	stream.linear.scatter @!p2 [tilespmem:s4], [sflag:$0x7], $0x8, $0x38;
	[tilespmem:$0x1F0F8] =	vst v63  }
.LBB2_51:
0x3ca: {  	s0 =	sadd.s32 s2, s0  }
0x3cb: {  	s2 =	sshrl.u32 s0, $0x2  }
.LBB2_52:
0x3cc: {  	s0 =	simm.s32 $0x7  }
0x3cd: {  	_ =	swait.ge [sflag:s0], s2  }
0x3ce: {  	s1 =	ssub.s32 $0x0, s2;
	[sflag:s0] =	ssyncset.done $0x0  }
0x3cf: {  	[sflag:s0] =	ssyncadd.s32 s1  }
0x3d0: {  	[sflag:s0] =	ssyncpa.u1 $0x1  }
.LBB2_53:
0x3d1: {  	_ =	sfence;
	s0 =	simm.s32 $0x1  }
0x3d2: {  	[sflag:s0] =	ssyncpa.u1 $0x1  }
0x3d3: {  	_ =	strace $0x9000004A  }
0x3d4: {  	[bflag:$0x2] =	sbarrier.arrive $0xFFFF  }
0x3d5: {  	s0 =	rddreg [dreg:$0x4]  }
0x3d6: {  	s0 =	sadd.s32 @!p0 $0x100000, s0  }
0x3d7: {  	[sflag:s0] =	ssyncadd.tile.s32 @!p0 $0x1;
	_ =	shalt  }
.Lfunc_end2:
_tile_overlayer_lowered:
.L_overlay_start_2:
0x3d8: {  	(tag) =	ssettag $0x2  }
0x3d9: {  	s0 =	rddreg [dreg:$0x0];
	s2 =	stileid.u32  }
0x3da: {  	s1 =	rddreg [dreg:$0x1];
	p0 =	sne.s32 s2, $0x0  }
0x3db: {  	s3 =	rddreg [dreg:$0x2];
	[bflag:$0x3] =	sbarrier.arrive $0xFFFF;
	s2 =	simm.s32 @!p0 $0x1C01  }
0x3dc: {  	[timem:s3], [sflag:s2] =	dma.local @!p0 [hbm:s0], s1  }
0x3dd: {  	s0 =	simm.s32 @!p0 $0x1  }
0x3de: {  	_ =	swait.ge @!p0 [sflag:s0], s1  }
0x3df: {  	s1 =	ssub.s32 @!p0 $0x0, s1;
	[sflag:s0] =	ssyncset.done @!p0 $0x0  }
0x3e0: {  	[sflag:s0] =	ssyncadd.s32 @!p0 s1  }
0x3e1: {  	[bflag:$0x3] =	sbarrier.arrive $0xFFFF  }
0x3e2: {  	_ =	shalt  }

// kernel: scatter_offload_async_start
scs
__scs_entry_jumppad:
0x0: {  	(pc) =	sbr.rel $0x88, $3  }
0x1: {  	(tag) =	ssettag $0x0;
	lr =	simm.s32 $0x1  }
0x2: {  	[smem:$0x3F89] =	sst lr;
	_ =	strace $0xD0000000  }
0x3: {  	_ = 	snop  }
0x4: {  	_ = 	snop  }
0x5: {  	_ = 	snop  }
0x6: {  	_ = 	snop  }
0x7: {  	_ = 	snop  }
__scs_overlays_trampoline_lowered:
0x8: {  	[smem:$0x3F98] =	sst s0  }
0x9: {  	[smem:$0x3F99] =	sst s1  }
0xa: {  	[smem:$0x3F9A] =	sst s2  }
0xb: {  	[smem:$0x3F9B] =	sst s3  }
0xc: {  	[smem:$0x3F9C] =	sst s4  }
0xd: {  	[smem:$0x3F9D] =	sst s5  }
0xe: {  	[smem:$0x3F9E] =	sst s6  }
0xf: {  	[smem:$0x3F9F] =	sst s7  }
0x10: {  	[smem:$0x3FA0] =	sst s8  }
0x11: {  	[smem:$0x3FA1] =	sst s9;
	s0 =	simm.s32 @!p0 $0x0  }
0x12: {  	s1 =	sld [smem:$0x3F87];
	s0 =	simm.s32 @p0 $0x1  }
0x13: {  	[smem:$0x3FA2] =	sst s0;
	s0 =	simm.s32 @!p1 $0x0  }
0x14: {  	s2 =	sld [smem:$0x3F86];
	s0 =	simm.s32 @p1 $0x1  }
0x15: {  	[smem:$0x3FA3] =	sst s0;
	s0 =	simm.s32 @!p2 $0x0  }
0x16: {  	s3 =	sld [smem:$0x3FDB];
	s0 =	simm.s32 @p2 $0x1  }
0x17: {  	s4 =	simm.s32 $0x1BF5;
	[smem:$0x3FA5] =	sst s0  }
0x18: {  	s0 =	sld [smem:$0x3F88];
	_ =	swait.ge [sflag:s4], $0x0  }
0x19: {  	s7 =	sld [smem:$0x3F89]  }
0x1a: {  	s8 =	sadd.s32 $0xFFFFE003, lr  }
0x1b: {  	s9 =	sadd.s32 $0xFFFFFEF7, lr;
	s5 =	simm.s32 $0xFFFFFFFF;
	p2 =	slt.u32 s8, $0xFFFFF086  }
0x1c: {  	p1 =	slt.u32 s9, $0xF7A;
	s5 =	simm.s32 @!p2 $0x0  }
0x1d: {  	s5 =	simm.s32 @p1 $0x1;
	p0 =	seq.s32 s7, s2  }
0x1e: {  	s7 =	smul.u32 @!p0 $0xF7A, s2;
	p2 =	seq.s32 @!p0 s5, $0x0  }
0x1f: {  	s9 =	smul.u32 $0xF7A, s1;
	s8 =	simm.s32 @!p0 $0x1BF5;
	p2 =	por !p2, p0  }
0x20: {  	[sflag:s8] =	ssyncset.s32 @!p0 $0xFFFFF086;
	s6 =	sadd.s32 @!p0 s3, s7;
	s7 =	simm.s32 @!p0 $0x108  }
0x21: {  	s3 =	sadd.s32 s3, s9;
	s6 =	sadd.s32 @!p0 $0x88, s6;
	s7 =	simm.s32 @p2 $0x1082  }
0x22: {  	[simem:s7], [sflag:s8] =	dma.local @!p0 [hbm:s6], $0xF7A  }
0x23: {  	s9 =	sor.u32 $0xD0000000, s2;
	s6 =	simm.s32 $0x108;
	_ =	swait.ge @!p0 [sflag:s8], $0x0  }
0x24: {  	s3 =	sadd.s32 $0x88, s3;
	s6 =	simm.s32 @!p1 $0x1082;
	[sflag:s4] =	ssyncset.s32 $0xFFFFF086  }
0x25: {  	[simem:s6], [sflag:s4] =	dma.local [hbm:s3], $0xF7A  }
0x26: {  	[smem:$0x3F89] =	sst s1;
	(tag) =	ssettag s2;
	_ =	strace s9  }
0x27: {  	s1 =	sld [smem:$0x3F99]  }
0x28: {  	s2 =	sld [smem:$0x3F9A]  }
0x29: {  	s4 =	sld [smem:$0x3F9C]  }
0x2a: {  	p0 =	seq.s32 s5, $0x0;
	s5 =	sld [smem:$0x3F9D]  }
0x2b: {  	s6 =	sld [smem:$0x3F9E]  }
0x2c: {  	s7 =	sld [smem:$0x3F9F]  }
0x2d: {  	s3 =	simm.s32 $0x108;
	s8 =	sld [smem:$0x3FA0]  }
0x2e: {  	s3 =	simm.s32 @!p0 $0x1082;
	s9 =	sld [smem:$0x3FA1]  }
0x2f: {  	lr =	sadd.s32 s0, s3;
	s0 =	sld [smem:$0x3F98]  }
0x30: {  	s3 =	sld [smem:$0x3F9B]  }
0x31: {  	[smem:$0x3FA4] =	sst s10  }
0x32: {  	s10 =	sld [smem:$0x3FA2];
	_ =	sdelay $0x3  }
0x33: {  	p0 =	seq.s32 s10, $0x1;
	s10 =	sld [smem:$0x3FA4];
	_ =	sdelay $0x3  }
0x34: {  	[smem:$0x3FA4] =	sst s10  }
0x35: {  	s10 =	sld [smem:$0x3FA3];
	_ =	sdelay $0x3  }
0x36: {  	p1 =	seq.s32 s10, $0x1;
	s10 =	sld [smem:$0x3FA4];
	_ =	sdelay $0x3  }
0x37: {  	[smem:$0x3FA4] =	sst s10  }
0x38: {  	s10 =	sld [smem:$0x3FA5]  }
0x39: {  	_ = 	snop;
	(pc) =	sbr.ind lr, $3  }
0x3a: {  	_ = 	snop  }
0x3b: {  	_ = 	snop  }
0x3c: {  	p2 =	seq.s32 s10, $0x1;
	s10 =	sld [smem:$0x3FA4]  }
0x3d: {  	_ =	shalt  }
0x3e: {  	_ =	shalt  }
0x3f: {  	_ =	shalt  }
0x40: {  	_ =	shalt  }
0x41: {  	_ =	shalt  }
0x42: {  	_ =	shalt  }
0x43: {  	_ =	shalt  }
0x44: {  	_ =	shalt  }
0x45: {  	_ =	shalt  }
0x46: {  	_ =	shalt  }
0x47: {  	_ =	shalt  }
0x48: {  	_ =	shalt  }
0x49: {  	_ =	shalt  }
0x4a: {  	_ =	shalt  }
0x4b: {  	_ =	shalt  }
0x4c: {  	_ =	shalt  }
0x4d: {  	_ =	shalt  }
0x4e: {  	_ =	shalt  }
0x4f: {  	_ =	shalt  }
0x50: {  	_ =	shalt  }
0x51: {  	_ =	shalt  }
0x52: {  	_ =	shalt  }
0x53: {  	_ =	shalt  }
0x54: {  	_ =	shalt  }
0x55: {  	_ =	shalt  }
0x56: {  	_ =	shalt  }
0x57: {  	_ =	shalt  }
0x58: {  	_ =	shalt  }
0x59: {  	_ =	shalt  }
0x5a: {  	_ =	shalt  }
0x5b: {  	_ =	shalt  }
0x5c: {  	_ =	shalt  }
0x5d: {  	_ =	shalt  }
0x5e: {  	_ =	shalt  }
0x5f: {  	_ =	shalt  }
0x60: {  	_ =	shalt  }
0x61: {  	_ =	shalt  }
0x62: {  	_ =	shalt  }
0x63: {  	_ =	shalt  }
0x64: {  	_ =	shalt  }
0x65: {  	_ =	shalt  }
0x66: {  	_ =	shalt  }
0x67: {  	_ =	shalt  }
0x68: {  	_ =	shalt  }
0x69: {  	_ =	shalt  }
0x6a: {  	_ =	shalt  }
0x6b: {  	_ =	shalt  }
0x6c: {  	_ =	shalt  }
0x6d: {  	_ =	shalt  }
0x6e: {  	_ =	shalt  }
0x6f: {  	_ =	shalt  }
0x70: {  	_ =	shalt  }
0x71: {  	_ =	shalt  }
0x72: {  	_ =	shalt  }
0x73: {  	_ =	shalt  }
0x74: {  	_ =	shalt  }
0x75: {  	_ =	shalt  }
0x76: {  	_ =	shalt  }
0x77: {  	_ =	shalt  }
0x78: {  	_ =	shalt  }
0x79: {  	_ =	shalt  }
0x7a: {  	_ =	shalt  }
0x7b: {  	_ =	shalt  }
0x7c: {  	_ =	shalt  }
0x7d: {  	_ =	shalt  }
0x7e: {  	_ =	shalt  }
0x7f: {  	_ =	shalt  }
0x80: {  	_ =	shalt  }
0x81: {  	_ =	shalt  }
0x82: {  	_ =	shalt  }
0x83: {  	_ =	shalt  }
0x84: {  	_ =	shalt  }
0x85: {  	_ =	shalt  }
0x86: {  	_ =	shalt  }
0x87: {  	_ =	shalt  }
.Lfunc_end0:
.L_simem_size_0:
called_computation_lowered:
.L_overlay_start_0:
0x88: {  	s2 =	sld [smem:$0x3FD9]  }
0x89: {  	s3 =	sld [smem:$0x3FFE];
	_ =	sdelay $0x1  }
0x8a: {  	s1 =	srdreg.scid  }
0x8b: {  	s0 =	sand.u32 $0x1, s1  }
0x8c: {  	s13 =	sshll.u32 s0, $0xA;
	s2 =	sadd.s32 s3, s2  }
0x8d: {  	s2 =	sadd.s32 s2, s13  }
0x8e: {  	[smem:$0x3FB0] =	sst s2  }
0x8f: {  	_ = 	snop  }
0x90: {  	s2 =	sld [smem:$0x3FD0];
	_ =	sdelay $0x2  }
0x91: {  	s14 =	simm.s32 $0xB;
	s4 =	simm.s32 $0x10  }
0x92: {  	[smem:s4], [sflag:s14] =	dma.local [hbm:s2], $0x1  }
0x93: {  	_ =	swait.eq [sflag:s14], $0x1  }
0x94: {  	s15 =	sld [smem:$0x10];
	[sflag:s14] =	ssyncset.done $0x0  }
0x95: {  	s16 =	sld [smem:$0x11];
	[sflag:s14] =	ssyncadd.s32 $0xFFFFFFFF  }
0x96: {  	s17 =	sld [smem:$0x12];
	(tm) =	ssettm $0x1  }
0x97: {  	s5 =	sld [smem:$0x3FFB];
	_ =	sdelay $0x3  }
0x98: {  	_ =	strace s5  }
0x99: {  	s5 =	sld [smem:$0x3FFC];
	_ =	sdelay $0x3  }
0x9a: {  	_ =	strace s5  }
0x9b: {  	s5 =	sld [smem:$0x3FFD];
	_ =	sdelay $0x3  }
0x9c: {  	_ =	strace s5  }
0x9d: {  	_ =	strace $0x8FFFFFFF  }
0x9e: {  	s18 =	sld [smem:$0x3FDB];
	_ =	sdelay $0x1  }
0x9f: {  	s6 =	simm.s32 $_scs_section_size  }
0xa0: {  	s7 =	simm.s32 $_size__tile_overlayer_lowered;
	s8 =	simm.s32 $_tile_overlayer_lowered  }
0xa1: {  	s21 =	simm.s32 $0x1BFF;
	s20 =	sshll.u32 s8, $0x1;
	s5 =	sadd.s32 s6, s18  }
0xa2: {  	s9 =	simm.s32 $0x0;
	s19 =	sshll.u32 s7, $0x1;
	s7 =	sadd.s32 s20, s5  }
0xa3: {  	[timem:s9], [sflag:s21] =	dma.local [hbm:s7], s19  }
0xa4: {  	_ =	swait.ge [sflag:s21], s19  }
0xa5: {  	s6 =	ssub.s32 $0x0, s19;
	[sflag:s21] =	ssyncset.done $0x0  }
0xa6: {  	[sflag:s21] =	ssyncadd.s32 s6;
	_ =	sdelay $0x1  }
0xa7: {  	s22 =	simm.s32 $0x1B8B  }
0xa8: {  	_ =	swait.ge [sflag:s22], $0x1  }
0xa9: {  	[sflag:s22] =	ssyncset.done $0x0  }
0xaa: {  	s23 =	sld [smem:$0x3FFE];
	[sflag:s22] =	ssyncadd.s32 $0xFFFFFFFF  }
0xab: {  	s25 =	simm.s32 $0x1B8E;
	s24 =	sld [smem:$0x0]  }
0xac: {  	s26 =	simm.s32 $execute0_lowered;
	[smem:$0x3FD2] =	sst s25  }
0xad: {  	s8 =	sshll.u32 s26, $0x1;
	_ =	strace $0x80000046;
	[dreg:$0x1] =	wrdreg $0xFFFFFFFF  }
0xae: {  	s28 =	simm.s32 $_size_execute0_lowered;
	s5 =	sadd.s32 s5, s8;
	[dreg:$0x0] =	wrdreg $0x0  }
0xaf: {  	s8 =	sshll.u32 s28, $0x1;
	[dreg:$0x2] =	wrdreg s5  }
0xb0: {  	[dreg:$0x3] =	wrdreg s8  }
0xb1: {  	[dreg:$0x4] =	wrdreg $0xC0  }
0xb2: {  	_ =	task [dreg:s9], $0x5FFFF  }
0xb3: {  	[dreg:$0x1] =	wrdreg $0xFFFFFFFF  }
0xb4: {  	[dreg:$0x0] =	wrdreg $0x60  }
0xb5: {  	[dreg:$0x2] =	wrdreg s15  }
0xb6: {  	[dreg:$0x3] =	wrdreg s23  }
0xb7: {  	[dreg:$0x4] =	wrdreg s16  }
0xb8: {  	[dreg:$0x5] =	wrdreg s17  }
0xb9: {  	[dreg:$0x6] =	wrdreg s1  }
0xba: {  	[dreg:$0x7] =	wrdreg s24  }
0xbb: {  	[dreg:$0x8] =	wrdreg $0x9  }
0xbc: {  	_ =	task.clear_ibuf [dreg:s9], $0x9FFFF;
	_ =	strace $0x90000046  }
0xbd: {  	s29 =	simm.s32 $0x9;
	_ =	strace $0x80000048  }
0xbe: {  	_ =	swait.ge [sflag:s29], $0x1  }
0xbf: {  	[sflag:s29] =	ssyncadd.s32 $0xFFFFFFFF  }
0xc0: {  	_ =	strace $0x90000048  }
0xc1: {  	_ =	sfence  }
0xc2: {  	s30 =	sld [smem:$0x0];
	_ =	sdelay $0x2  }
0xc3: {  	s31 =	sshll.u32 s1, $0xD;
	s1 =	sshrl.u32 s1, $0x2  }
0xc4: {  	s3 =	sand.u32 $0x4000, s31;
	s1 =	sadd.s32 s1, s30  }
0xc5: {  	s0 =	sor.u32 s3, s0;
	s1 =	sshll.u32 s1, $0x11  }
0xc6: {  	s0 =	sor.u32 s1, s0  }
0xc7: {  	s0 =	sadd.s32 $0x8F2B, s0  }
0xc8: {  	[sflag:s0] =	ssyncadd.remote.s32 $0x1  }
0xc9: {  	_ =	sfence.sel $0xFFFF  }
0xca: {  	[dreg:$0x0] =	wrdreg $0xFFFFFFFF;
	(pc) =	sbr.abs _section_cstart, $3  }
0xcb: {  	[dreg:$0x1] =	wrdreg $0xFFFFFFFF  }
0xcc: {  	_ =	task.clear_ibuf [dreg:s9], $0x2FFFF;
	_ =	strace $0x9FFFFFFF  }
0xcd: {  	(tm) =	ssettm $0x7FFFFFFF  }
tec
execute0_lowered:
.L_overlay_start_1:
0x0: {  	(tag) =	ssettag $0x1  }
0x1: {  	s1 =	rddreg [dreg:$0x0]  }
0x2: {  	s12 =	rddreg [dreg:$0x1]  }
0x3: {  	s4 =	rddreg [dreg:$0x2]  }
0x4: {  	s13 =	rddreg [dreg:$0x3]  }
0x5: {  	s3 =	rddreg [dreg:$0x4];
	_ =	strace $0x80000047;
	s14 =	simm.s32 $0x1  }
0x6: {  	v0 =	vimm.s32 $0x0;
	[sflag:s14] =	ssyncpa.u1 $0x0  }
0x7: {  	[tilespmem:$0x28] =	vst v0  }
0x8: {  	[tilespmem:$0x38] =	vst v0  }
0x9: {  	[tilespmem:$0x48] =	vst v0  }
0xa: {  	[tilespmem:$0x58] =	vst v0  }
0xb: {  	[tilespmem:$0x68] =	vst v0  }
0xc: {  	[tilespmem:$0x78] =	vst v0  }
0xd: {  	[tilespmem:$0x88] =	vst v0  }
0xe: {  	[tilespmem:$0x98] =	vst v0  }
0xf: {  	[tilespmem:$0xA8] =	vst v0  }
0x10: {  	[tilespmem:$0xB8] =	vst v0  }
0x11: {  	[tilespmem:$0xC8] =	vst v0  }
0x12: {  	[tilespmem:$0xD8] =	vst v0  }
0x13: {  	[tilespmem:$0xE8] =	vst v0  }
0x14: {  	[tilespmem:$0xF8] =	vst v0  }
0x15: {  	[tilespmem:$0x108] =	vst v0  }
0x16: {  	[tilespmem:$0x118] =	vst v0  }
0x17: {  	[tilespmem:$0x128] =	vst v0  }
0x18: {  	[tilespmem:$0x138] =	vst v0  }
0x19: {  	[tilespmem:$0x148] =	vst v0  }
0x1a: {  	[tilespmem:$0x158] =	vst v0  }
0x1b: {  	[tilespmem:$0x168] =	vst v0  }
0x1c: {  	[tilespmem:$0x178] =	vst v0  }
0x1d: {  	[tilespmem:$0x188] =	vst v0  }
0x1e: {  	[tilespmem:$0x198] =	vst v0  }
0x1f: {  	[tilespmem:$0x1A8] =	vst v0  }
0x20: {  	[tilespmem:$0x1B8] =	vst v0  }
0x21: {  	[tilespmem:$0x1C8] =	vst v0  }
0x22: {  	[tilespmem:$0x1D8] =	vst v0  }
0x23: {  	[tilespmem:$0x1E8] =	vst v0  }
0x24: {  	[tilespmem:$0x1F8] =	vst v0  }
0x25: {  	[tilespmem:$0x208] =	vst v0  }
0x26: {  	[tilespmem:$0x218] =	vst v0  }
0x27: {  	[tilespmem:$0x228] =	vst v0  }
0x28: {  	[tilespmem:$0x238] =	vst v0  }
0x29: {  	[tilespmem:$0x248] =	vst v0  }
0x2a: {  	[tilespmem:$0x258] =	vst v0  }
0x2b: {  	[tilespmem:$0x268] =	vst v0  }
0x2c: {  	[tilespmem:$0x278] =	vst v0  }
0x2d: {  	[tilespmem:$0x288] =	vst v0  }
0x2e: {  	[tilespmem:$0x298] =	vst v0  }
0x2f: {  	[tilespmem:$0x2A8] =	vst v0  }
0x30: {  	[tilespmem:$0x2B8] =	vst v0  }
0x31: {  	[tilespmem:$0x2C8] =	vst v0  }
0x32: {  	[tilespmem:$0x2D8] =	vst v0  }
0x33: {  	[tilespmem:$0x2E8] =	vst v0  }
0x34: {  	[tilespmem:$0x2F8] =	vst v0  }
0x35: {  	[tilespmem:$0x308] =	vst v0  }
0x36: {  	[tilespmem:$0x318] =	vst v0  }
0x37: {  	[tilespmem:$0x328] =	vst v0  }
0x38: {  	[tilespmem:$0x338] =	vst v0  }
0x39: {  	[tilespmem:$0x348] =	vst v0  }
0x3a: {  	[tilespmem:$0x358] =	vst v0  }
0x3b: {  	[tilespmem:$0x368] =	vst v0  }
0x3c: {  	[tilespmem:$0x378] =	vst v0  }
0x3d: {  	[tilespmem:$0x388] =	vst v0  }
0x3e: {  	[tilespmem:$0x398] =	vst v0  }
0x3f: {  	[tilespmem:$0x3A8] =	vst v0  }
0x40: {  	[tilespmem:$0x3B8] =	vst v0  }
0x41: {  	[tilespmem:$0x3C8] =	vst v0  }
0x42: {  	[tilespmem:$0x3D8] =	vst v0  }
0x43: {  	[tilespmem:$0x3E8] =	vst v0  }
0x44: {  	[tilespmem:$0x3F8] =	vst v0  }
0x45: {  	[tilespmem:$0x408] =	vst v0  }
0x46: {  	[tilespmem:$0x418] =	vst v0  }
0x47: {  	[tilespmem:$0x428] =	vst v0  }
0x48: {  	[tilespmem:$0x438] =	vst v0  }
0x49: {  	[tilespmem:$0x448] =	vst v0  }
0x4a: {  	[tilespmem:$0x458] =	vst v0  }
0x4b: {  	[tilespmem:$0x468] =	vst v0  }
0x4c: {  	[tilespmem:$0x478] =	vst v0  }
0x4d: {  	[tilespmem:$0x488] =	vst v0  }
0x4e: {  	[tilespmem:$0x498] =	vst v0  }
0x4f: {  	[tilespmem:$0x4A8] =	vst v0  }
0x50: {  	[tilespmem:$0x4B8] =	vst v0  }
0x51: {  	[tilespmem:$0x4C8] =	vst v0  }
0x52: {  	[tilespmem:$0x4D8] =	vst v0  }
0x53: {  	[tilespmem:$0x4E8] =	vst v0  }
0x54: {  	[tilespmem:$0x4F8] =	vst v0  }
0x55: {  	[tilespmem:$0x508] =	vst v0  }
0x56: {  	[tilespmem:$0x518] =	vst v0  }
0x57: {  	[tilespmem:$0x528] =	vst v0  }
0x58: {  	[tilespmem:$0x538] =	vst v0  }
0x59: {  	[tilespmem:$0x548] =	vst v0  }
0x5a: {  	[tilespmem:$0x558] =	vst v0  }
0x5b: {  	[tilespmem:$0x568] =	vst v0  }
0x5c: {  	[tilespmem:$0x578] =	vst v0  }
0x5d: {  	[tilespmem:$0x588] =	vst v0  }
0x5e: {  	[tilespmem:$0x598] =	vst v0  }
0x5f: {  	[tilespmem:$0x5A8] =	vst v0  }
0x60: {  	[tilespmem:$0x5B8] =	vst v0  }
0x61: {  	[tilespmem:$0x5C8] =	vst v0  }
0x62: {  	[tilespmem:$0x5D8] =	vst v0  }
0x63: {  	[tilespmem:$0x5E8] =	vst v0  }
0x64: {  	[tilespmem:$0x5F8] =	vst v0  }
0x65: {  	[tilespmem:$0x608] =	vst v0  }
0x66: {  	[tilespmem:$0x618] =	vst v0  }
0x67: {  	[tilespmem:$0x628] =	vst v0  }
0x68: {  	[tilespmem:$0x638] =	vst v0  }
0x69: {  	[tilespmem:$0x648] =	vst v0  }
0x6a: {  	[tilespmem:$0x658] =	vst v0  }
0x6b: {  	[tilespmem:$0x668] =	vst v0  }
0x6c: {  	[tilespmem:$0x678] =	vst v0  }
0x6d: {  	[tilespmem:$0x688] =	vst v0  }
0x6e: {  	[tilespmem:$0x698] =	vst v0  }
0x6f: {  	[tilespmem:$0x6A8] =	vst v0  }
0x70: {  	[tilespmem:$0x6B8] =	vst v0  }
0x71: {  	[tilespmem:$0x6C8] =	vst v0  }
0x72: {  	[tilespmem:$0x6D8] =	vst v0  }
0x73: {  	[tilespmem:$0x6E8] =	vst v0  }
0x74: {  	[tilespmem:$0x6F8] =	vst v0  }
0x75: {  	[tilespmem:$0x708] =	vst v0  }
0x76: {  	[tilespmem:$0x718] =	vst v0  }
0x77: {  	[tilespmem:$0x728] =	vst v0  }
0x78: {  	[tilespmem:$0x738] =	vst v0  }
0x79: {  	[tilespmem:$0x748] =	vst v0  }
0x7a: {  	[tilespmem:$0x758] =	vst v0  }
0x7b: {  	[tilespmem:$0x768] =	vst v0  }
0x7c: {  	[tilespmem:$0x778] =	vst v0  }
0x7d: {  	[tilespmem:$0x788] =	vst v0  }
0x7e: {  	[tilespmem:$0x798] =	vst v0  }
0x7f: {  	[tilespmem:$0x7A8] =	vst v0  }
0x80: {  	[tilespmem:$0x7B8] =	vst v0  }
0x81: {  	[tilespmem:$0x7C8] =	vst v0  }
0x82: {  	[tilespmem:$0x7D8] =	vst v0  }
0x83: {  	[tilespmem:$0x7E8] =	vst v0  }
0x84: {  	[tilespmem:$0x7F8] =	vst v0  }
0x85: {  	[tilespmem:$0x808] =	vst v0  }
0x86: {  	[tilespmem:$0x818] =	vst v0  }
0x87: {  	[tilespmem:$0x828] =	vst v0  }
0x88: {  	[tilespmem:$0x838] =	vst v0  }
0x89: {  	[tilespmem:$0x848] =	vst v0  }
0x8a: {  	[tilespmem:$0x858] =	vst v0  }
0x8b: {  	[tilespmem:$0x868] =	vst v0  }
0x8c: {  	[tilespmem:$0x878] =	vst v0  }
0x8d: {  	[tilespmem:$0x888] =	vst v0  }
0x8e: {  	[tilespmem:$0x898] =	vst v0  }
0x8f: {  	[tilespmem:$0x8A8] =	vst v0  }
0x90: {  	[tilespmem:$0x8B8] =	vst v0  }
0x91: {  	[tilespmem:$0x8C8] =	vst v0  }
0x92: {  	[tilespmem:$0x8D8] =	vst v0  }
0x93: {  	[tilespmem:$0x8E8] =	vst v0  }
0x94: {  	[tilespmem:$0x8F8] =	vst v0  }
0x95: {  	[tilespmem:$0x908] =	vst v0  }
0x96: {  	[tilespmem:$0x918] =	vst v0  }
0x97: {  	[tilespmem:$0x928] =	vst v0  }
0x98: {  	[tilespmem:$0x938] =	vst v0  }
0x99: {  	[tilespmem:$0x948] =	vst v0  }
0x9a: {  	[tilespmem:$0x958] =	vst v0  }
0x9b: {  	[tilespmem:$0x968] =	vst v0  }
0x9c: {  	[tilespmem:$0x978] =	vst v0  }
0x9d: {  	[tilespmem:$0x988] =	vst v0  }
0x9e: {  	[tilespmem:$0x998] =	vst v0  }
0x9f: {  	[tilespmem:$0x9A8] =	vst v0  }
0xa0: {  	[tilespmem:$0x9B8] =	vst v0  }
0xa1: {  	[tilespmem:$0x9C8] =	vst v0  }
0xa2: {  	[tilespmem:$0x9D8] =	vst v0  }
0xa3: {  	[tilespmem:$0x9E8] =	vst v0  }
0xa4: {  	[tilespmem:$0x9F8] =	vst v0  }
0xa5: {  	[tilespmem:$0xA08] =	vst v0  }
0xa6: {  	[tilespmem:$0xA18] =	vst v0  }
0xa7: {  	[tilespmem:$0xA28] =	vst v0  }
0xa8: {  	[tilespmem:$0xA38] =	vst v0  }
0xa9: {  	[tilespmem:$0xA48] =	vst v0  }
0xaa: {  	[tilespmem:$0xA58] =	vst v0  }
0xab: {  	[tilespmem:$0xA68] =	vst v0  }
0xac: {  	[tilespmem:$0xA78] =	vst v0  }
0xad: {  	[tilespmem:$0xA88] =	vst v0  }
0xae: {  	[tilespmem:$0xA98] =	vst v0  }
0xaf: {  	[tilespmem:$0xAA8] =	vst v0  }
0xb0: {  	[tilespmem:$0xAB8] =	vst v0  }
0xb1: {  	[tilespmem:$0xAC8] =	vst v0  }
0xb2: {  	[tilespmem:$0xAD8] =	vst v0  }
0xb3: {  	[tilespmem:$0xAE8] =	vst v0  }
0xb4: {  	[tilespmem:$0xAF8] =	vst v0  }
0xb5: {  	[tilespmem:$0xB08] =	vst v0  }
0xb6: {  	[tilespmem:$0xB18] =	vst v0  }
0xb7: {  	[tilespmem:$0xB28] =	vst v0  }
0xb8: {  	[tilespmem:$0xB38] =	vst v0  }
0xb9: {  	[tilespmem:$0xB48] =	vst v0  }
0xba: {  	[tilespmem:$0xB58] =	vst v0  }
0xbb: {  	[tilespmem:$0xB68] =	vst v0  }
0xbc: {  	[tilespmem:$0xB78] =	vst v0  }
0xbd: {  	[tilespmem:$0xB88] =	vst v0  }
0xbe: {  	[tilespmem:$0xB98] =	vst v0  }
0xbf: {  	[tilespmem:$0xBA8] =	vst v0  }
0xc0: {  	[tilespmem:$0xBB8] =	vst v0  }
0xc1: {  	[tilespmem:$0xBC8] =	vst v0  }
0xc2: {  	[tilespmem:$0xBD8] =	vst v0  }
0xc3: {  	[tilespmem:$0xBE8] =	vst v0  }
0xc4: {  	[tilespmem:$0xBF8] =	vst v0  }
0xc5: {  	[tilespmem:$0xC08] =	vst v0  }
0xc6: {  	[tilespmem:$0xC18] =	vst v0  }
0xc7: {  	[tilespmem:$0xC28] =	vst v0  }
0xc8: {  	[tilespmem:$0xC38] =	vst v0  }
0xc9: {  	[tilespmem:$0xC48] =	vst v0  }
0xca: {  	[tilespmem:$0xC58] =	vst v0  }
0xcb: {  	[tilespmem:$0xC68] =	vst v0  }
0xcc: {  	[tilespmem:$0xC78] =	vst v0  }
0xcd: {  	[tilespmem:$0xC88] =	vst v0  }
0xce: {  	[tilespmem:$0xC98] =	vst v0  }
0xcf: {  	[tilespmem:$0xCA8] =	vst v0  }
0xd0: {  	[tilespmem:$0xCB8] =	vst v0  }
0xd1: {  	[tilespmem:$0xCC8] =	vst v0  }
0xd2: {  	[tilespmem:$0xCD8] =	vst v0  }
0xd3: {  	[tilespmem:$0xCE8] =	vst v0  }
0xd4: {  	[tilespmem:$0xCF8] =	vst v0  }
0xd5: {  	[tilespmem:$0xD08] =	vst v0  }
0xd6: {  	[tilespmem:$0xD18] =	vst v0  }
0xd7: {  	[tilespmem:$0xD28] =	vst v0  }
0xd8: {  	[tilespmem:$0xD38] =	vst v0  }
0xd9: {  	[tilespmem:$0xD48] =	vst v0  }
0xda: {  	[tilespmem:$0xD58] =	vst v0  }
0xdb: {  	[tilespmem:$0xD68] =	vst v0  }
0xdc: {  	[tilespmem:$0xD78] =	vst v0  }
0xdd: {  	[tilespmem:$0xD88] =	vst v0  }
0xde: {  	[tilespmem:$0xD98] =	vst v0  }
0xdf: {  	[tilespmem:$0xDA8] =	vst v0  }
0xe0: {  	[tilespmem:$0xDB8] =	vst v0  }
0xe1: {  	[tilespmem:$0xDC8] =	vst v0  }
0xe2: {  	[tilespmem:$0xDD8] =	vst v0  }
0xe3: {  	[tilespmem:$0xDE8] =	vst v0  }
0xe4: {  	[tilespmem:$0xDF8] =	vst v0  }
0xe5: {  	[tilespmem:$0xE08] =	vst v0  }
0xe6: {  	[tilespmem:$0xE18] =	vst v0  }
0xe7: {  	[tilespmem:$0xE28] =	vst v0  }
0xe8: {  	[tilespmem:$0xE38] =	vst v0  }
0xe9: {  	[tilespmem:$0xE48] =	vst v0  }
0xea: {  	[tilespmem:$0xE58] =	vst v0  }
0xeb: {  	[tilespmem:$0xE68] =	vst v0  }
0xec: {  	[tilespmem:$0xE78] =	vst v0  }
0xed: {  	[tilespmem:$0xE88] =	vst v0  }
0xee: {  	[tilespmem:$0xE98] =	vst v0  }
0xef: {  	[tilespmem:$0xEA8] =	vst v0  }
0xf0: {  	[tilespmem:$0xEB8] =	vst v0  }
0xf1: {  	[tilespmem:$0xEC8] =	vst v0  }
0xf2: {  	[tilespmem:$0xED8] =	vst v0  }
0xf3: {  	[tilespmem:$0xEE8] =	vst v0  }
0xf4: {  	[tilespmem:$0xEF8] =	vst v0  }
0xf5: {  	[tilespmem:$0xF08] =	vst v0  }
0xf6: {  	[tilespmem:$0xF18] =	vst v0  }
0xf7: {  	[tilespmem:$0xF28] =	vst v0  }
0xf8: {  	[tilespmem:$0xF38] =	vst v0  }
0xf9: {  	[tilespmem:$0xF48] =	vst v0  }
0xfa: {  	[tilespmem:$0xF58] =	vst v0  }
0xfb: {  	[tilespmem:$0xF68] =	vst v0  }
0xfc: {  	[tilespmem:$0xF78] =	vst v0  }
0xfd: {  	[tilespmem:$0xF88] =	vst v0  }
0xfe: {  	[tilespmem:$0xF98] =	vst v0  }
0xff: {  	[tilespmem:$0xFA8] =	vst v0  }
0x100: {  	[tilespmem:$0xFB8] =	vst v0  }
0x101: {  	[tilespmem:$0xFC8] =	vst v0  }
0x102: {  	[tilespmem:$0xFD8] =	vst v0  }
0x103: {  	[tilespmem:$0xFE8] =	vst v0  }
0x104: {  	[tilespmem:$0xFF8] =	vst v0  }
0x105: {  	[tilespmem:$0x1008] =	vst v0  }
0x106: {  	[tilespmem:$0x10D8] =	vst v0  }
0x107: {  	[tilespmem:$0x1048] =	vst v0  }
0x108: {  	[tilespmem:$0x1B28] =	vst v0  }
0x109: {  	[tilespmem:$0x1B18] =	vst v0  }
0x10a: {  	[tilespmem:$0x1B08] =	vst v0  }
0x10b: {  	[tilespmem:$0x1AF8] =	vst v0  }
0x10c: {  	[tilespmem:$0x1AE8] =	vst v0  }
0x10d: {  	[tilespmem:$0x1AD8] =	vst v0  }
0x10e: {  	[tilespmem:$0x1AC8] =	vst v0  }
0x10f: {  	[tilespmem:$0x1AB8] =	vst v0  }
0x110: {  	[tilespmem:$0x1AA8] =	vst v0  }
0x111: {  	[tilespmem:$0x1A98] =	vst v0  }
0x112: {  	[tilespmem:$0x1A88] =	vst v0  }
0x113: {  	[tilespmem:$0x1A78] =	vst v0  }
0x114: {  	[tilespmem:$0x1A68] =	vst v0  }
0x115: {  	[tilespmem:$0x1A58] =	vst v0  }
0x116: {  	[tilespmem:$0x1A48] =	vst v0  }
0x117: {  	[tilespmem:$0x1A38] =	vst v0  }
0x118: {  	[tilespmem:$0x1A28] =	vst v0  }
0x119: {  	[tilespmem:$0x1A18] =	vst v0  }
0x11a: {  	[tilespmem:$0x1A08] =	vst v0  }
0x11b: {  	[tilespmem:$0x19F8] =	vst v0  }
0x11c: {  	[tilespmem:$0x19E8] =	vst v0  }
0x11d: {  	[tilespmem:$0x19D8] =	vst v0  }
0x11e: {  	[tilespmem:$0x19C8] =	vst v0  }
0x11f: {  	[tilespmem:$0x19B8] =	vst v0  }
0x120: {  	[tilespmem:$0x19A8] =	vst v0  }
0x121: {  	[tilespmem:$0x1998] =	vst v0  }
0x122: {  	[tilespmem:$0x1988] =	vst v0  }
0x123: {  	[tilespmem:$0x1978] =	vst v0  }
0x124: {  	[tilespmem:$0x1968] =	vst v0  }
0x125: {  	[tilespmem:$0x1958] =	vst v0  }
0x126: {  	[tilespmem:$0x1948] =	vst v0  }
0x127: {  	[tilespmem:$0x1938] =	vst v0  }
0x128: {  	[tilespmem:$0x1928] =	vst v0  }
0x129: {  	[tilespmem:$0x1918] =	vst v0  }
0x12a: {  	[tilespmem:$0x1908] =	vst v0  }
0x12b: {  	[tilespmem:$0x18F8] =	vst v0  }
0x12c: {  	[tilespmem:$0x18E8] =	vst v0  }
0x12d: {  	[tilespmem:$0x18D8] =	vst v0  }
0x12e: {  	[tilespmem:$0x18C8] =	vst v0  }
0x12f: {  	[tilespmem:$0x18B8] =	vst v0  }
0x130: {  	[tilespmem:$0x18A8] =	vst v0  }
0x131: {  	[tilespmem:$0x1898] =	vst v0  }
0x132: {  	[tilespmem:$0x1888] =	vst v0  }
0x133: {  	[tilespmem:$0x1878] =	vst v0  }
0x134: {  	[tilespmem:$0x1868] =	vst v0  }
0x135: {  	[tilespmem:$0x1858] =	vst v0  }
0x136: {  	[tilespmem:$0x1848] =	vst v0  }
0x137: {  	[tilespmem:$0x1838] =	vst v0  }
0x138: {  	[tilespmem:$0x1828] =	vst v0  }
0x139: {  	[tilespmem:$0x1818] =	vst v0  }
0x13a: {  	[tilespmem:$0x1808] =	vst v0  }
0x13b: {  	[tilespmem:$0x17F8] =	vst v0  }
0x13c: {  	[tilespmem:$0x17E8] =	vst v0  }
0x13d: {  	[tilespmem:$0x17D8] =	vst v0  }
0x13e: {  	[tilespmem:$0x17C8] =	vst v0  }
0x13f: {  	[tilespmem:$0x17B8] =	vst v0  }
0x140: {  	[tilespmem:$0x17A8] =	vst v0  }
0x141: {  	[tilespmem:$0x1798] =	vst v0  }
0x142: {  	[tilespmem:$0x1788] =	vst v0  }
0x143: {  	[tilespmem:$0x1778] =	vst v0  }
0x144: {  	[tilespmem:$0x1768] =	vst v0  }
0x145: {  	[tilespmem:$0x1758] =	vst v0  }
0x146: {  	[tilespmem:$0x1748] =	vst v0  }
0x147: {  	[tilespmem:$0x1738] =	vst v0  }
0x148: {  	[tilespmem:$0x1728] =	vst v0  }
0x149: {  	[tilespmem:$0x1718] =	vst v0  }
0x14a: {  	[tilespmem:$0x1708] =	vst v0  }
0x14b: {  	[tilespmem:$0x16F8] =	vst v0  }
0x14c: {  	[tilespmem:$0x16E8] =	vst v0  }
0x14d: {  	[tilespmem:$0x16D8] =	vst v0  }
0x14e: {  	[tilespmem:$0x16C8] =	vst v0  }
0x14f: {  	[tilespmem:$0x16B8] =	vst v0  }
0x150: {  	[tilespmem:$0x16A8] =	vst v0  }
0x151: {  	[tilespmem:$0x1698] =	vst v0  }
0x152: {  	[tilespmem:$0x1688] =	vst v0  }
0x153: {  	[tilespmem:$0x1678] =	vst v0  }
0x154: {  	[tilespmem:$0x1668] =	vst v0  }
0x155: {  	[tilespmem:$0x1658] =	vst v0  }
0x156: {  	[tilespmem:$0x1648] =	vst v0  }
0x157: {  	[tilespmem:$0x1638] =	vst v0  }
0x158: {  	[tilespmem:$0x1628] =	vst v0  }
0x159: {  	[tilespmem:$0x1618] =	vst v0  }
0x15a: {  	[tilespmem:$0x1608] =	vst v0  }
0x15b: {  	[tilespmem:$0x15F8] =	vst v0  }
0x15c: {  	[tilespmem:$0x15E8] =	vst v0  }
0x15d: {  	[tilespmem:$0x15D8] =	vst v0  }
0x15e: {  	[tilespmem:$0x15C8] =	vst v0  }
0x15f: {  	[tilespmem:$0x15B8] =	vst v0  }
0x160: {  	[tilespmem:$0x15A8] =	vst v0  }
0x161: {  	[tilespmem:$0x1598] =	vst v0  }
0x162: {  	[tilespmem:$0x1588] =	vst v0  }
0x163: {  	[tilespmem:$0x1578] =	vst v0  }
0x164: {  	[tilespmem:$0x1568] =	vst v0  }
0x165: {  	[tilespmem:$0x1558] =	vst v0  }
0x166: {  	[tilespmem:$0x1548] =	vst v0  }
0x167: {  	[tilespmem:$0x1538] =	vst v0  }
0x168: {  	[tilespmem:$0x1528] =	vst v0  }
0x169: {  	[tilespmem:$0x1518] =	vst v0  }
0x16a: {  	[tilespmem:$0x1508] =	vst v0  }
0x16b: {  	[tilespmem:$0x14F8] =	vst v0  }
0x16c: {  	[tilespmem:$0x14E8] =	vst v0  }
0x16d: {  	[tilespmem:$0x14D8] =	vst v0  }
0x16e: {  	[tilespmem:$0x14C8] =	vst v0  }
0x16f: {  	[tilespmem:$0x14B8] =	vst v0  }
0x170: {  	[tilespmem:$0x14A8] =	vst v0  }
0x171: {  	[tilespmem:$0x1498] =	vst v0  }
0x172: {  	[tilespmem:$0x1488] =	vst v0  }
0x173: {  	[tilespmem:$0x1478] =	vst v0  }
0x174: {  	[tilespmem:$0x1468] =	vst v0  }
0x175: {  	[tilespmem:$0x1458] =	vst v0  }
0x176: {  	[tilespmem:$0x1448] =	vst v0  }
0x177: {  	[tilespmem:$0x1438] =	vst v0  }
0x178: {  	[tilespmem:$0x1428] =	vst v0  }
0x179: {  	[tilespmem:$0x1418] =	vst v0  }
0x17a: {  	[tilespmem:$0x1408] =	vst v0  }
0x17b: {  	[tilespmem:$0x13F8] =	vst v0  }
0x17c: {  	[tilespmem:$0x13E8] =	vst v0  }
0x17d: {  	[tilespmem:$0x13D8] =	vst v0  }
0x17e: {  	[tilespmem:$0x13C8] =	vst v0  }
0x17f: {  	[tilespmem:$0x13B8] =	vst v0  }
0x180: {  	[tilespmem:$0x13A8] =	vst v0  }
0x181: {  	[tilespmem:$0x1398] =	vst v0  }
0x182: {  	[tilespmem:$0x1388] =	vst v0  }
0x183: {  	[tilespmem:$0x1378] =	vst v0  }
0x184: {  	[tilespmem:$0x1368] =	vst v0  }
0x185: {  	[tilespmem:$0x1358] =	vst v0  }
0x186: {  	[tilespmem:$0x1348] =	vst v0  }
0x187: {  	[tilespmem:$0x1338] =	vst v0  }
0x188: {  	[tilespmem:$0x1328] =	vst v0  }
0x189: {  	[tilespmem:$0x1318] =	vst v0  }
0x18a: {  	[tilespmem:$0x1308] =	vst v0  }
0x18b: {  	[tilespmem:$0x12F8] =	vst v0  }
0x18c: {  	[tilespmem:$0x12E8] =	vst v0  }
0x18d: {  	[tilespmem:$0x12D8] =	vst v0  }
0x18e: {  	[tilespmem:$0x12C8] =	vst v0  }
0x18f: {  	[tilespmem:$0x12B8] =	vst v0  }
0x190: {  	[tilespmem:$0x12A8] =	vst v0  }
0x191: {  	[tilespmem:$0x1298] =	vst v0  }
0x192: {  	[tilespmem:$0x1288] =	vst v0  }
0x193: {  	[tilespmem:$0x1278] =	vst v0  }
0x194: {  	[tilespmem:$0x1268] =	vst v0  }
0x195: {  	[tilespmem:$0x1258] =	vst v0  }
0x196: {  	[tilespmem:$0x1248] =	vst v0  }
0x197: {  	[tilespmem:$0x1238] =	vst v0  }
0x198: {  	[tilespmem:$0x1228] =	vst v0  }
0x199: {  	[tilespmem:$0x1218] =	vst v0  }
0x19a: {  	[tilespmem:$0x1208] =	vst v0  }
0x19b: {  	[tilespmem:$0x11F8] =	vst v0  }
0x19c: {  	[tilespmem:$0x11E8] =	vst v0  }
0x19d: {  	[tilespmem:$0x11D8] =	vst v0  }
0x19e: {  	[tilespmem:$0x11C8] =	vst v0  }
0x19f: {  	[tilespmem:$0x11B8] =	vst v0  }
0x1a0: {  	[tilespmem:$0x11A8] =	vst v0  }
0x1a1: {  	[tilespmem:$0x1198] =	vst v0  }
0x1a2: {  	[tilespmem:$0x1188] =	vst v0  }
0x1a3: {  	[tilespmem:$0x1178] =	vst v0  }
0x1a4: {  	[tilespmem:$0x1168] =	vst v0  }
0x1a5: {  	[tilespmem:$0x1158] =	vst v0  }
0x1a6: {  	[tilespmem:$0x1148] =	vst v0  }
0x1a7: {  	[tilespmem:$0x1138] =	vst v0  }
0x1a8: {  	[tilespmem:$0x1128] =	vst v0  }
0x1a9: {  	s5 =	stileid.u32;
	[tilespmem:$0x1118] =	vst v0  }
0x1aa: {  	s0 =	smul.u32 $0x39, s5;
	[tilespmem:$0x1108] =	vst v0  }
0x1ab: {  	s2 =	smin.u32 s5, $0xE;
	[tilespmem:$0x10F8] =	vst v0  }
0x1ac: {  	[tilespmem:$0x10E8] =	vst v0;
	s0 =	sadd.s32 s2, s0  }
0x1ad: {  	p0 =	slt.u32 s5, $0xE;
	[tilespmem:$0x10B8] =	vst v0;
	s2 =	simm.s32 $0x61E0;
	s7 =	smul.u32 $0x1B0, s0  }
0x1ae: {  	s2 =	simm.s32 @!p0 $0x6030;
	[tilespmem:$0x10C8] =	vst v0  }
0x1af: {  	[tilespmem:$0x10A8] =	vst v0;
	s0 =	sadd.s32 s2, s7  }
0x1b0: {  	[tilespmem:$0x1038] =	vst v0;
	s8 =	smin.u32 s0, $0x61A80  }
0x1b1: {  	s9 =	simm.s32 $0x2;
	s28 =	simm.s32 $0x9;
	[tilespmem:$0x1098] =	vst v0;
	s0 =	ssub.s32 s8, s7  }
0x1b2: {  	s11 =	simm.s32 $0xA;
	s29 =	simm.s32 $0xB;
	[tilespmem:$0x1088] =	vst v0;
	p0 =	sgt.s32 s0, $0x0  }
0x1b3: {  	s16 =	simm.s32 $0x0;
	p4 =	por $0x0, $0x0;
	[tilespmem:$0x1078] =	vst v0;
	s0 =	simm.s32 @!p0 $0x0  }
0x1b4: {  	s17 =	simm.s32 $0xC;
	s21 =	simm.s32 $0x0;
	[tilespmem:$0x1068] =	vst v0;
	s25 =	smulhi.u32 $0x4BDA12F7, s0  }
0x1b5: {  	s18 =	simm.s32 $0x0;
	s20 =	simm.s32 $0x0;
	s6 =	sand.u32 $0x1, s3;
	[tilespmem:$0x1058] =	vst v0  }
0x1b6: {  	[dreg:$0x8] =	wrdreg s6;
	s6 =	smul.u32 $0xC350, s6;
	[tilespmem:$0x1028] =	vst v0;
	s2 =	sshrl.u32 s25, $0x7  }
0x1b7: {  	s31 =	sshll.u32 s5, $0x5;
	[tilespmem:$0x1018] =	vst v0;
	[sflag:s9] =	ssyncpa.u1 $0x0;
	v0 =	vimm.s32 $0xFFFFFFFF;
	s26 =	smul.u32 $0x1B0, s2  }
.Ltmp0:
0x1b8: {  	[dreg:$0x7] =	wrdreg s31;
	[tilespmem:$0x3648] =	vst v0;
	[sflag:s28] =	ssyncpa.u1 $0x0;
	(pc) =	sbr.rel .LBB2_1-.Ltmp0, $4  }
0x1b9: {  	[sflag:s11] =	ssyncpa.u1 $0x0;
	s30 =	sadd.s32 s6, s12;
	p0 =	sne.s32 s0, s26  }
0x1ba: {  	[sflag:s29] =	ssyncpa.u1 $0x0;
	s15 =	sadd.s32 $0x3DE00, s30;
	s14 =	simm.s32 @!p0 $0x0  }
0x1bb: {  	s19 =	smov.u32 s7;
	[dreg:$0x9] =	wrdreg s7;
	s12 =	sadd.s32 s14, s2  }
0x1bc: {  	v0 =	vlaneseq.u32;
	p0 =	por $0x1, $0x1;
	s14 =	sadd.s32 s6, s13;
	s5 =	sadd.s32 $0x1, s12  }
.LBB2_18:
0x1bd: {  	s0 =	simm.s32 $0x2  }
0x1be: {  	_ =	swait.ge [sflag:s0], $0x0  }
0x1bf: {  	[sflag:s0] =	ssyncset.done $0x0;
	s0 =	simm.s32 $0x0  }
.LBB2_19:
0x1c0: {  	_ =	swait.ge [sflag:s17], s0  }
0x1c1: {  	s31 =	ssub.s32 $0x0, s0;
	v1 =	vmov s23;
	vm0 =	veq.s32 v0, $0x0;
	[sflag:s17] =	ssyncset.done $0x0  }
0x1c2: {  	vm15 =	veq.s32 v0, $0x2;
	v1 =	vsel vm0, s28, v1;
	[sflag:s17] =	ssyncadd.s32 s31  }
0x1c3: {  	v1 =	vsel vm15, s21, v1;
	[sflag:s17] =	ssyncpa.u1 $0x1  }
0x1c4: {  	[tilespmem:$0x3648] =	vst v1  }
.LBB2_20:
0x1c5: {  	s0 =	sadd.s32 $0x1B0, s19  }
0x1c6: {  	s2 =	smov.u32 s7;
	p1 =	slt.s32 s0, s8  }
0x1c7: {  	s2 =	smov.u32 @p1 s0;
	p1 =	sne.s32 s20, s5  }
.Ltmp1:
0x1c8: {  	_ = 	snop;
	(pc) =	sbr.rel @!p1 .LBB2_21-.Ltmp1, $4  }
0x1c9: {  	_ = 	snop  }
0x1ca: {  	s21 =	smov.u32 s18  }
0x1cb: {  	s31 =	sadd.s32 $0x1, s20;
	s18 =	smov.u32 s19;
	p0 =	por !p0, !p0  }
0x1cc: {  	p4 =	por !p4, !p4;
	s20 =	smov.u32 s31;
	s19 =	smov.u32 s2  }
.LBB2_1:
0x1cd: {  	p2 =	sge.u32 s20, s12  }
0x1ce: {  	s0 =	smulhi.u32 @!p2 $0xAAAAAAAB, s20  }
0x1cf: {  	s2 =	smov.u32 s19;
	p3 =	sgt.s32 @!p2 s19, $0x618D0  }
0x1d0: {  	s3 =	sshra.s32 @!p2 s19, $0x1F;
	p3 =	por !p3, p2;
	s0 =	sshrl.u32 @!p2 s0, $0x1  }
0x1d1: {  	s3 =	sand.u32 @!p2 s3, s19;
	s2 =	simm.s32 @p3 $0x618D0;
	s0 =	smul.u32 @!p2 $0x3, s0  }
0x1d2: {  	s2 =	ssub.s32 @!p2 s2, s3  }
0x1d3: {  	s23 =	sadd.s32 $0xFFFFFFFF, s20;
	s2 =	sadd.s32 @!p2 $0xFFF9E730, s2;
	s0 =	ssub.s32 @!p2 s20, s0  }
0x1d4: {  	s3 =	sshll.u32 @!p2 s2, $0x2;
	p3 =	sgt.s32 @!p2 s2, $0x1AF;
	s0 =	smul.u32 @!p2 $0x6C0, s0  }
0x1d5: {  	s6 =	sand.u32 @!p2 $0x7, s19;
	s2 =	ssub.s32 @!p2 $0x6C0, s3;
	p3 =	por !p3, p2  }
0x1d6: {  	s3 =	sshrl.u32 @!p2 s19, $0x3;
	s2 =	sshrl.u32 @!p2 s2, $0x2;
	s0 =	sshrl.u32 @!p2 s0, $0x2  }
0x1d7: {  	s3 =	sadd.s32 @!p2 s3, s14;
	s2 =	simm.s32 @!p3 $0x0;
	s0 =	sadd.s32 @!p2 $0x3888, s0  }
0x1d8: {  	[tilespmem:s0], [sflag:$0xA] =	stream.linear.gather @!p2 [hbm4b:s3+s6], s2, $0x38;
	[tilespmem:$0x1F0F8] =	vst v63  }
0x1d9: {  	p2 =	sge.u32 s23, s12  }
0x1da: {  	p3 =	sgt.s32 @!p2 s18, $0x618D0  }
0x1db: {  	s0 =	smov.u32 s18;
	s2 =	sshra.s32 @!p2 s18, $0x1F;
	p3 =	por !p3, p2  }
0x1dc: {  	s2 =	sand.u32 @!p2 s2, s18;
	s0 =	simm.s32 @p3 $0x618D0  }
0x1dd: {  	s0 =	ssub.s32 @!p2 s0, s2  }
0x1de: {  	s0 =	sadd.s32 @!p2 $0xFFF9E730, s0  }
0x1df: {  	s2 =	sshll.u32 @!p2 s0, $0x2  }
0x1e0: {  	p3 =	sgt.s32 @!p2 s0, $0x1AF;
	s0 =	ssub.s32 @!p2 $0x6C0, s2  }
0x1e1: {  	s22 =	ssub.s32 @!p2 $0x61A80, s18;
	p3 =	por !p3, p2;
	s0 =	sshrl.u32 @!p2 s0, $0x2  }
0x1e2: {  	s2 =	sand.u32 @!p2 $0x1, s23;
	s0 =	simm.s32 @!p3 $0x0;
	p3 =	slt.s32 @!p2 s22, $0x1  }
0x1e3: {  	s3 =	simm.s32 @!p2 $0xA;
	s2 =	smul.u32 @!p2 $0x6C0, s2;
	p3 =	por p2, p3  }
.Ltmp2:
0x1e4: {  	_ =	swait.ge @!p2 [sflag:s3], s0;
	(pc) =	sbr.rel @p3 .LBB2_7-.Ltmp2, $4  }
0x1e5: {  	s6 =	ssub.s32 @!p2 $0x0, s0;
	[sflag:s3] =	ssyncset.done @!p2 $0x0  }
0x1e6: {  	s2 =	sshrl.u32 @!p2 s2, $0x2;
	[sflag:s3] =	ssyncadd.s32 @!p2 s6;
	s3 =	sshrl.u32 @!p2 s18, $0x3  }
0x1e7: {  	s2 =	sadd.s32 @!p2 $0x3D98, s2;
	s6 =	sand.u32 @!p2 $0x7, s18;
	s3 =	sadd.s32 @!p2 s3, s15  }
0x1e8: {  	[tilespmem:s2], [sflag:$0xB] =	stream.linear.gather @!p2 [hbm4b:s3+s6], s0, $0x38;
	[tilespmem:$0x1F0F8] =	vst v63  }
0x1e9: {  	s0 =	smulhi.u32 $0xAAAAAAAB, s23;
	_ =	sdelay $0x1  }
0x1ea: {  	s0 =	sshrl.u32 s0, $0x1  }
0x1eb: {  	s0 =	smul.u32 $0x3, s0;
	_ =	sdelay $0x1  }
0x1ec: {  	s0 =	ssub.s32 s23, s0  }
0x1ed: {  	s2 =	simm.s32 $0x1;
	s0 =	smul.u32 $0x6C0, s0  }
.Ltmp3:
0x1ee: {  	s2 =	simm.s32 @!p0 $0x0;
	(pc) =	sbr.rel .LBB2_4-.Ltmp3, $4  }
0x1ef: {  	s2 =	smul.u32 $0x36000, s2  }
0x1f0: {  	p3 =	slt.s32 @!p2 s22, $0x1B0;
	s0 =	sshrl.u32 s0, $0x2  }
0x1f1: {  	p2 =	por !p3, p2;
	s2 =	sshrl.u32 s2, $0x2;
	s0 =	sadd.s32 $0x3888, s0  }
0x1f2: {  	s24 =	simm.s32 $0x0;
	s22 =	simm.s32 @p2 $0x1B0;
	s23 =	sadd.s32 $0x40F8, s2;
	v1 =	vmov s0  }
.LBB2_3:
0x1f3: {  	p2 =	sge.s32 s24, s22  }
.Ltmp4:
0x1f4: {  	_ = 	snop;
	(pc) =	sbr.rel @p2 .LBB2_7-.Ltmp4, $2  }
0x1f5: {  	_ =	sdelay $0x2  }
0x1f6: {  	s23 =	sadd.s32 $0x800, s23  }
.LBB2_4:
0x1f7: {  	p2 =	sle.s32 s22, s24  }
.Ltmp5:
0x1f8: {  	_ = 	snop;
	(pc) =	sbr.rel @p2 .LBB2_3-.Ltmp5, $2  }
0x1f9: {  	_ =	sdelay $0x2  }
0x1fa: {  	s0 =	smov.u32 s24;
	s24 =	sadd.s32 $0x10, s24  }
0x1fb: {  	s2 =	ssub.s32 s22, s0  }
0x1fc: {  	p2 =	slt.s32 s2, $0x10  }
0x1fd: {  	s2 =	simm.s32 @!p2 $0x10  }
0x1fe: {  	v2 =	vmov s2  }
0x1ff: {  	vm0 =	vgt.s32 v2, v0;
	_ =	sdelay $0x5  }
0x200: {  	v2 =	vld.idx.msk [tilespmem:v1+s0+$0x0 ss:$0x1], vm0;
	_ =	sdelay $0x2  }
0x201: {  	p2 =	slt.s32 s24, s22;
	s2 =	smov.u32 s22  }
0x202: {  	s3 =	smov.u32 s23;
	s25 =	simm.s32 $0x0;
	s2 =	smov.u32 @p2 s24  }
.LBB2_6:
0x203: {  	(v2sf) =	vpush v2, s25;
	_ =	sdelay $0xc  }
0x204: {  	s25 =	sadd.s32 $0x1, s25  }
0x205: {  	s31 =	sadd.s32 s25, s0  }
0x206: {  	p2 =	slt.s32 s31, s2;
	s6 =	spop (v2sf)  }
.Ltmp6:
0x207: {  	s6 =	sshll.u32 s6, $0x4;
	(pc) =	sbr.rel @p2 .LBB2_6-.Ltmp6, $4  }
0x208: {  	s6 =	sand.u32 $0x1FFFFFF0, s6  }
0x209: {  	s6 =	sadd.s32 s4, s6  }
0x20a: {  	[tilespmem:s3], [sflag:$0x9] =	stream.linear.gather [hbm4b:s6+s16], $0x8, $0x38;
	[tilespmem:$0x1F0F8] =	vst v63  }
0x20b: {  	s3 =	sadd.s32 $0x80, s3  }
.Ltmp7:
0x20c: {  	_ = 	snop;
	(pc) =	sbr.rel .LBB2_3-.Ltmp7, $1  }
0x20d: {  	_ =	sdelay $0x3  }
.LBB2_7:
0x20e: {  	p2 =	slt.u32 s20, $0x2  }
.Ltmp8:
0x20f: {  	_ = 	snop;
	(pc) =	sbr.rel @p2 .LBB2_20-.Ltmp8, $1  }
0x210: {  	_ =	sdelay $0x3  }
0x211: {  	p2 =	sgt.s32 s21, $0x618D0  }
0x212: {  	s0 =	smov.u32 s21;
	s2 =	sshra.s32 s21, $0x1F;
	s3 =	ssub.s32 $0x61A80, s21  }
0x213: {  	s0 =	simm.s32 @!p2 $0x618D0;
	s2 =	sand.u32 s2, s21;
	p2 =	slt.s32 s3, $0x1B0  }
0x214: {  	s0 =	ssub.s32 s0, s2;
	s3 =	simm.s32 @!p2 $0x1B0  }
0x215: {  	s0 =	sadd.s32 $0xFFF9E730, s0;
	s24 =	sshll.u32 s3, $0x3  }
0x216: {  	s28 =	simm.s32 $0x9;
	s25 =	sshll.u32 s0, $0x2;
	s2 =	sand.u32 $0x3FFFFFF8, s24  }
0x217: {  	p2 =	sgt.s32 s0, $0x1AF;
	s26 =	ssub.s32 $0x6C0, s25;
	_ =	swait.ge [sflag:s28], s2  }
0x218: {  	s2 =	ssub.s32 $0x0, s2;
	[sflag:s28] =	ssyncset.done $0x0;
	s0 =	sshrl.u32 s26, $0x2  }
0x219: {  	s30 =	simm.s32 $0xB;
	[sflag:s28] =	ssyncadd.s32 s2;
	s0 =	simm.s32 @p2 $0x0  }
0x21a: {  	_ =	swait.ge [sflag:s30], s0  }
0x21b: {  	s0 =	ssub.s32 $0x0, s0;
	[sflag:s30] =	ssyncset.done $0x0  }
0x21c: {  	[sflag:s30] =	ssyncadd.s32 s0  }
0x21d: {  	v1 =	vld [tilespmem:$0x3648];
	_ =	sdelay $0x4  }
0x21e: {  	(v2sf) =	vpush v1, $0x0  }
0x21f: {  	(v2sf) =	vpush v1, $0x1  }
0x220: {  	(v2sf) =	vpush v1, $0x2;
	_ =	sdelay $0x3  }
0x221: {  	s0 =	sadd.s32 $0x1B0, s21  }
0x222: {  	s2 =	ssub.s32 $0xC3500, s21;
	p2 =	slt.s32 s8, s0  }
0x223: {  	s0 =	smov.u32 @p2 s8;
	p2 =	sgt.s32 s2, $0x0  }
0x224: {  	s25 =	ssub.s32 s0, s21;
	s2 =	simm.s32 @!p2 $0x0  }
0x225: {  	p2 =	slt.s32 s2, s25  }
0x226: {  	s25 =	smov.u32 @p2 s2  }
0x227: {  	s24 =	simm.s32 $0x1;
	p2 =	slt.s32 s25, $0x1  }
.Ltmp9:
0x228: {  	s24 =	simm.s32 @!p4 $0x0;
	(pc) =	sbr.rel @p2 .LBB2_12-.Ltmp9, $4  }
0x229: {  	s31 =	smul.u32 $0x6C0, s24  }
0x22a: {  	s26 =	spop (v2sf)  }
0x22b: {  	s0 =	sshrl.u32 s31, $0x2;
	s29 =	spop (v2sf)  }
0x22c: {  	s22 =	sadd.s32 $0x3D98, s0;
	s21 =	spop (v2sf)  }
0x22d: {  	s0 =	smin.u32 s25, $0x10  }
0x22e: {  	v1 =	vmov s0  }
0x22f: {  	p3 =	sgt.s32 s25, $0x10;
	vm1 =	vgt.u32 v1, v0  }
.Ltmp10:
0x230: {  	_ = 	snop;
	(pc) =	sbr.rel @!p3 .LBB2_11-.Ltmp10, $2  }
0x231: {  	_ =	sdelay $0x2  }
0x232: {  	s23 =	simm.s32 $0x10;
	s28 =	sadd.s32 $0xFFFFFFF0, s25;
	s0 =	smov.u32 s22;
	vm0 =	vmmov vm1  }
.LBB2_10:
0x233: {  	s2 =	smin.u32 s28, $0x10;
	s23 =	sadd.s32 $0x10, s23;
	v1 =	vld.msk [tilespmem:s0+$0x0 ss:$0x1], vm1  }
0x234: {  	v2 =	vmov s2;
	p3 =	slt.s32 s23, s25  }
0x235: {  	vm1 =	vgt.u32 v2, v0  }
.Ltmp11:
0x236: {  	(pc) =	sbr.rel @p3 .LBB2_10-.Ltmp11, $3  }
0x237: {  	_ =	sdelay $0x1  }
0x238: {  	v1 =	vshll.u32 v1, $0x4  }
0x239: {  	s28 =	sadd.s32 $0xFFFFFFF0, s28;
	[tilespmem:s0+$0x0] =	vst.msk vm0, v1;
	s0 =	sadd.s32 $0x10, s0;
	vm0 =	vmmov vm1  }
.LBB2_11:
0x23a: {  	_ =	sdelay $0x4  }
0x23b: {  	v1 =	vld.msk [tilespmem:s0+$0x0 ss:$0x1], vm1;
	_ =	sdelay $0x4  }
0x23c: {  	v1 =	vshll.u32 v1, $0x4  }
0x23d: {  	[tilespmem:s0+$0x0] =	vst.msk vm0, v1  }
.LBB2_12:
0x23e: {  	s0 =	sand.u32 $0x1, s20  }
0x23f: {  	s0 =	smul.u32 $0x1B0, s0  }
0x240: {  	p3 =	sne.s32 s29, $0xFFFFFFFF  }
0x241: {  	v1 =	vld.msk @!p3 [tilespmem:s0+$0x3D98], $0x1;
	_ =	sdelay $0x4  }
0x242: {  	(v2sf) =	vpush @!p3 v1, $0x0;
	_ =	sdelay $0xc  }
.Ltmp12:
0x243: {  	_ = 	snop;
	(pc) =	sbr.rel @p2 .LBB2_18-.Ltmp12, $4  }
0x244: {  	_ = 	snop  }
0x245: {  	s28 =	spop @!p3 (v2sf)  }
0x246: {  	s21 =	simm.s32 @!p3 $0x0;
	s23 =	smov.u32 s28  }
0x247: {  	[sflag:s17] =	ssyncpa.u1 $0x0;
	s28 =	smov.u32 @p3 s26;
	s23 =	smov.u32 @p3 s29  }
0x248: {  	v1 =	vld.msk [tilespmem:s22+$0x0], $0x1;
	_ =	sdelay $0x4  }
0x249: {  	(v2sf) =	vpush v1, $0x0;
	_ =	sdelay $0xe  }
0x24a: {  	s0 =	simm.s32 @!p4 $0x0;
	s26 =	smul.u32 $0x36000, s24;
	s31 =	spop (v2sf)  }
0x24b: {  	s29 =	ssub.s32 $0x0, s25;
	s0 =	simm.s32 @p4 $0x1;
	p2 =	seq.s32 s28, s31  }
0x24c: {  	s2 =	smov.u32 s28;
	[smem:$0x7FD] =	sst s0;
	p3 =	sgt.s32 @!p2 s28, $0x0  }
0x24d: {  	s0 =	sshrl.u32 s26, $0x2;
	s26 =	sadd.s32 $0x1, s29;
	p3 =	por !p3, p2  }
0x24e: {  	s2 =	simm.s32 @p3 $0x0;
	p3 =	seq.s32 s26, $0x0  }
.Ltmp13:
0x24f: {  	_ = 	snop;
	(pc) =	sbr.rel @p3 .LBB2_15-.Ltmp13, $4  }
0x250: {  	s7 =	smov.u32 s5;
	s25 =	simm.s32 $0x0  }
0x251: {  	s24 =	sadd.s32 $0x40F8, s0;
	s0 =	simm.s32 @!p2 $0x1;
	s3 =	smin.u32 @!p2 s2, $0xC34FF  }
0x252: {  	s30 =	sadd.s32 $0x1, s22;
	s0 =	smov.u32 @p2 s25;
	s6 =	sand.u32 @!p2 $0xFFFF8, s3  }
0x253: {  	s2 =	simm.s32 @!p2 $0x1B38;
	s3 =	sand.u32 @!p2 $0x7, s3;
	s6 =	sadd.s32 @!p2 s1, s6  }
.LBB2_14:
0x254: {  	s5 =	smov.u32 s0  }
0x255: {  	[tilespmem:s2], [sflag:$0x2] =	stream.linear.gather @!p2 [hbm4b:s6+s3], $0x8, $0x38;
	[tilespmem:$0x1F0F8] =	vst v63  }
0x256: {  	s26 =	sadd.s32 $0x1, s26;
	s3 =	smov.u32 s31;
	v1 =	vld.msk [tilespmem:s30+$0x0], $0x1  }
0x257: {  	p3 =	seq.s32 s26, $0x0;
	_ =	sdelay $0x3  }
0x258: {  	(v2sf) =	vpush v1, $0x0;
	_ =	sdelay $0xe  }
0x259: {  	s31 =	spop (v2sf)  }
0x25a: {  	p2 =	seq.s32 s3, s31  }
0x25b: {  	p4 =	sgt.s32 @!p2 s3, $0x0;
	s2 =	sshll.u32 @!p2 s0, $0x6;
	s0 =	sadd.s32 @!p2 $0x1, s0  }
.Ltmp14:
0x25c: {  	p4 =	por !p4, p2;
	s2 =	sshra.s32 @!p2 s2, $0x2;
	(pc) =	sbr.rel @!p3 .LBB2_14-.Ltmp14, $4  }
0x25d: {  	s0 =	smov.u32 @p2 s5;
	s3 =	simm.s32 @p4 $0x0;
	s2 =	sadd.s32 @!p2 $0x1B38, s2  }
0x25e: {  	s3 =	smin.u32 @!p2 s3, $0xC34FF  }
0x25f: {  	s5 =	sand.u32 @!p2 $0xFFFF8, s3;
	s3 =	sand.u32 @!p2 $0x7, s3  }
0x260: {  	s30 =	sadd.s32 $0x1, s30;
	s6 =	sadd.s32 @!p2 s1, s5  }
.LBB2_15:
0x261: {  	[tilespmem:s2], [sflag:$0x2] =	stream.linear.gather @!p2 [hbm4b:s6+s3], $0x8, $0x38;
	[tilespmem:$0x1F0F8] =	vst v63  }
0x262: {  	s0 =	sshll.u32 s0, $0x3  }
0x263: {  	s31 =	simm.s32 $0x2;
	s0 =	sand.u32 $0x3FFFFFF8, s0  }
0x264: {  	_ =	swait.ge [sflag:s31], s0  }
0x265: {  	s0 =	ssub.s32 $0x0, s0;
	[sflag:s31] =	ssyncset.done $0x0  }
0x266: {  	[sflag:s31] =	ssyncadd.s32 s0  }
0x267: {  	v1 =	vld.msk [tilespmem:s22+$0x0], $0x1;
	_ =	sdelay $0x4  }
0x268: {  	(v2sf) =	vpush v1, $0x0;
	_ =	sdelay $0xe  }
0x269: {  	s26 =	spop (v2sf)  }
0x26a: {  	p2 =	sne.s32 s28, s26  }
0x26b: {  	p4 =	sne.s32 @p2 s28, s23  }
0x26c: {  	p3 =	por !p4, !p2  }
0x26d: {  	s0 =	simm.s32 @!p3 $0x0  }
0x26e: {  	v1 =	vld.msk @!p3 [tilespmem:s0+$0x1B38], $0xff  }
0x26f: {  	p5 =	sgt.u32 @!p3 s28, $0xC34FF  }
0x270: {  	s2 =	sshll.u32 @!p3 s21, $0x6;
	p6 =	por @p2 p5, !p4  }
0x271: {  	s2 =	sshra.s32 @!p3 s2, $0x2;
	p1 =	por p6, !p2;
	p6 =	por p4, !p2  }
0x272: {  	s3 =	sadd.s32 @!p3 $0x28, s2;
	s5 =	sand.u32 @!p1 $0xFFFF8, s28;
	s6 =	sshll.u32 @!p6 s21, $0x6  }
0x273: {  	s28 =	sand.u32 @!p1 $0x7, s28;
	[tilespmem:s2+$0x28] =	vst.add.f32.msk @!p3 $0xff, v1;
	s2 =	sadd.s32 @!p1 s1, s5;
	s5 =	sshra.s32 @!p6 s6, $0x2  }
0x274: {  	[hbm4b:s2+s28] =	stream.linear.scatter @!p1 [tilespmem:s3], [sflag:$0xC], $0x8, $0x38;
	[tilespmem:$0x1F0F8] =	vst v63  }
0x275: {  	s0 =	rddreg [dreg:$0x7];
	s2 =	sadd.s32 @!p6 $0x28, s5;
	s3 =	simm.s32 @!p6 $0x1  }
0x276: {  	[spmem:s0] =	stream.linear.scatter @!p6 [tilespmem:s2], [sflag:$0x1], $0x8, $0x38;
	[tilespmem:$0x1F0F8] =	vst v63  }
0x277: {  	s0 =	sadd.s32 @p2 $0x1, s21;
	_ =	swait.ge @!p6 [sflag:s3], $0x8  }
0x278: {  	s2 =	sshrl.u32 @p2 s0, $0x4;
	[sflag:s3] =	ssyncset.done @!p6 $0x0  }
0x279: {  	s2 =	smulhi.u32 @p2 $0x97B425F, s2;
	[sflag:s3] =	ssyncadd.s32 @!p6 $0xFFFFFFF8  }
0x27a: {  	s28 =	sadd.s32 $0x1, s29;
	v1 =	vld.msk @p2 [tilespmem:s24+$0x0], $0xff  }
0x27b: {  	p1 =	por @p2 !p5, !p4;
	p4 =	seq.s32 s28, $0x0;
	s2 =	smul.u32 @p2 $0x1B0, s2  }
.Ltmp15:
0x27c: {  	p1 =	por !p1, !p2;
	s3 =	simm.s32 @!p3 $0x0;
	(pc) =	sbr.rel @p4 .LBB2_17-.Ltmp15, $4  }
0x27d: {  	s5 =	sshll.u32 @!p2 s21, $0x6;
	s3 =	simm.s32 @!p1 $0x20;
	s0 =	ssub.s32 @p2 s0, s2  }
0x27e: {  	s29 =	simm.s32 $0x0;
	s3 =	sadd.s32 @!p3 $0x0, s3;
	s6 =	sshll.u32 @p2 s0, $0x4  }
0x27f: {  	s30 =	sshra.s32 @!p2 s5, $0x2;
	s2 =	simm.s32 @p2 $0x1;
	s3 =	smov.u32 @p3 s25;
	[tilespmem:s6+$0x28] =	vst.msk @p2 $0xff, v1  }
0x280: {  	s21 =	smov.u32 @p2 s0;
	s29 =	smov.u32 @p2 s3;
	s25 =	smov.u32 @p2 s2;
	v1 =	vld.msk @!p2 [tilespmem:s24+$0x0], $0xff  }
.LBB2_16:
0x281: {  	_ =	sdelay $0x3  }
0x282: {  	s22 =	sadd.s32 $0x1, s22;
	[tilespmem:s30+$0x28] =	vst.add.f32.msk @!p2 $0xff, v1  }
0x283: {  	v1 =	vld.msk [tilespmem:s22+$0x0], $0x1;
	_ =	sdelay $0x4  }
0x284: {  	(v2sf) =	vpush v1, $0x0;
	_ =	sdelay $0xe  }
0x285: {  	s0 =	smov.u32 s26;
	s26 =	spop (v2sf)  }
0x286: {  	p2 =	sne.s32 s0, s26  }
0x287: {  	p5 =	sne.s32 @p2 s0, s23  }
0x288: {  	s5 =	sshll.u32 @!p2 s21, $0x6;
	p4 =	por !p5, !p2  }
0x289: {  	s30 =	sshra.s32 @!p2 s5, $0x2;
	s5 =	sshll.u32 @!p4 s25, $0x6  }
0x28a: {  	s5 =	sshra.s32 @!p4 s5, $0x2  }
0x28b: {  	p1 =	sgt.u32 @!p4 s0, $0xC34FF;
	v1 =	vld.msk @!p4 [tilespmem:s5+$0x1B38], $0xff  }
0x28c: {  	s31 =	sshll.u32 @!p4 s21, $0x6;
	p6 =	por @p2 p1, !p5;
	p1 =	por @p2 !p1, !p5  }
0x28d: {  	s9 =	simm.s32 @!p4 $0x0;
	s31 =	sshra.s32 @!p4 s31, $0x2;
	p1 =	por !p1, !p2  }
0x28e: {  	p5 =	por p5, !p2;
	s9 =	simm.s32 @!p1 $0x20;
	p1 =	por p6, !p2  }
0x28f: {  	s5 =	sadd.s32 @!p4 $0x28, s31;
	s13 =	sshll.u32 @!p5 s21, $0x6;
	s11 =	sand.u32 @!p1 $0xFFFF8, s0  }
0x290: {  	s13 =	sshra.s32 @!p5 s13, $0x2;
	s0 =	sand.u32 @!p1 $0x7, s0;
	s11 =	sadd.s32 @!p1 s1, s11;
	[tilespmem:s31+$0x28] =	vst.add.f32.msk @!p4 $0xff, v1  }
0x291: {  	[hbm4b:s11+s0] =	stream.linear.scatter @!p1 [tilespmem:s5], [sflag:$0xC], $0x8, $0x38;
	[tilespmem:$0x1F0F8] =	vst v63  }
0x292: {  	s2 =	rddreg [dreg:$0x7];
	s0 =	sadd.s32 @!p5 $0x28, s13;
	s5 =	simm.s32 @!p5 $0x1  }
0x293: {  	[spmem:s2] =	stream.linear.scatter @!p5 [tilespmem:s0], [sflag:$0x1], $0x8, $0x38;
	[tilespmem:$0x1F0F8] =	vst v63  }
0x294: {  	s3 =	sadd.s32 @p2 $0x1, s21;
	_ =	swait.ge @!p5 [sflag:s5], $0x8  }
0x295: {  	s6 =	sshrl.u32 @p2 s3, $0x4;
	[sflag:s5] =	ssyncset.done @!p5 $0x0  }
0x296: {  	s24 =	sadd.s32 $0x80, s24;
	s6 =	smulhi.u32 @p2 $0x97B425F, s6;
	[sflag:s5] =	ssyncadd.s32 @!p5 $0xFFFFFFF8  }
0x297: {  	s28 =	sadd.s32 $0x1, s28;
	v1 =	vld.msk @p2 [tilespmem:s24+$0x0], $0xff  }
0x298: {  	p3 =	seq.s32 s28, $0x0;
	s6 =	smul.u32 @p2 $0x1B0, s6  }
.Ltmp16:
0x299: {  	_ = 	snop;
	(pc) =	sbr.rel @!p3 .LBB2_16-.Ltmp16, $4  }
0x29a: {  	s3 =	ssub.s32 @p2 s3, s6  }
0x29b: {  	s9 =	sadd.s32 @!p4 s9, s29;
	s6 =	sshll.u32 @p2 s3, $0x4  }
0x29c: {  	s10 =	sadd.s32 @p2 $0x1, s25;
	s9 =	smov.u32 @p4 s29;
	[tilespmem:s6+$0x28] =	vst.msk @p2 $0xff, v1  }
0x29d: {  	s25 =	smov.u32 @p2 s10;
	s21 =	smov.u32 @p2 s3;
	s29 =	smov.u32 @p2 s9;
	v1 =	vld.msk @!p2 [tilespmem:s24+$0x0], $0xff  }
.LBB2_17:
.Ltmp17:
0x29e: {  	_ = 	snop;
	(pc) =	sbr.rel .LBB2_19-.Ltmp17, $3  }
0x29f: {  	s2 =	sld [smem:$0x7FD];
	_ =	sdelay $0x1  }
0x2a0: {  	s0 =	sshrl.u32 s29, $0x2;
	s28 =	smov.u32 s26  }
0x2a1: {  	s5 =	smov.u32 s7;
	s7 =	rddreg [dreg:$0x9];
	p4 =	seq.s32 s2, $0x1;
	[tilespmem:s30+$0x28] =	vst.add.f32.msk @!p2 $0xff, v1  }
.LBB2_21:
0x2a2: {  	_ =	sfence.sel $0x180000  }
0x2a3: {  	s0 =	simm.s32 $0x9;
	[bflag:$0x0] =	sbarrier.arrive $0xFFFF  }
0x2a4: {  	s24 =	simm.s32 $0xA;
	[sflag:s0] =	ssyncpa.u1 $0x1  }
0x2a5: {  	s25 =	simm.s32 $0xB;
	[sflag:s24] =	ssyncpa.u1 $0x1  }
0x2a6: {  	s26 =	simm.s32 $0x2;
	[sflag:s25] =	ssyncpa.u1 $0x1  }
0x2a7: {  	[sflag:s26] =	ssyncpa.u1 $0x1  }
0x2a8: {  	v0 =	vld [tilespmem:$0x3648];
	_ =	sdelay $0x4  }
0x2a9: {  	(v2sf) =	vpush v0, $0x0  }
0x2aa: {  	(v2sf) =	vpush v0, $0x1;
	_ =	sdelay $0x1  }
0x2ab: {  	(v2sf) =	vpush v0, $0x2;
	_ =	sdelay $0xb  }
0x2ac: {  	s0 =	spop (v2sf)  }
0x2ad: {  	s2 =	spop (v2sf)  }
0x2ae: {  	s3 =	smov.u32 s0;
	p0 =	sne.s32 s0, s2  }
0x2af: {  	s4 =	spop (v2sf);
	s3 =	simm.s32 @!p0 $0xFFFFFFFF  }
0x2b0: {  	v2 =	vimm.s32 $0x1;
	v3 =	vlaneseq.u32;
	p0 =	seq.s32 s4, $0xFFFFFFFF;
	v1 =	vmov s3  }
0x2b1: {  	s16 =	stileid.u32;
	v0 =	vperm.xlane v0, v2;
	p1 =	sne.s32 @!p0 s0, s2;
	v1 =	vperm.xlane v1, v3  }
0x2b2: {  	vm0 =	vcmask $0x3F04;
	s6 =	simm.s32 $0x3648;
	s0 =	simm.s32 @!p0 $0x1;
	p1 =	por !p1, p0  }
0x2b3: {  	s3 =	sshll.u32 s16, $0x1;
	s2 =	sshll.u32 @!p0 s4, $0x6;
	s0 =	simm.s32 @p1 $0x0;
	v0 =	vsel vm0, v1, v0  }
0x2b4: {  	s5 =	sor.u32 $0x200, s3;
	s2 =	sshra.s32 @!p0 s2, $0x2;
	s0 =	sor.u32 @!p0 s0, s3;
	[tilespmem:$0x3648] =	vst v0  }
0x2b5: {  	[spmem:s5] =	stream.linear.scatter [tilespmem:s6], [sflag:$0x1], $0x2, $0x38;
	[tilespmem:$0x1F0F8] =	vst v63  }
0x2b6: {  	s2 =	sadd.s32 @!p0 $0x28, s2;
	s0 =	sshll.u32 @!p0 s0, $0x4  }
0x2b7: {  	[spmem:s0] =	stream.linear.scatter @!p0 [tilespmem:s2], [sflag:$0x1], $0x10, $0x38;
	[tilespmem:$0x1F0F8] =	vst v63  }
0x2b8: {  	s0 =	simm.s32 @!p0 $0x12  }
0x2b9: {  	s28 =	simm.s32 $0x1;
	s0 =	simm.s32 @p0 $0x2  }
0x2ba: {  	_ =	swait.ge [sflag:s28], s0  }
0x2bb: {  	s0 =	ssub.s32 $0x0, s0;
	[sflag:s28] =	ssyncset.done $0x0  }
0x2bc: {  	p0 =	sne.s32 s16, $0x0;
	[sflag:s28] =	ssyncadd.s32 s0  }
.Ltmp18:
0x2bd: {  	_ =	sfence.stream.spmem;
	(pc) =	sbr.rel @p0 .LBB2_38-.Ltmp18, $4  }
0x2be: {  	s29 =	simm.s32 $0x3;
	[bflag:$0x0] =	sbarrier.arrive $0xFFFF  }
0x2bf: {  	s30 =	simm.s32 $0x4;
	[sflag:s29] =	ssyncpa.u1 $0x1  }
0x2c0: {  	s31 =	simm.s32 $0x3C;
	[sflag:s30] =	ssyncpa.u1 $0x1  }
0x2c1: {  	s17 =	rddreg [dreg:$0x8];
	[sflag:s31] =	ssyncpa.u1 $0x1  }
0x2c2: {  	_ =	sfence.stream.spmem;
	s0 =	simm.s32 $0x5  }
0x2c3: {  	s2 =	simm.s32 $0x200;
	s3 =	simm.s32 $0x3658;
	[sflag:s0] =	ssyncpa.u1 $0x0  }
0x2c4: {  	[tilespmem:s3], [sflag:$0x5] =	stream.linear.gather [spmem:s2], $0x20, $0x38;
	[tilespmem:$0x1F0F8] =	vst v63  }
0x2c5: {  	s26 =	simm.s32 $0x0;
	s28 =	simm.s32 $0x3678  }
0x2c6: {  	[tilespmem:s28], [sflag:$0x5] =	stream.linear.gather [spmem:s26], $0x200, $0x38;
	[tilespmem:$0x1F0F8] =	vst v63  }
0x2c7: {  	_ =	swait.ge [sflag:s0], $0x220  }
0x2c8: {  	[sflag:s0] =	ssyncset.done $0x0  }
0x2c9: {  	s29 =	simm.s32 $0x0;
	[sflag:s0] =	ssyncadd.s32 $0xFFFFFDE0  }
0x2ca: {  	v0 =	vld.msk [tilespmem:s29+$0x3658], $0x1;
	_ =	sdelay $0x1  }
0x2cb: {  	s30 =	simm.s32 $0x1  }
0x2cc: {  	v1 =	vld.msk [tilespmem:s30+$0x3658], $0x1;
	_ =	sdelay $0x1  }
0x2cd: {  	(v2sf) =	vpush v0, $0x0;
	_ =	sdelay $0x2  }
0x2ce: {  	(v2sf) =	vpush v1, $0x0;
	_ =	sdelay $0x2  }
0x2cf: {  	s31 =	simm.s32 $0x2  }
0x2d0: {  	v0 =	vld.msk [tilespmem:s31+$0x3658], $0x1;
	_ =	sdelay $0x2  }
0x2d1: {  	s4 =	simm.s32 $0xFFFFFFFF;
	s2 =	simm.s32 $0xFFFFFFFF;
	s0 =	simm.s32 $0xC  }
.LBB2_23:
0x2d2: {  	s3 =	smov.u32 s4;
	s5 =	smov.u32 s2  }
0x2d3: {  	s2 =	sshra.s32 s0, $0x2;
	p1 =	sne.s32 s0, $0x7C;
	s0 =	sadd.s32 $0x4, s0;
	(v2sf) =	vpush v0, $0x0  }
0x2d4: {  	v0 =	vld.msk [tilespmem:s2+$0x3658], $0x1  }
.Ltmp19:
0x2d5: {  	(pc) =	sbr.rel @p1 .LBB2_23-.Ltmp19, $4  }
0x2d6: {  	s4 =	spop (v2sf)  }
0x2d7: {  	p2 =	sne.s32 s5, $0xFFFFFFFF;
	s2 =	smov.u32 s4  }
0x2d8: {  	p3 =	seq.s32 s4, $0xFFFFFFFF;
	s2 =	smov.u32 @p2 s5  }
0x2d9: {  	s4 =	smov.u32 @p3 s3;
	s2 =	smov.u32 @p3 s5  }
0x2da: {  	(v2sf) =	vpush v0, $0x0;
	_ =	sdelay $0x8  }
0x2db: {  	s0 =	spop (v2sf)  }
0x2dc: {  	p1 =	sne.s32 s2, $0xFFFFFFFF;
	s3 =	smov.u32 s0  }
0x2dd: {  	s9 =	simm.s32 $0x6;
	p2 =	seq.s32 s0, $0xFFFFFFFF;
	s3 =	smov.u32 @p1 s2  }
0x2de: {  	s10 =	simm.s32 $0x3638;
	s3 =	smov.u32 @p2 s2;
	s2 =	spop (v2sf)  }
0x2df: {  	s0 =	smov.u32 @p2 s4;
	p1 =	sne.s32 s3, $0xFFFFFFFF;
	s5 =	smov.u32 s2  }
.Ltmp20:
0x2e0: {  	p2 =	seq.s32 s2, $0xFFFFFFFF;
	s5 =	smov.u32 @p1 s3;
	(pc) =	sbr.rel .LBB2_25-.Ltmp20, $4  }
0x2e1: {  	s11 =	simm.s32 $0x0;
	s5 =	smov.u32 @p2 s3;
	s7 =	spop (v2sf)  }
0x2e2: {  	[sflag:s9] =	ssyncpa.u1 $0x0;
	p1 =	sne.s32 s5, $0xFFFFFFFF;
	s8 =	smov.u32 s7  }
0x2e3: {  	s2 =	smov.u32 @p2 s0;
	p2 =	seq.s32 s7, $0xFFFFFFFF;
	s8 =	smov.u32 @p1 s5  }
0x2e4: {  	s4 =	simm.s32 $0x0;
	s7 =	smov.u32 @p2 s2;
	s8 =	smov.u32 @p2 s5  }
.LBB2_30:
0x2e5: {  	p1 =	sgt.u32 s12, $0xC34FF  }
0x2e6: {  	p2 =	seq.s32 @!p1 s12, s8  }
0x2e7: {  	p1 =	por p1, p2  }
0x2e8: {  	p2 =	sne.s32 @!p1 s12, s7  }
0x2e9: {  	p1 =	por p1, !p2  }
0x2ea: {  	s0 =	sshll.u32 @p1 s11, $0x6  }
0x2eb: {  	s0 =	sand.u32 @!p1 $0xFFFF8, s12  }
0x2ec: {  	s2 =	sand.u32 @!p1 $0x7, s12;
	s0 =	sadd.s32 @!p1 s1, s0  }
0x2ed: {  	[tilespmem:s10], [sflag:$0x6] =	stream.linear.gather @!p1 [hbm4b:s0+s2], $0x8, $0x38;
	[tilespmem:$0x1F0F8] =	vst v63  }
0x2ee: {  	_ =	swait.ge @!p1 [sflag:s9], $0x8  }
0x2ef: {  	[sflag:s9] =	ssyncset.done @!p1 $0x0  }
0x2f0: {  	[sflag:s9] =	ssyncadd.s32 @!p1 $0xFFFFFFF8  }
0x2f1: {  	v1 =	vld @!p1 [tilespmem:$0x3638];
	_ =	sdelay $0x2  }
0x2f2: {  	s0 =	sshll.u32 @!p1 s11, $0x6  }
0x2f3: {  	s2 =	sshrl.u32 @!p1 s0, $0x2  }
0x2f4: {  	[tilespmem:s2+$0x3678] =	vst.add.f32.msk @!p1 $0xffff, v1  }
0x2f5: {  	s0 =	sshrl.u32 s0, $0x2;
	[tilespmem:s4+$0x3658] =	vst.msk $0x1, v0  }
0x2f6: {  	v0 =	vld [tilespmem:s0+$0x3678];
	_ =	sdelay $0x2  }
0x2f7: {  	s31 =	sshll.u32 s4, $0x6  }
0x2f8: {  	s0 =	sshra.s32 s31, $0x2  }
0x2f9: {  	s4 =	sadd.s32 $0x1, s4;
	[tilespmem:s0+$0x3678] =	vst v0  }
.LBB2_32:
0x2fa: {  	s11 =	sadd.s32 $0x1, s11  }
0x2fb: {  	p1 =	sne.s32 s11, $0x20  }
.Ltmp21:
0x2fc: {  	_ = 	snop;
	(pc) =	sbr.rel @!p1 .LBB2_33-.Ltmp21, $1  }
0x2fd: {  	_ =	sdelay $0x3  }
.LBB2_25:
0x2fe: {  	v0 =	vld.msk [tilespmem:s11+$0x3658], $0x1;
	_ =	sdelay $0x4  }
0x2ff: {  	(v2sf) =	vpush v0, $0x0;
	_ =	sdelay $0xe  }
0x300: {  	s12 =	spop (v2sf)  }
0x301: {  	p1 =	seq.s32 s12, $0xFFFFFFFF  }
.Ltmp22:
0x302: {  	_ = 	snop;
	(pc) =	sbr.rel @p1 .LBB2_32-.Ltmp22, $1  }
0x303: {  	_ =	sdelay $0x3  }
0x304: {  	p1 =	slt.s32 s4, $0x1  }
.Ltmp23:
0x305: {  	_ = 	snop;
	(pc) =	sbr.rel @p1 .LBB2_30-.Ltmp23, $1  }
0x306: {  	_ =	sdelay $0x3  }
0x307: {  	s13 =	simm.s32 $0x3658;
	p1 =	por $0x0, $0x0  }
0x308: {  	v1 =	vld.msk @!p1 [tilespmem:s13+$0x0], $0x1;
	_ =	sdelay $0x4  }
0x309: {  	(v2sf) =	vpush @!p1 v1, $0x0;
	_ =	sdelay $0xd  }
0x30a: {  	p3 =	sne.s32 s4, $0x1  }
.Ltmp24:
0x30b: {  	s0 =	spop @!p1 (v2sf);
	(pc) =	sbr.rel @!p3 .LBB2_29-.Ltmp24, $4  }
0x30c: {  	p2 =	seq.s32 @!p1 s12, s0  }
0x30d: {  	s14 =	simm.s32 $0x0;
	p2 =	por !p2, p1  }
0x30e: {  	s0 =	simm.s32 $0xFFFFFFFF;
	s14 =	simm.s32 @p2 $0xFFFFFFFF  }
0x30f: {  	s15 =	simm.s32 $0x1;
	s14 =	smov.u32 @p1 s0  }
.LBB2_28:
0x310: {  	s0 =	smov.u32 s14;
	p1 =	sne.s32 s14, $0xFFFFFFFF  }
0x311: {  	s13 =	sadd.s32 $0x1, s13;
	s14 =	smov.u32 s15;
	s15 =	sadd.s32 $0x1, s15  }
0x312: {  	p2 =	sne.s32 s4, s15;
	v1 =	vld.msk @!p1 [tilespmem:s13+$0x0], $0x1;
	_ =	sdelay $0x4  }
0x313: {  	(v2sf) =	vpush @!p1 v1, $0x0;
	_ =	sdelay $0xe  }
.Ltmp25:
0x314: {  	s2 =	spop @!p1 (v2sf);
	(pc) =	sbr.rel @p2 .LBB2_28-.Ltmp25, $4  }
0x315: {  	p3 =	seq.s32 @!p1 s12, s2  }
0x316: {  	p3 =	por !p3, p1  }
0x317: {  	s14 =	simm.s32 @p3 $0xFFFFFFFF  }
0x318: {  	s14 =	smov.u32 @p1 s0  }
.LBB2_29:
0x319: {  	p1 =	sne.s32 s14, $0xFFFFFFFF  }
.Ltmp26:
0x31a: {  	_ = 	snop;
	(pc) =	sbr.rel @!p1 .LBB2_30-.Ltmp26, $1  }
0x31b: {  	_ =	sdelay $0x3  }
0x31c: {  	s0 =	sshll.u32 s11, $0x4  }
0x31d: {  	s0 =	sand.u32 $0x3FFFFFF0, s0  }
0x31e: {  	v0 =	vld [tilespmem:s0+$0x3678]  }
.Ltmp27:
0x31f: {  	_ = 	snop;
	(pc) =	sbr.rel .LBB2_32-.Ltmp27, $4  }
0x320: {  	_ = 	snop  }
0x321: {  	s31 =	sshll.u32 s14, $0x6  }
0x322: {  	s0 =	sshra.s32 s31, $0x2  }
0x323: {  	[tilespmem:s0+$0x3678] =	vst.add.f32.msk $0xffff, v0  }
.LBB2_33:
0x324: {  	s0 =	simm.s32 $0x6;
	p1 =	seq.s32 s4, $0x0  }
0x325: {  	[sflag:s0] =	ssyncpa.u1 $0x1;
	v0 =	vimm.s32 @p1 $0xFFFFFFFF  }
0x326: {  	s9 =	sadd.s32 $0xFFFFFFFF, s4;
	[tilespmem:$0x3878] =	vst @p1 v0  }
0x327: {  	v0 =	vld.msk @!p1 [tilespmem:s9+$0x3658], $0x1;
	_ =	sdelay $0x1  }
0x328: {  	v1 =	vld.msk @!p1 [tilespmem:$0x3658], $0x1;
	_ =	sdelay $0x2  }
0x329: {  	p2 =	seq.s32 @!p1 s9, $0x0;
	v0 =	vbroadcast @!p1 v0, $0x0  }
0x32a: {  	vm0 =	vmmov @!p1 $0x1;
	p2 =	por !p2, p1  }
0x32b: {  	v1 =	vnsel @!p1 vm0, $0xFFFFFFFF, v1;
	vm0 =	vcmask @!p1 $0x308;
	v0 =	vpsel !p2, $0xFFFFFFFF, v0  }
0x32c: {  	p2 =	sne.s32 @!p1 s8, s7;
	v0 =	vsel @!p1 vm0, v1, v0  }
0x32d: {  	s0 =	simm.s32 @!p1 $0x3678;
	s2 =	simm.s32 @!p1 $0x0;
	p3 =	por !p2, p1;
	[tilespmem:$0x3878] =	vst @!p1 v0  }
0x32e: {  	[spmem:s2] =	stream.linear.scatter @!p1 [tilespmem:s0], [sflag:$0x1], $0x10, $0x38;
	[tilespmem:$0x1F0F8] =	vst v63  }
0x32f: {  	s0 =	sshll.u32 @!p3 s9, $0x6  }
0x330: {  	s0 =	sshra.s32 @!p3 s0, $0x2  }
0x331: {  	s2 =	simm.s32 @!p3 $0x10;
	s0 =	sadd.s32 @!p3 $0x3678, s0  }
0x332: {  	[spmem:s2] =	stream.linear.scatter @!p3 [tilespmem:s0], [sflag:$0x1], $0x10, $0x38;
	[tilespmem:$0x1F0F8] =	vst v63  }
0x333: {  	s0 =	simm.s32 @!p3 $0x1  }
0x334: {  	_ =	swait.ge @!p3 [sflag:s0], $0x20  }
0x335: {  	p1 =	por p2, p1;
	[sflag:s0] =	ssyncset.done @!p3 $0x0  }
0x336: {  	[sflag:s0] =	ssyncadd.s32 @!p3 $0xFFFFFFE0;
	s0 =	simm.s32 @!p1 $0x1  }
0x337: {  	_ =	swait.ge @!p1 [sflag:s0], $0x10  }
0x338: {  	s29 =	simm.s32 $0x3878;
	[sflag:s0] =	ssyncset.done @!p1 $0x0  }
0x339: {  	s30 =	simm.s32 $0x200;
	s31 =	simm.s32 $0x1;
	[sflag:s0] =	ssyncadd.s32 @!p1 $0xFFFFFFF0  }
0x33a: {  	[spmem:s30] =	stream.linear.scatter [tilespmem:s29], [sflag:$0x1], $0x10, $0x38;
	[tilespmem:$0x1F0F8] =	vst v63  }
0x33b: {  	_ =	swait.ge [sflag:s31], $0x10  }
0x33c: {  	[sflag:s31] =	ssyncset.done $0x0  }
0x33d: {  	p1 =	seq.s32 s17, $0x0;
	s8 =	rddreg [dreg:$0x4];
	[sflag:s31] =	ssyncadd.s32 $0xFFFFFFF0  }
0x33e: {  	s2 =	sshll.u32 @p1 s8, $0xE;
	s7 =	rddreg [dreg:$0x5]  }
0x33f: {  	s0 =	sadd.s32 @p1 $0x15C3C, s2;
	s2 =	sshll.u32 @p1 s7, $0x11  }
0x340: {  	_ =	sfence.stream.spmem;
	s0 =	sor.u32 @p1 s2, s0  }
0x341: {  	[sflag:s0] =	ssyncadd.remote.s32 @p1 $0x1;
	s0 =	simm.s32 @p1 $0x4  }
0x342: {  	s3 =	simm.s32 @!p1 $0x3C;
	s2 =	sand.u32 $0xFFFFFFFE, s8;
	_ =	swait.ge @p1 [sflag:s0], $0x6  }
0x343: {  	s5 =	simm.s32 @!p1 $0x0;
	s2 =	sadd.s32 @!p1 $0x4, s2;
	[sflag:s0] =	ssyncset.done @p1 $0x0  }
0x344: {  	s6 =	simm.s32 @!p1 $0x20;
	[sflag:s0] =	ssyncadd.s32 @p1 $0xFFFFFFFA;
	s0 =	sshll.u32 @!p1 s2, $0x1A  }
0x345: {  	s2 =	sshll.u32 @!p1 s2, $0xD;
	s0 =	sor.u32 @!p1 s0, s7;
	_ =	swait.eq @!p1 [sflag:s3], $0x1  }
0x346: {  	s2 =	sor.u32 @!p1 $0x1C04, s2;
	s3 =	simm.s32 @!p1 $0x1C03;
	s0 =	sor.u32 @!p1 $0x80004000, s0  }
0x347: {  	[spmem:s6], [sflag:s2] =	dma.general @!p1 [spmem:s5], [sflag:s3], length:$0x4, [dreg:$0x0], stride_count:$0x0, ici_dest:s0, dma_misc:DstOpCode:WRITE  }
0x348: {  	p2 =	slt.s32 s9, $0x2;
	s5 =	simm.s32 @!p1 $0x40;
	s6 =	simm.s32 @!p1 $0x42  }
0x349: {  	[spmem:s6], [sflag:s2] =	dma.general @!p1 [spmem:s5], [sflag:s3], length:$0x2, [dreg:$0x0], stride_count:$0x0, ici_dest:s0, dma_misc:DstOpCode:WRITE  }
.Ltmp28:
0x34a: {  	s0 =	simm.s32 @!p1 $0x3;
	(pc) =	sbr.rel @p2 .LBB2_37-.Ltmp28, $4  }
0x34b: {  	s2 =	sshll.u32 @!p1 s8, $0xE;
	_ =	swait.ge @!p1 [sflag:s0], $0x6  }
0x34c: {  	s3 =	sshll.u32 @!p1 s7, $0x11;
	s2 =	sadd.s32 @!p1 $0x11C3C, s2;
	[sflag:s0] =	ssyncset.done @!p1 $0x0  }
0x34d: {  	[sflag:s0] =	ssyncadd.s32 @!p1 $0xFFFFFFFA;
	s0 =	sor.u32 @!p1 s3, s2  }
0x34e: {  	[sflag:s0] =	ssyncadd.remote.s32 @!p1 $0xFFFFFFFF;
	s0 =	simm.s32 $0x0  }
0x34f: {  	s0 =	simm.s32 $0x3659  }
0x350: {  	v0 =	vld.msk [tilespmem:s0+$0x0], $0x1;
	_ =	sdelay $0x4  }
0x351: {  	(v2sf) =	vpush v0, $0x0;
	_ =	sdelay $0xd  }
0x352: {  	s3 =	sadd.s32 $0xFFFFFFFE, s4  }
0x353: {  	s3 =	sadd.s32 $0xFFFFFFFF, s3;
	s0 =	spop (v2sf)  }
0x354: {  	p2 =	sne.s32 s3, $0x0;
	p1 =	sgt.u32 s0, $0xC34FF  }
.Ltmp29:
0x355: {  	s4 =	sand.u32 @!p1 $0xFFFF8, s0;
	(pc) =	sbr.rel @!p2 .LBB2_36-.Ltmp29, $4  }
0x356: {  	s2 =	simm.s32 $0x3688;
	s0 =	sand.u32 @!p1 $0x7, s0;
	s4 =	sadd.s32 @!p1 s1, s4  }
0x357: {  	[hbm4b:s4+s0] =	stream.linear.scatter @!p1 [tilespmem:s2], [sflag:$0x5], $0x8, $0x38;
	[tilespmem:$0x1F0F8] =	vst v63  }
0x358: {  	s0 =	simm.s32 $0x0  }
0x359: {  	s7 =	simm.s32 $0x365A;
	s4 =	simm.s32 $0x0;
	s0 =	simm.s32 @!p1 $0x20  }
.LBB2_35:
0x35a: {  	v0 =	vld.msk [tilespmem:s7+$0x0], $0x1;
	s3 =	sadd.s32 $0xFFFFFFFF, s3;
	s4 =	sadd.s32 s4, s0  }
0x35b: {  	p1 =	sne.s32 s3, $0x0;
	_ =	sdelay $0x3  }
0x35c: {  	(v2sf) =	vpush v0, $0x0;
	_ =	sdelay $0xe  }
.Ltmp30:
0x35d: {  	s5 =	spop (v2sf);
	(pc) =	sbr.rel @p1 .LBB2_35-.Ltmp30, $4  }
0x35e: {  	s0 =	simm.s32 $0x0;
	p2 =	sgt.u32 s5, $0xC34FF  }
0x35f: {  	s2 =	sadd.s32 $0x10, s2;
	s0 =	simm.s32 @!p2 $0x20;
	s6 =	sand.u32 @!p2 $0xFFFF8, s5  }
0x360: {  	s7 =	sadd.s32 $0x1, s7;
	s5 =	sand.u32 @!p2 $0x7, s5;
	s6 =	sadd.s32 @!p2 s1, s6  }
0x361: {  	[hbm4b:s6+s5] =	stream.linear.scatter @!p2 [tilespmem:s2], [sflag:$0x5], $0x8, $0x38;
	[tilespmem:$0x1F0F8] =	vst v63  }
.LBB2_36:
0x362: {  	s0 =	sadd.s32 s4, s0  }
0x363: {  	s0 =	sshrl.u32 s0, $0x2  }
.LBB2_37:
0x364: {  	s2 =	simm.s32 $0x5  }
0x365: {  	_ =	swait.ge [sflag:s2], s0  }
0x366: {  	s31 =	ssub.s32 $0x0, s0;
	[sflag:s2] =	ssyncset.done $0x0  }
0x367: {  	[sflag:s2] =	ssyncadd.s32 s31  }
0x368: {  	[sflag:s2] =	ssyncpa.u1 $0x1  }
.LBB2_38:
0x369: {  	s0 =	sor.u32 s17, s16  }
0x36a: {  	p1 =	sne.s32 s0, $0x0  }
.Ltmp31:
0x36b: {  	_ = 	snop;
	(pc) =	sbr.rel @p1 .LBB2_53-.Ltmp31, $3  }
0x36c: {  	_ =	sdelay $0x1  }
0x36d: {  	[bflag:$0x0] =	sbarrier.arrive $0xFFFF  }
0x36e: {  	_ =	sfence  }
0x36f: {  	s0 =	simm.s32 $0x7  }
0x370: {  	s2 =	simm.s32 $0x200;
	s3 =	simm.s32 $0x3658;
	[sflag:s0] =	ssyncpa.u1 $0x0  }
0x371: {  	[tilespmem:s3], [sflag:$0x7] =	stream.linear.gather [spmem:s2], $0x20, $0x38;
	[tilespmem:$0x1F0F8] =	vst v63  }
0x372: {  	s30 =	simm.s32 $0x3678;
	s2 =	simm.s32 $0x0  }
0x373: {  	[tilespmem:s30], [sflag:$0x7] =	stream.linear.gather [spmem:s2], $0x200, $0x38;
	[tilespmem:$0x1F0F8] =	vst v63  }
.Ltmp32:
0x374: {  	_ = 	snop;
	(pc) =	sbr.rel .LBB2_40-.Ltmp32, $4  }
0x375: {  	_ =	swait.ge [sflag:s0], $0x220  }
0x376: {  	[sflag:s0] =	ssyncset.done $0x0  }
0x377: {  	s31 =	simm.s32 $0x8;
	[sflag:s0] =	ssyncadd.s32 $0xFFFFFDE0  }
0x378: {  	s3 =	simm.s32 $0x0;
	[sflag:s31] =	ssyncpa.u1 $0x0  }
.LBB2_45:
0x379: {  	p1 =	slt.u32 s4, $0xC3500  }
0x37a: {  	s0 =	sand.u32 @p1 $0xFFFF8, s4  }
0x37b: {  	s4 =	sand.u32 @p1 $0x7, s4;
	s5 =	simm.s32 @p1 $0x3638;
	s0 =	sadd.s32 @p1 s1, s0  }
0x37c: {  	[tilespmem:s5], [sflag:$0x8] =	stream.linear.gather @p1 [hbm4b:s0+s4], $0x8, $0x38;
	[tilespmem:$0x1F0F8] =	vst v63  }
0x37d: {  	s0 =	simm.s32 @p1 $0x8  }
0x37e: {  	_ =	swait.ge @p1 [sflag:s0], $0x8  }
0x37f: {  	[sflag:s0] =	ssyncset.done @p1 $0x0  }
0x380: {  	[sflag:s0] =	ssyncadd.s32 @p1 $0xFFFFFFF8  }
0x381: {  	v1 =	vld @p1 [tilespmem:$0x3638];
	_ =	sdelay $0x2  }
0x382: {  	s0 =	sshll.u32 @p1 s3, $0x6  }
0x383: {  	s5 =	sshll.u32 @!p1 s3, $0x6;
	s4 =	sshrl.u32 @p1 s0, $0x2  }
0x384: {  	s5 =	smov.u32 @p1 s0;
	[tilespmem:s4+$0x3678] =	vst.add.f32.msk @p1 $0xffff, v1  }
0x385: {  	s0 =	sshrl.u32 s5, $0x2;
	[tilespmem:s2+$0x3658] =	vst.msk $0x1, v0  }
0x386: {  	v0 =	vld [tilespmem:s0+$0x3678];
	_ =	sdelay $0x2  }
0x387: {  	s31 =	sshll.u32 s2, $0x6  }
0x388: {  	s0 =	sshra.s32 s31, $0x2  }
0x389: {  	s2 =	sadd.s32 $0x1, s2;
	[tilespmem:s0+$0x3678] =	vst v0  }
.LBB2_47:
0x38a: {  	s3 =	sadd.s32 $0x1, s3  }
0x38b: {  	p1 =	sne.s32 s3, $0x20  }
.Ltmp33:
0x38c: {  	_ = 	snop;
	(pc) =	sbr.rel @!p1 .LBB2_48-.Ltmp33, $1  }
0x38d: {  	_ =	sdelay $0x3  }
.LBB2_40:
0x38e: {  	v0 =	vld.msk [tilespmem:s3+$0x3658], $0x1;
	_ =	sdelay $0x4  }
0x38f: {  	(v2sf) =	vpush v0, $0x0;
	_ =	sdelay $0xe  }
0x390: {  	s4 =	spop (v2sf)  }
0x391: {  	p1 =	seq.s32 s4, $0xFFFFFFFF  }
.Ltmp34:
0x392: {  	_ = 	snop;
	(pc) =	sbr.rel @p1 .LBB2_47-.Ltmp34, $1  }
0x393: {  	_ =	sdelay $0x3  }
0x394: {  	p1 =	slt.s32 s2, $0x1  }
.Ltmp35:
0x395: {  	_ = 	snop;
	(pc) =	sbr.rel @p1 .LBB2_45-.Ltmp35, $1  }
0x396: {  	_ =	sdelay $0x3  }
0x397: {  	s5 =	simm.s32 $0x3658;
	p1 =	por $0x0, $0x0  }
0x398: {  	v1 =	vld.msk @!p1 [tilespmem:s5+$0x0], $0x1;
	_ =	sdelay $0x4  }
0x399: {  	(v2sf) =	vpush @!p1 v1, $0x0;
	_ =	sdelay $0xd  }
0x39a: {  	p3 =	sne.s32 s2, $0x1  }
.Ltmp36:
0x39b: {  	s0 =	spop @!p1 (v2sf);
	(pc) =	sbr.rel @!p3 .LBB2_44-.Ltmp36, $4  }
0x39c: {  	p2 =	seq.s32 @!p1 s4, s0  }
0x39d: {  	s6 =	simm.s32 $0x0;
	p2 =	por !p2, p1  }
0x39e: {  	s0 =	simm.s32 $0xFFFFFFFF;
	s6 =	simm.s32 @p2 $0xFFFFFFFF  }
0x39f: {  	s7 =	simm.s32 $0x1;
	s6 =	smov.u32 @p1 s0  }
.LBB2_43:
0x3a0: {  	s0 =	smov.u32 s6;
	p1 =	sne.s32 s6, $0xFFFFFFFF  }
0x3a1: {  	s5 =	sadd.s32 $0x1, s5;
	s6 =	smov.u32 s7;
	s7 =	sadd.s32 $0x1, s7  }
0x3a2: {  	p2 =	sne.s32 s2, s7;
	v1 =	vld.msk @!p1 [tilespmem:s5+$0x0], $0x1;
	_ =	sdelay $0x4  }
0x3a3: {  	(v2sf) =	vpush @!p1 v1, $0x0;
	_ =	sdelay $0xe  }
.Ltmp37:
0x3a4: {  	s8 =	spop @!p1 (v2sf);
	(pc) =	sbr.rel @p2 .LBB2_43-.Ltmp37, $4  }
0x3a5: {  	p3 =	seq.s32 @!p1 s4, s8  }
0x3a6: {  	p3 =	por !p3, p1  }
0x3a7: {  	s6 =	simm.s32 @p3 $0xFFFFFFFF  }
0x3a8: {  	s6 =	smov.u32 @p1 s0  }
.LBB2_44:
0x3a9: {  	p1 =	sne.s32 s6, $0xFFFFFFFF  }
.Ltmp38:
0x3aa: {  	_ = 	snop;
	(pc) =	sbr.rel @!p1 .LBB2_45-.Ltmp38, $1  }
0x3ab: {  	_ =	sdelay $0x3  }
0x3ac: {  	s0 =	sshll.u32 s3, $0x4  }
0x3ad: {  	s0 =	sand.u32 $0x3FFFFFF0, s0  }
0x3ae: {  	v0 =	vld [tilespmem:s0+$0x3678]  }
.Ltmp39:
0x3af: {  	_ = 	snop;
	(pc) =	sbr.rel .LBB2_47-.Ltmp39, $4  }
0x3b0: {  	_ = 	snop  }
0x3b1: {  	s31 =	sshll.u32 s6, $0x6  }
0x3b2: {  	s0 =	sshra.s32 s31, $0x2  }
0x3b3: {  	[tilespmem:s0+$0x3678] =	vst.add.f32.msk $0xffff, v0  }
.LBB2_48:
0x3b4: {  	p1 =	slt.s32 s2, $0x1  }
.Ltmp40:
0x3b5: {  	_ = 	snop;
	(pc) =	sbr.rel @p1 .LBB2_52-.Ltmp40, $3  }
0x3b6: {  	_ =	sdelay $0x1  }
0x3b7: {  	s0 =	simm.s32 $0x8  }
0x3b8: {  	s3 =	simm.s32 $0x0;
	[sflag:s0] =	ssyncpa.u1 $0x1  }
0x3b9: {  	s0 =	simm.s32 $0x3658  }
0x3ba: {  	v0 =	vld.msk [tilespmem:s0+$0x0], $0x1;
	_ =	sdelay $0x4  }
0x3bb: {  	(v2sf) =	vpush v0, $0x0;
	_ =	sdelay $0xe  }
0x3bc: {  	s2 =	sadd.s32 $0xFFFFFFFF, s2;
	s0 =	spop (v2sf)  }
0x3bd: {  	p2 =	sne.s32 s2, $0x0;
	p1 =	sgt.u32 s0, $0xC34FF  }
.Ltmp41:
0x3be: {  	s5 =	sand.u32 @!p1 $0xFFFF8, s0;
	(pc) =	sbr.rel @!p2 .LBB2_51-.Ltmp41, $4  }
0x3bf: {  	s4 =	simm.s32 $0x3678;
	s0 =	sand.u32 @!p1 $0x7, s0;
	s5 =	sadd.s32 @!p1 s1, s5  }
0x3c0: {  	[hbm4b:s5+s0] =	stream.linear.scatter @!p1 [tilespmem:s4], [sflag:$0x7], $0x8, $0x38;
	[tilespmem:$0x1F0F8] =	vst v63  }
0x3c1: {  	s0 =	simm.s32 $0x0  }
0x3c2: {  	s5 =	simm.s32 $0x3659;
	s0 =	simm.s32 @!p1 $0x20  }
.LBB2_50:
0x3c3: {  	v0 =	vld.msk [tilespmem:s5+$0x0], $0x1;
	s2 =	sadd.s32 $0xFFFFFFFF, s2;
	s3 =	sadd.s32 s3, s0  }
0x3c4: {  	p1 =	sne.s32 s2, $0x0;
	_ =	sdelay $0x3  }
0x3c5: {  	(v2sf) =	vpush v0, $0x0;
	_ =	sdelay $0xe  }
.Ltmp42:
0x3c6: {  	s6 =	spop (v2sf);
	(pc) =	sbr.rel @p1 .LBB2_50-.Ltmp42, $4  }
0x3c7: {  	s0 =	simm.s32 $0x0;
	p2 =	sgt.u32 s6, $0xC34FF  }
0x3c8: {  	s4 =	sadd.s32 $0x10, s4;
	s0 =	simm.s32 @!p2 $0x20;
	s7 =	sand.u32 @!p2 $0xFFFF8, s6  }
0x3c9: {  	s5 =	sadd.s32 $0x1, s5;
	s6 =	sand.u32 @!p2 $0x7, s6;
	s7 =	sadd.s32 @!p2 s1, s7  }
0x3ca: {  	[hbm4b:s7+s6] =	stream.linear.scatter @!p2 [tilespmem:s4], [sflag:$0x7], $0x8, $0x38;
	[tilespmem:$0x1F0F8] =	vst v63  }
.LBB2_51:
0x3cb: {  	s0 =	sadd.s32 s3, s0  }
0x3cc: {  	s3 =	sshrl.u32 s0, $0x2  }
.LBB2_52:
0x3cd: {  	s0 =	simm.s32 $0x7  }
0x3ce: {  	_ =	swait.ge [sflag:s0], s3  }
0x3cf: {  	s1 =	ssub.s32 $0x0, s3;
	[sflag:s0] =	ssyncset.done $0x0  }
0x3d0: {  	[sflag:s0] =	ssyncadd.s32 s1  }
0x3d1: {  	[sflag:s0] =	ssyncpa.u1 $0x1  }
.LBB2_53:
0x3d2: {  	_ =	sfence;
	s0 =	simm.s32 $0x1  }
0x3d3: {  	[sflag:s0] =	ssyncpa.u1 $0x1  }
0x3d4: {  	_ =	strace $0x90000047  }
0x3d5: {  	[bflag:$0x2] =	sbarrier.arrive $0xFFFF  }
0x3d6: {  	s0 =	rddreg [dreg:$0x6]  }
0x3d7: {  	s0 =	sadd.s32 @!p0 $0x100000, s0  }
0x3d8: {  	[sflag:s0] =	ssyncadd.tile.s32 @!p0 $0x1;
	_ =	shalt  }
.Lfunc_end2:
_tile_overlayer_lowered:
.L_overlay_start_2:
0x3d9: {  	(tag) =	ssettag $0x2  }
0x3da: {  	s0 =	rddreg [dreg:$0x0];
	s2 =	stileid.u32  }
0x3db: {  	s1 =	rddreg [dreg:$0x1];
	p0 =	sne.s32 s2, $0x0  }
0x3dc: {  	s3 =	rddreg [dreg:$0x2];
	[bflag:$0x3] =	sbarrier.arrive $0xFFFF;
	s2 =	simm.s32 @!p0 $0x1C01  }
0x3dd: {  	[timem:s3], [sflag:s2] =	dma.local @!p0 [hbm:s0], s1  }
0x3de: {  	s0 =	simm.s32 @!p0 $0x1  }
0x3df: {  	_ =	swait.ge @!p0 [sflag:s0], s1  }
0x3e0: {  	s1 =	ssub.s32 @!p0 $0x0, s1;
	[sflag:s0] =	ssyncset.done @!p0 $0x0  }
0x3e1: {  	[sflag:s0] =	ssyncadd.s32 @!p0 s1  }
0x3e2: {  	[bflag:$0x3] =	sbarrier.arrive $0xFFFF  }
0x3e3: {  	_ =	shalt  }

// kernel: sparse-core-data-format-call.1.cloned.1.call-start
scs
called_computation.3_lowered:
.L_overlay_start_0:
0x0: {  	s2 =	sld [smem:$0x3FD9]  }
0x1: {  	s3 =	sld [smem:$0x3FFE];
	_ =	sdelay $0x1  }
0x2: {  	s1 =	srdreg.scid  }
0x3: {  	s0 =	sand.u32 $0x1, s1  }
0x4: {  	s18 =	sshll.u32 s0, $0xA;
	s2 =	sadd.s32 s3, s2  }
0x5: {  	s2 =	sadd.s32 s2, s18  }
0x6: {  	[smem:$0x3FB0] =	sst s2  }
0x7: {  	_ = 	snop  }
0x8: {  	(tm) =	ssettm $0x1  }
0x9: {  	s19 =	sld [smem:$0x3FFB];
	_ =	sdelay $0x3  }
0xa: {  	_ =	strace s19  }
0xb: {  	s2 =	sld [smem:$0x3FFC];
	_ =	sdelay $0x3  }
0xc: {  	_ =	strace s2  }
0xd: {  	s2 =	sld [smem:$0x3FFD];
	_ =	sdelay $0x3  }
0xe: {  	_ =	strace s2  }
0xf: {  	_ =	strace $0x8FFFFFFF  }
0x10: {  	s20 =	sld [smem:$0x3FDB];
	_ =	sdelay $0x1  }
0x11: {  	s21 =	simm.s32 $_scs_section_size  }
0x12: {  	s4 =	simm.s32 $_size__tile_overlayer_lowered;
	s5 =	simm.s32 $_tile_overlayer_lowered  }
0x13: {  	s6 =	simm.s32 $0x1BFF;
	s22 =	sshll.u32 s5, $0x1;
	s3 =	sadd.s32 s21, s20  }
0x14: {  	s23 =	simm.s32 $0x0;
	s4 =	sshll.u32 s4, $0x1;
	s5 =	sadd.s32 s22, s3  }
0x15: {  	[timem:s23], [sflag:s6] =	dma.local [hbm:s5], s4  }
0x16: {  	_ =	swait.ge [sflag:s6], s4  }
0x17: {  	s4 =	ssub.s32 $0x0, s4;
	[sflag:s6] =	ssyncset.done $0x0  }
0x18: {  	[sflag:s6] =	ssyncadd.s32 s4;
	_ =	sdelay $0x1  }
0x19: {  	s24 =	simm.s32 $0x1B8B  }
0x1a: {  	_ =	swait.ge [sflag:s24], $0x1  }
0x1b: {  	[sflag:s24] =	ssyncset.done $0x0  }
0x1c: {  	[sflag:s24] =	ssyncadd.s32 $0xFFFFFFFF  }
0x1d: {  	s4 =	sld [smem:$0x0]  }
0x1e: {  	s5 =	sand.u32 $0xFFFFFFFE, s1  }
0x1f: {  	p0 =	sne.s32 s1, s5  }
0x20: {  	s5 =	sshll.u32 @p0 s5, $0xE  }
0x21: {  	s5 =	sadd.s32 @p0 $0x11B8D, s5;
	s6 =	sshll.u32 @p0 s4, $0x11  }
0x22: {  	s5 =	sor.u32 @p0 s6, s5  }
0x23: {  	[sflag:s5] =	ssyncadd.remote.s32 @p0 $0x1;
	_ =	sdelay $0x1  }
0x24: {  	s5 =	simm.s32 @p0 $0x1B8D  }
0x25: {  	_ =	swait.eq @p0 [sflag:s5], $0x1  }
0x26: {  	[sflag:s5] =	ssyncadd.s32 @p0 $0xFFFFFFFF  }
0x27: {  	s6 =	sshll.u32 @!p0 s1, $0xE  }
0x28: {  	s6 =	sor.u32 @!p0 $0x4000, s6;
	s5 =	simm.s32 @!p0 $0x1B8D  }
0x29: {  	s4 =	sshll.u32 @!p0 s4, $0x11;
	s6 =	sadd.s32 @!p0 $0x11B8D, s6;
	_ =	swait.eq @!p0 [sflag:s5], $0x1  }
0x2a: {  	s4 =	sor.u32 @!p0 s4, s6;
	[sflag:s5] =	ssyncadd.s32 @!p0 $0xFFFFFFFF  }
0x2b: {  	s26 =	simm.s32 $0x1B8E;
	s25 =	sld [smem:$0x3FFE];
	[sflag:s4] =	ssyncadd.remote.s32 @!p0 $0x1  }
0x2c: {  	s27 =	simm.s32 $execute0_lowered;
	[smem:$0x3FD2] =	sst s26  }
0x2d: {  	s5 =	sshll.u32 s27, $0x1;
	_ =	strace $0x8000004F;
	[dreg:$0x1] =	wrdreg $0xFFFFFFFF  }
0x2e: {  	s28 =	simm.s32 $_size_execute0_lowered;
	s3 =	sadd.s32 s3, s5;
	[dreg:$0x0] =	wrdreg $0x0  }
0x2f: {  	s5 =	sshll.u32 s28, $0x1;
	[dreg:$0x2] =	wrdreg s3  }
0x30: {  	[dreg:$0x3] =	wrdreg s5  }
0x31: {  	[dreg:$0x4] =	wrdreg $0xC0  }
0x32: {  	_ =	task [dreg:s23], $0x5FFFF  }
0x33: {  	[dreg:$0x1] =	wrdreg $0xFFFFFFFF  }
0x34: {  	[dreg:$0x0] =	wrdreg $0x60  }
0x35: {  	[dreg:$0x2] =	wrdreg s25  }
0x36: {  	[dreg:$0x3] =	wrdreg $0x9  }
0x37: {  	_ =	task.clear_ibuf [dreg:s23], $0x4FFFF;
	_ =	strace $0x9000004F  }
0x38: {  	s29 =	simm.s32 $0x9;
	_ =	strace $0x80000051  }
0x39: {  	_ =	swait.ge [sflag:s29], $0x1  }
0x3a: {  	[sflag:s29] =	ssyncadd.s32 $0xFFFFFFFF  }
0x3b: {  	_ =	strace $0x90000051  }
0x3c: {  	_ =	sfence  }
0x3d: {  	s30 =	sld [smem:$0x0];
	_ =	sdelay $0x2  }
0x3e: {  	s31 =	sshll.u32 s1, $0xD;
	s1 =	sshrl.u32 s1, $0x2  }
0x3f: {  	s4 =	sand.u32 $0x4000, s31;
	s1 =	sadd.s32 s1, s30  }
0x40: {  	s0 =	sor.u32 s4, s0;
	s1 =	sshll.u32 s1, $0x11  }
0x41: {  	s0 =	sor.u32 s1, s0  }
0x42: {  	s0 =	sadd.s32 $0x8F2B, s0  }
0x43: {  	[sflag:s0] =	ssyncadd.remote.s32 $0x1  }
0x44: {  	_ =	sfence.sel $0xFFFF  }
0x45: {  	[dreg:$0x0] =	wrdreg $0xFFFFFFFF;
	(pc) =	sbr.abs _section_cstart, $3  }
0x46: {  	[dreg:$0x1] =	wrdreg $0xFFFFFFFF  }
0x47: {  	_ =	task.clear_ibuf [dreg:s23], $0x2FFFF;
	_ =	strace $0x9FFFFFFF  }
0x48: {  	(tm) =	ssettm $0x7FFFFFFF  }
0x49: {  	_ =	shalt  }
tec
execute0_lowered:
.L_overlay_start_1:
0x0: {  	(tag) =	ssettag $0x1  }
0x1: {  	s0 =	srdreg.scid;
	s5 =	rddreg [dreg:$0x0];
	s4 =	simm.s32 $0x1  }
0x2: {  	s8 =	simm.s32 $0x2;
	s13 =	simm.s32 $0x0;
	s1 =	sshll.u32 s0, $0x4  }
0x3: {  	s14 =	simm.s32 $0x0;
	s0 =	stileid.u32;
	s1 =	sand.u32 $0x10, s1  }
0x4: {  	s15 =	simm.s32 $0x0;
	s10 =	simm.s32 $0x0;
	s2 =	sor.u32 s0, s1  }
0x5: {  	s11 =	simm.s32 $0x0;
	s3 =	sadd.s32 $0x74F8C00, s5;
	s2 =	sshll.u32 s2, $0x8  }
0x6: {  	s12 =	simm.s32 $0x0;
	s5 =	sadd.s32 $0x7B13400, s5;
	s6 =	ssub.s32 $0xC3500, s2  }
.Ltmp0:
0x7: {  	s1 =	rddreg [dreg:$0x1];
	s7 =	sand.u32 $0x1F00, s6;
	(pc) =	sbr.rel .LBB1_1-.Ltmp0, $4  }
0x8: {  	_ =	strace $0x80000050;
	p0 =	sne.s32 s7, $0x0;
	s7 =	simm.s32 $0x1  }
0x9: {  	[sflag:s4] =	ssyncpa.u1 $0x0;
	s6 =	sshrl.u32 s6, $0xD;
	s7 =	simm.s32 @!p0 $0x0  }
0xa: {  	[sflag:s8] =	ssyncpa.u1 $0x0;
	s8 =	simm.s32 $0x80;
	s6 =	sadd.s32 s7, s6  }
0xb: {  	s9 =	smov.u32 s2;
	p0 =	por $0x0, $0x0;
	s7 =	sadd.s32 $0x1, s6  }
.LBB1_7:
0xc: {  	s16 =	sadd.s32 $0x2000, s9  }
0xd: {  	s13 =	sadd.s32 $0x8, s10;
	s17 =	smov.u32 s10;
	p2 =	sgt.s32 s16, $0xC34FF  }
0xe: {  	s17 =	smov.u32 @p2 s13  }
0xf: {  	s19 =	smov.u32 s11;
	s13 =	sadd.s32 $0x8, s11;
	p3 =	sgt.s32 s17, $0x7  }
0x10: {  	s19 =	smov.u32 @p3 s13  }
0x11: {  	s16 =	smov.u32 @p2 s2;
	p2 =	sgt.s32 s19, $0x7  }
0x12: {  	p1 =	slt.u32 s12, $0x2;
	s19 =	simm.s32 @p2 $0x0;
	p2 =	sne.s32 s12, s7  }
.Ltmp1:
0x13: {  	s18 =	simm.s32 @!p1 $0x2;
	(pc) =	sbr.rel @!p2 .LBB1_8-.Ltmp1, $4  }
0x14: {  	s14 =	smov.u32 s10;
	s15 =	smov.u32 s11;
	_ =	swait.ge @!p1 [sflag:s18], $0x4000  }
0x15: {  	p0 =	por !p0, !p0;
	[sflag:s18] =	ssyncset.done @!p1 $0x0;
	s17 =	simm.s32 @p3 $0x0  }
0x16: {  	s13 =	smov.u32 s9;
	[sflag:s18] =	ssyncadd.s32 @!p1 $0xFFFFC000;
	s9 =	smov.u32 s16  }
0x17: {  	s10 =	smov.u32 s17;
	s12 =	sadd.s32 $0x1, s12;
	s11 =	smov.u32 s19  }
.LBB1_1:
0x18: {  	p1 =	sge.u32 s12, s6  }
0x19: {  	s16 =	sshrl.u32 @!p1 s10, $0x3  }
0x1a: {  	s17 =	sshll.u32 @!p1 s9, $0x3;
	s16 =	smul.u32 @!p1 $0x61A800, s16  }
0x1b: {  	s18 =	sshll.u32 @!p1 s10, $0x7;
	s17 =	sand.u32 @!p1 $0xFFFFFC00, s17  }
0x1c: {  	s16 =	sadd.s32 @!p1 s16, s17;
	s17 =	sand.u32 @!p1 $0x380, s18  }
0x1d: {  	s16 =	sor.u32 @!p1 s17, s16  }
0x1e: {  	s17 =	sshrl.u32 @!p1 s16, $0x8  }
0x1f: {  	s17 =	smulhi.u32 @!p1 $0x14F8B59, s17;
	_ =	sdelay $0x1  }
0x20: {  	s31 =	sadd.s32 $0xFFFFFFFF, s12;
	s17 =	sshrl.u32 @!p1 s17, $0x4  }
0x21: {  	s19 =	sand.u32 @!p1 $0x7F, s9;
	s18 =	sxor.u32 @!p1 $0xFFFFFFFF, s12;
	s20 =	smul.u32 @!p1 $0xC3500, s17  }
0x22: {  	s16 =	sor.u32 @!p1 s19, s16;
	s19 =	smul.u32 @!p1 $0xC3500, s11;
	s17 =	sand.u32 @!p1 $0x7, s17  }
0x23: {  	s18 =	sshll.u32 @!p1 s18, $0xE;
	s17 =	smul.u32 @!p1 $0x186A0, s17;
	s16 =	ssub.s32 @!p1 s16, s20  }
0x24: {  	s18 =	sand.u32 @!p1 $0x4000, s18;
	s19 =	sadd.s32 @!p1 s3, s19;
	s20 =	sand.u32 @!p1 $0x7, s16  }
0x25: {  	s16 =	sshrl.u32 @!p1 s16, $0x3;
	s17 =	sadd.s32 @!p1 s17, s19;
	s19 =	sshll.u32 @!p1 s20, $0x12  }
0x26: {  	s16 =	sadd.s32 @!p1 s16, s17;
	s17 =	sor.u32 @!p1 $0x800, s19;
	s19 =	simm.s32 @!p1 $0x61A800  }
0x27: {  	[tilespmem:s18], [sflag:$0x1] =	stream.strided.gather @!p1 [hbm4b:s16+s17], $0x4000, s19, s17, $0x38;
	[tilespmem:$0x11000] =	vst v63  }
0x28: {  	p1 =	sge.u32 s31, s6  }
.Ltmp2:
0x29: {  	_ = 	snop;
	(pc) =	sbr.rel @p1 .LBB1_7-.Ltmp2, $1  }
0x2a: {  	_ =	sdelay $0x3  }
0x2b: {  	s16 =	simm.s32 $0x1;
	s19 =	sand.u32 $0x1, s12  }
0x2c: {  	_ =	swait.ge [sflag:s4], $0x4000;
	s16 =	simm.s32 @!p0 $0x0;
	s20 =	smul.u32 $0x12000, s19  }
0x2d: {  	s21 =	simm.s32 $0x0;
	[sflag:s4] =	ssyncset.done $0x0;
	s17 =	smul.u32 $0x12000, s16  }
0x2e: {  	s19 =	sshll.u32 s19, $0xE;
	s16 =	sshll.u32 s16, $0xE;
	[sflag:s4] =	ssyncadd.s32 $0xFFFFC000  }
0x2f: {  	s18 =	sor.u32 $0x410, s16;
	s31 =	sshrl.u32 s20, $0x2;
	s17 =	sshrl.u32 s17, $0x2  }
0x30: {  	s20 =	simm.s32 $0x0;
	s16 =	sor.u32 $0x8000, s31;
	s17 =	sor.u32 $0x8000, s17  }
.LBB1_3:
0x31: {  	s22 =	sshll.u32 s21, $0xB  }
0x32: {  	v2 =	vld [tilespmem:s18+$0xFFFFFBF0];
	v0 =	vmov s22  }
0x33: {  	v3 =	vld [tilespmem:s18+$0xFFFFFC00]  }
0x34: {  	s31 =	sand.u32 $0x300, s20;
	v4 =	vld [tilespmem:s18+$0xFFFFFC10]  }
0x35: {  	s23 =	sand.u32 $0x80, s20;
	v6 =	vld [tilespmem:s18+$0xFFFFFC20];
	s22 =	sadd.s32 s31, s19  }
0x36: {  	v7 =	vld [tilespmem:s18+$0xFFFFFC30];
	s22 =	sadd.s32 s23, s22  }
0x37: {  	v1 =	vld.idx.msk [tilespmem:v0+s22+$0x400 ss:$0x1], $0xffff;
	s22 =	sadd.s32 $0x0, s17  }
0x38: {  	v8 =	vld [tilespmem:s18+$0xFFFFFC40];
	[tilespmem:s22+$0x0 ss:$0x48] =	vst.msk $0xffff, v2  }
0x39: {  	v9 =	vld [tilespmem:s18+$0xFFFFFC50];
	[tilespmem:s22+$0x480 ss:$0x48] =	vst.msk $0xffff, v3  }
0x3a: {  	v5 =	vld [tilespmem:s18+$0xFFFFFC60];
	[tilespmem:s22+$0x900 ss:$0x48] =	vst.msk $0xffff, v4  }
0x3b: {  	v4 =	vld [tilespmem:s18+$0x0];
	[tilespmem:s22+$0xD80 ss:$0x48] =	vst.msk $0xffff, v6  }
0x3c: {  	v3 =	vld [tilespmem:s18+$0x10];
	[tilespmem:s22+$0x1200 ss:$0x48] =	vst.msk $0xffff, v7  }
0x3d: {  	[tilespmem:s22+$0x1680 ss:$0x48] =	vst.msk $0xffff, v8;
	v2 =	vld [tilespmem:s18+$0x30]  }
0x3e: {  	s25 =	simm.s32 $0x80;
	s26 =	simm.s32 $0x8;
	[tilespmem:s22+$0x2400 ss:$0x48] =	vst.msk $0xffff, v1;
	v1 =	vld [tilespmem:s18+$0x20]  }
0x3f: {  	s24 =	smov.u32 s18;
	s27 =	sand.u32 $0x300, s25;
	s23 =	simm.s32 $0x4;
	[tilespmem:s22+$0x1B00 ss:$0x48] =	vst.msk $0xffff, v9;
	v6 =	vld [tilespmem:s18+$0x40]  }
.LBB1_4:
0x40: {  	p1 =	sne.s32 s26, $0x1C;
	s28 =	sand.u32 $0x80, s25;
	s27 =	sadd.s32 s27, s19;
	[tilespmem:s22+$0x1F80 ss:$0x48] =	vst.msk $0xffff, v5;
	v5 =	vld [tilespmem:s24+$0x50]  }
0x41: {  	s27 =	sadd.s32 s28, s27;
	[tilespmem:s22+$0x2880 ss:$0x48] =	vst.msk $0xffff, v4;
	v4 =	vld [tilespmem:s24+$0x60]  }
0x42: {  	s24 =	sadd.s32 $0x80, s24;
	v7 =	vld.idx.msk [tilespmem:v0+s27+$0x400 ss:$0x1], $0xffff;
	[tilespmem:s22+$0x2D00 ss:$0x48] =	vst.msk $0xffff, v3  }
0x43: {  	v3 =	vld [tilespmem:s24+$0xFFFFFBF0];
	[tilespmem:s22+$0x3180 ss:$0x48] =	vst.msk $0xffff, v1  }
0x44: {  	v1 =	vld [tilespmem:s24+$0xFFFFFC00];
	[tilespmem:s22+$0x3600 ss:$0x48] =	vst.msk $0xffff, v2  }
0x45: {  	v2 =	vld [tilespmem:s24+$0xFFFFFC10];
	[tilespmem:s22+$0x3A80 ss:$0x48] =	vst.msk $0xffff, v6  }
0x46: {  	s27 =	sshra.s32 s23, $0x2;
	s23 =	smov.u32 s26;
	v6 =	vld [tilespmem:s24+$0xFFFFFC20];
	[tilespmem:s22+$0x3F00 ss:$0x48] =	vst.msk $0xffff, v5  }
0x47: {  	v8 =	vld [tilespmem:s24+$0xFFFFFC30];
	[tilespmem:s22+$0x4380 ss:$0x48] =	vst.msk $0xffff, v4;
	s22 =	sadd.s32 s27, s17  }
0x48: {  	v9 =	vld [tilespmem:s24+$0xFFFFFC40];
	[tilespmem:s22+$0x2400 ss:$0x48] =	vst.msk $0xffff, v7  }
0x49: {  	[tilespmem:s22+$0x0 ss:$0x48] =	vst.msk $0xffff, v3;
	v7 =	vld [tilespmem:s24+$0xFFFFFC50]  }
0x4a: {  	[tilespmem:s22+$0x480 ss:$0x48] =	vst.msk $0xffff, v1;
	v5 =	vld [tilespmem:s24+$0xFFFFFC60]  }
.Ltmp3:
0x4b: {  	[tilespmem:s22+$0x900 ss:$0x48] =	vst.msk $0xffff, v2;
	v4 =	vld [tilespmem:s24+$0x0];
	(pc) =	sbr.rel @p1 .LBB1_4-.Ltmp3, $4  }
0x4c: {  	[tilespmem:s22+$0xD80 ss:$0x48] =	vst.msk $0xffff, v6;
	v3 =	vld [tilespmem:s24+$0x10]  }
0x4d: {  	[tilespmem:s22+$0x1200 ss:$0x48] =	vst.msk $0xffff, v8;
	v1 =	vld [tilespmem:s24+$0x20]  }
0x4e: {  	s25 =	sadd.s32 $0x80, s25;
	[tilespmem:s22+$0x1680 ss:$0x48] =	vst.msk $0xffff, v9;
	v2 =	vld [tilespmem:s24+$0x30]  }
0x4f: {  	s26 =	sadd.s32 $0x4, s26;
	s27 =	sand.u32 $0x300, s25;
	[tilespmem:s22+$0x1B00 ss:$0x48] =	vst.msk $0xffff, v7;
	v6 =	vld [tilespmem:s24+$0x40]  }
0x50: {  	[tilespmem:s22+$0x1F80 ss:$0x48] =	vst.msk $0xffff, v5  }
0x51: {  	v47 =	vld [tilespmem:s24+$0x50];
	[tilespmem:s22+$0x2880 ss:$0x48] =	vst.msk $0xffff, v4  }
0x52: {  	v48 =	vld [tilespmem:s24+$0x60];
	s31 =	sadd.s32 $0x80, s24;
	[tilespmem:s22+$0x2D00 ss:$0x48] =	vst.msk $0xffff, v3  }
0x53: {  	v49 =	vld [tilespmem:s31+$0xFFFFFBF0];
	[tilespmem:s22+$0x3180 ss:$0x48] =	vst.msk $0xffff, v1  }
0x54: {  	v50 =	vld [tilespmem:s31+$0xFFFFFC00];
	[tilespmem:s22+$0x3600 ss:$0x48] =	vst.msk $0xffff, v2  }
0x55: {  	v51 =	vld [tilespmem:s31+$0xFFFFFC10];
	[tilespmem:s22+$0x3A80 ss:$0x48] =	vst.msk $0xffff, v6  }
0x56: {  	s23 =	sshra.s32 s23, $0x2;
	v52 =	vld [tilespmem:s31+$0xFFFFFC20];
	[tilespmem:s22+$0x3F00 ss:$0x48] =	vst.msk $0xffff, v47  }
0x57: {  	s23 =	sadd.s32 s23, s17;
	v53 =	vld [tilespmem:s31+$0xFFFFFC30];
	[tilespmem:s22+$0x4380 ss:$0x48] =	vst.msk $0xffff, v48  }
0x58: {  	v54 =	vld [tilespmem:s31+$0xFFFFFC40];
	[tilespmem:s23+$0x0 ss:$0x48] =	vst.msk $0xffff, v49  }
0x59: {  	v55 =	vld [tilespmem:s31+$0xFFFFFC50];
	[tilespmem:s23+$0x480 ss:$0x48] =	vst.msk $0xffff, v50  }
0x5a: {  	v56 =	vld [tilespmem:s31+$0xFFFFFC60];
	[tilespmem:s23+$0x900 ss:$0x48] =	vst.msk $0xffff, v51  }
0x5b: {  	v57 =	vld [tilespmem:s31+$0x0];
	[tilespmem:s23+$0xD80 ss:$0x48] =	vst.msk $0xffff, v52  }
0x5c: {  	v58 =	vld [tilespmem:s31+$0x10];
	[tilespmem:s23+$0x1200 ss:$0x48] =	vst.msk $0xffff, v53  }
0x5d: {  	v59 =	vld [tilespmem:s31+$0x20];
	[tilespmem:s23+$0x1680 ss:$0x48] =	vst.msk $0xffff, v54  }
0x5e: {  	v60 =	vld [tilespmem:s31+$0x30];
	[tilespmem:s23+$0x1B00 ss:$0x48] =	vst.msk $0xffff, v55  }
0x5f: {  	v61 =	vld [tilespmem:s31+$0x40];
	[tilespmem:s23+$0x1F80 ss:$0x48] =	vst.msk $0xffff, v56  }
0x60: {  	s25 =	sand.u32 $0x80, s25;
	s26 =	sadd.s32 s27, s19;
	v62 =	vld [tilespmem:s31+$0x50];
	[tilespmem:s23+$0x2880 ss:$0x48] =	vst.msk $0xffff, v57  }
0x61: {  	s21 =	sadd.s32 $0x1, s21;
	s25 =	sadd.s32 s25, s26;
	v63 =	vld [tilespmem:s31+$0x60];
	[tilespmem:s23+$0x2D00 ss:$0x48] =	vst.msk $0xffff, v58  }
0x62: {  	p1 =	sne.s32 s21, $0x8;
	v0 =	vld.idx.msk [tilespmem:v0+s25+$0x400 ss:$0x1], $0xffff;
	[tilespmem:s23+$0x3180 ss:$0x48] =	vst.msk $0xffff, v59  }
.Ltmp4:
0x63: {  	[tilespmem:s23+$0x3600 ss:$0x48] =	vst.msk $0xffff, v60;
	(pc) =	sbr.rel @p1 .LBB1_3-.Ltmp4, $4  }
0x64: {  	[tilespmem:s23+$0x3A80 ss:$0x48] =	vst.msk $0xffff, v61  }
0x65: {  	[tilespmem:s23+$0x3F00 ss:$0x48] =	vst.msk $0xffff, v62  }
0x66: {  	[tilespmem:s23+$0x4380 ss:$0x48] =	vst.msk $0xffff, v63  }
0x67: {  	s18 =	sadd.s32 $0x800, s18;
	s17 =	sadd.s32 $0x9, s17;
	[tilespmem:s23+$0x2400 ss:$0x48] =	vst.msk $0xffff, v0  }
0x68: {  	s15 =	sshll.u32 s15, $0x4  }
.Ltmp5:
0x69: {  	s13 =	sshll.u32 s13, $0x7;
	s15 =	sand.u32 $0x70, s15;
	(pc) =	sbr.rel .LBB1_7-.Ltmp5, $4  }
0x6a: {  	s17 =	sshrl.u32 s14, $0x3;
	s31 =	sand.u32 $0x7, s14;
	s15 =	sadd.s32 s5, s15  }
0x6b: {  	s17 =	sand.u32 $0xF, s17;
	s14 =	sshll.u32 s31, $0x12;
	s13 =	sadd.s32 s13, s15  }
0x6c: {  	s14 =	sor.u32 $0x8, s14;
	s13 =	sadd.s32 s17, s13  }
0x6d: {  	[hbm4b:s13+s14] =	stream.strided.scatter [tilespmem:s16], [sflag:$0x2], $0x4000, s8, s14, $0x0;
	[tilespmem:$0x11000] =	vst v63  }
.LBB1_8:
0x6e: {  	_ =	sfence.sel $0x180000  }
0x6f: {  	s2 =	simm.s32 $0x1;
	[bflag:$0x0] =	sbarrier.arrive $0xFFFF  }
0x70: {  	s31 =	simm.s32 $0x2;
	[sflag:s2] =	ssyncpa.u1 $0x1  }
0x71: {  	[sflag:s31] =	ssyncpa.u1 $0x1  }
0x72: {  	p0 =	sne.s32 s0, $0x0;
	_ =	strace $0x90000050  }
0x73: {  	s0 =	sadd.s32 @!p0 $0x100000, s1;
	[bflag:$0x2] =	sbarrier.arrive $0xFFFF  }
0x74: {  	[sflag:s0] =	ssyncadd.tile.s32 @!p0 $0x1;
	_ =	shalt  }
.Lfunc_end1:
_tile_overlayer_lowered:
.L_overlay_start_2:
0x75: {  	(tag) =	ssettag $0x2  }
0x76: {  	s0 =	rddreg [dreg:$0x0];
	s2 =	stileid.u32  }
0x77: {  	s1 =	rddreg [dreg:$0x1];
	p0 =	sne.s32 s2, $0x0  }
0x78: {  	s3 =	rddreg [dreg:$0x2];
	[bflag:$0x3] =	sbarrier.arrive $0xFFFF;
	s2 =	simm.s32 @!p0 $0x1C01  }
0x79: {  	[timem:s3], [sflag:s2] =	dma.local @!p0 [hbm:s0], s1  }
0x7a: {  	s0 =	simm.s32 @!p0 $0x1  }
0x7b: {  	_ =	swait.ge @!p0 [sflag:s0], s1  }
0x7c: {  	s1 =	ssub.s32 @!p0 $0x0, s1;
	[sflag:s0] =	ssyncset.done @!p0 $0x0  }
0x7d: {  	[sflag:s0] =	ssyncadd.s32 @!p0 s1  }
0x7e: {  	[bflag:$0x3] =	sbarrier.arrive $0xFFFF  }
0x7f: {  	_ =	shalt  }

// kernel: sparse-core-data-format-call.2.cloned.1.call-start
scs
called_computation.4_lowered:
.L_overlay_start_0:
0x0: {  	s2 =	sld [smem:$0x3FD9]  }
0x1: {  	s3 =	sld [smem:$0x3FFE];
	_ =	sdelay $0x1  }
0x2: {  	s1 =	srdreg.scid  }
0x3: {  	s0 =	sand.u32 $0x1, s1  }
0x4: {  	s18 =	sshll.u32 s0, $0xA;
	s2 =	sadd.s32 s3, s2  }
0x5: {  	s2 =	sadd.s32 s2, s18  }
0x6: {  	[smem:$0x3FB0] =	sst s2  }
0x7: {  	_ = 	snop  }
0x8: {  	(tm) =	ssettm $0x1  }
0x9: {  	s19 =	sld [smem:$0x3FFB];
	_ =	sdelay $0x3  }
0xa: {  	_ =	strace s19  }
0xb: {  	s2 =	sld [smem:$0x3FFC];
	_ =	sdelay $0x3  }
0xc: {  	_ =	strace s2  }
0xd: {  	s2 =	sld [smem:$0x3FFD];
	_ =	sdelay $0x3  }
0xe: {  	_ =	strace s2  }
0xf: {  	_ =	strace $0x8FFFFFFF  }
0x10: {  	s20 =	sld [smem:$0x3FDB];
	_ =	sdelay $0x1  }
0x11: {  	s21 =	simm.s32 $_scs_section_size  }
0x12: {  	s4 =	simm.s32 $_size__tile_overlayer_lowered;
	s5 =	simm.s32 $_tile_overlayer_lowered  }
0x13: {  	s6 =	simm.s32 $0x1BFF;
	s22 =	sshll.u32 s5, $0x1;
	s3 =	sadd.s32 s21, s20  }
0x14: {  	s23 =	simm.s32 $0x0;
	s4 =	sshll.u32 s4, $0x1;
	s5 =	sadd.s32 s22, s3  }
0x15: {  	[timem:s23], [sflag:s6] =	dma.local [hbm:s5], s4  }
0x16: {  	_ =	swait.ge [sflag:s6], s4  }
0x17: {  	s4 =	ssub.s32 $0x0, s4;
	[sflag:s6] =	ssyncset.done $0x0  }
0x18: {  	[sflag:s6] =	ssyncadd.s32 s4;
	_ =	sdelay $0x1  }
0x19: {  	s24 =	simm.s32 $0x1B8B  }
0x1a: {  	_ =	swait.ge [sflag:s24], $0x1  }
0x1b: {  	[sflag:s24] =	ssyncset.done $0x0  }
0x1c: {  	[sflag:s24] =	ssyncadd.s32 $0xFFFFFFFF  }
0x1d: {  	s4 =	sld [smem:$0x0]  }
0x1e: {  	s5 =	sand.u32 $0xFFFFFFFE, s1  }
0x1f: {  	p0 =	sne.s32 s1, s5  }
0x20: {  	s5 =	sshll.u32 @p0 s5, $0xE  }
0x21: {  	s5 =	sadd.s32 @p0 $0x11B8D, s5;
	s6 =	sshll.u32 @p0 s4, $0x11  }
0x22: {  	s5 =	sor.u32 @p0 s6, s5  }
0x23: {  	[sflag:s5] =	ssyncadd.remote.s32 @p0 $0x1;
	_ =	sdelay $0x1  }
0x24: {  	s5 =	simm.s32 @p0 $0x1B8D  }
0x25: {  	_ =	swait.eq @p0 [sflag:s5], $0x1  }
0x26: {  	[sflag:s5] =	ssyncadd.s32 @p0 $0xFFFFFFFF  }
0x27: {  	s6 =	sshll.u32 @!p0 s1, $0xE  }
0x28: {  	s6 =	sor.u32 @!p0 $0x4000, s6;
	s5 =	simm.s32 @!p0 $0x1B8D  }
0x29: {  	s4 =	sshll.u32 @!p0 s4, $0x11;
	s6 =	sadd.s32 @!p0 $0x11B8D, s6;
	_ =	swait.eq @!p0 [sflag:s5], $0x1  }
0x2a: {  	s4 =	sor.u32 @!p0 s4, s6;
	[sflag:s5] =	ssyncadd.s32 @!p0 $0xFFFFFFFF  }
0x2b: {  	s26 =	simm.s32 $0x1B8E;
	s25 =	sld [smem:$0x3FFE];
	[sflag:s4] =	ssyncadd.remote.s32 @!p0 $0x1  }
0x2c: {  	s27 =	simm.s32 $execute0_lowered;
	[smem:$0x3FD2] =	sst s26  }
0x2d: {  	s5 =	sshll.u32 s27, $0x1;
	_ =	strace $0x80000052;
	[dreg:$0x1] =	wrdreg $0xFFFFFFFF  }
0x2e: {  	s28 =	simm.s32 $_size_execute0_lowered;
	s3 =	sadd.s32 s3, s5;
	[dreg:$0x0] =	wrdreg $0x0  }
0x2f: {  	s5 =	sshll.u32 s28, $0x1;
	[dreg:$0x2] =	wrdreg s3  }
0x30: {  	[dreg:$0x3] =	wrdreg s5  }
0x31: {  	[dreg:$0x4] =	wrdreg $0xC0  }
0x32: {  	_ =	task [dreg:s23], $0x5FFFF  }
0x33: {  	[dreg:$0x1] =	wrdreg $0xFFFFFFFF  }
0x34: {  	[dreg:$0x0] =	wrdreg $0x60  }
0x35: {  	[dreg:$0x2] =	wrdreg s25  }
0x36: {  	[dreg:$0x3] =	wrdreg $0xA  }
0x37: {  	_ =	task.clear_ibuf [dreg:s23], $0x4FFFF;
	_ =	strace $0x90000052  }
0x38: {  	s29 =	simm.s32 $0xA;
	_ =	strace $0x80000054  }
0x39: {  	_ =	swait.ge [sflag:s29], $0x1  }
0x3a: {  	[sflag:s29] =	ssyncadd.s32 $0xFFFFFFFF  }
0x3b: {  	_ =	strace $0x90000054  }
0x3c: {  	_ =	sfence  }
0x3d: {  	s30 =	sld [smem:$0x0];
	_ =	sdelay $0x2  }
0x3e: {  	s31 =	sshll.u32 s1, $0xD;
	s1 =	sshrl.u32 s1, $0x2  }
0x3f: {  	s4 =	sand.u32 $0x4000, s31;
	s1 =	sadd.s32 s1, s30  }
0x40: {  	s0 =	sor.u32 s4, s0;
	s1 =	sshll.u32 s1, $0x11  }
0x41: {  	s0 =	sor.u32 s1, s0  }
0x42: {  	s0 =	sadd.s32 $0x8F2B, s0  }
0x43: {  	[sflag:s0] =	ssyncadd.remote.s32 $0x1  }
0x44: {  	_ =	sfence.sel $0xFFFF  }
0x45: {  	[dreg:$0x0] =	wrdreg $0xFFFFFFFF;
	(pc) =	sbr.abs _section_cstart, $3  }
0x46: {  	[dreg:$0x1] =	wrdreg $0xFFFFFFFF  }
0x47: {  	_ =	task.clear_ibuf [dreg:s23], $0x2FFFF;
	_ =	strace $0x9FFFFFFF  }
0x48: {  	(tm) =	ssettm $0x7FFFFFFF  }
0x49: {  	_ =	shalt  }
tec
execute0_lowered:
.L_overlay_start_1:
0x0: {  	(tag) =	ssettag $0x1  }
0x1: {  	s0 =	srdreg.scid;
	s5 =	rddreg [dreg:$0x0];
	s4 =	simm.s32 $0x1  }
0x2: {  	s8 =	simm.s32 $0x2;
	s13 =	simm.s32 $0x0;
	s1 =	sshll.u32 s0, $0x4  }
0x3: {  	s14 =	simm.s32 $0x0;
	s0 =	stileid.u32;
	s1 =	sand.u32 $0x10, s1  }
0x4: {  	s15 =	simm.s32 $0x0;
	s10 =	simm.s32 $0x0;
	s2 =	sor.u32 s0, s1  }
0x5: {  	s11 =	simm.s32 $0x0;
	s3 =	sadd.s32 $0x658600, s5;
	s2 =	sshll.u32 s2, $0x8  }
0x6: {  	s12 =	simm.s32 $0x0;
	s5 =	sadd.s32 $0xC72E00, s5;
	s6 =	ssub.s32 $0xC3500, s2  }
.Ltmp0:
0x7: {  	s1 =	rddreg [dreg:$0x1];
	s7 =	sand.u32 $0x1F00, s6;
	(pc) =	sbr.rel .LBB1_1-.Ltmp0, $4  }
0x8: {  	_ =	strace $0x80000053;
	p0 =	sne.s32 s7, $0x0;
	s7 =	simm.s32 $0x1  }
0x9: {  	[sflag:s4] =	ssyncpa.u1 $0x0;
	s6 =	sshrl.u32 s6, $0xD;
	s7 =	simm.s32 @!p0 $0x0  }
0xa: {  	[sflag:s8] =	ssyncpa.u1 $0x0;
	s8 =	simm.s32 $0x80;
	s6 =	sadd.s32 s7, s6  }
0xb: {  	s9 =	smov.u32 s2;
	p0 =	por $0x0, $0x0;
	s7 =	sadd.s32 $0x1, s6  }
.LBB1_7:
0xc: {  	s16 =	sadd.s32 $0x2000, s9  }
0xd: {  	s13 =	sadd.s32 $0x8, s10;
	s17 =	smov.u32 s10;
	p2 =	sgt.s32 s16, $0xC34FF  }
0xe: {  	s17 =	smov.u32 @p2 s13  }
0xf: {  	s19 =	smov.u32 s11;
	s13 =	sadd.s32 $0x8, s11;
	p3 =	sgt.s32 s17, $0x7  }
0x10: {  	s19 =	smov.u32 @p3 s13  }
0x11: {  	s16 =	smov.u32 @p2 s2;
	p2 =	sgt.s32 s19, $0x7  }
0x12: {  	p1 =	slt.u32 s12, $0x2;
	s19 =	simm.s32 @p2 $0x0;
	p2 =	sne.s32 s12, s7  }
.Ltmp1:
0x13: {  	s18 =	simm.s32 @!p1 $0x2;
	(pc) =	sbr.rel @!p2 .LBB1_8-.Ltmp1, $4  }
0x14: {  	s14 =	smov.u32 s10;
	s15 =	smov.u32 s11;
	_ =	swait.ge @!p1 [sflag:s18], $0x4000  }
0x15: {  	p0 =	por !p0, !p0;
	[sflag:s18] =	ssyncset.done @!p1 $0x0;
	s17 =	simm.s32 @p3 $0x0  }
0x16: {  	s13 =	smov.u32 s9;
	[sflag:s18] =	ssyncadd.s32 @!p1 $0xFFFFC000;
	s9 =	smov.u32 s16  }
0x17: {  	s10 =	smov.u32 s17;
	s12 =	sadd.s32 $0x1, s12;
	s11 =	smov.u32 s19  }
.LBB1_1:
0x18: {  	p1 =	sge.u32 s12, s6  }
0x19: {  	s16 =	sshrl.u32 @!p1 s10, $0x3  }
0x1a: {  	s17 =	sshll.u32 @!p1 s9, $0x3;
	s16 =	smul.u32 @!p1 $0x61A800, s16  }
0x1b: {  	s18 =	sshll.u32 @!p1 s10, $0x7;
	s17 =	sand.u32 @!p1 $0xFFFFFC00, s17  }
0x1c: {  	s16 =	sadd.s32 @!p1 s16, s17;
	s17 =	sand.u32 @!p1 $0x380, s18  }
0x1d: {  	s16 =	sor.u32 @!p1 s17, s16  }
0x1e: {  	s17 =	sshrl.u32 @!p1 s16, $0x8  }
0x1f: {  	s17 =	smulhi.u32 @!p1 $0x14F8B59, s17;
	_ =	sdelay $0x1  }
0x20: {  	s31 =	sadd.s32 $0xFFFFFFFF, s12;
	s17 =	sshrl.u32 @!p1 s17, $0x4  }
0x21: {  	s19 =	sand.u32 @!p1 $0x7F, s9;
	s18 =	sxor.u32 @!p1 $0xFFFFFFFF, s12;
	s20 =	smul.u32 @!p1 $0xC3500, s17  }
0x22: {  	s16 =	sor.u32 @!p1 s19, s16;
	s19 =	smul.u32 @!p1 $0xC3500, s11;
	s17 =	sand.u32 @!p1 $0x7, s17  }
0x23: {  	s18 =	sshll.u32 @!p1 s18, $0xE;
	s17 =	smul.u32 @!p1 $0x186A0, s17;
	s16 =	ssub.s32 @!p1 s16, s20  }
0x24: {  	s18 =	sand.u32 @!p1 $0x4000, s18;
	s19 =	sadd.s32 @!p1 s3, s19;
	s20 =	sand.u32 @!p1 $0x7, s16  }
0x25: {  	s16 =	sshrl.u32 @!p1 s16, $0x3;
	s17 =	sadd.s32 @!p1 s17, s19;
	s19 =	sshll.u32 @!p1 s20, $0x12  }
0x26: {  	s16 =	sadd.s32 @!p1 s16, s17;
	s17 =	sor.u32 @!p1 $0x800, s19;
	s19 =	simm.s32 @!p1 $0x61A800  }
0x27: {  	[tilespmem:s18], [sflag:$0x1] =	stream.strided.gather @!p1 [hbm4b:s16+s17], $0x4000, s19, s17, $0x38;
	[tilespmem:$0x11000] =	vst v63  }
0x28: {  	p1 =	sge.u32 s31, s6  }
.Ltmp2:
0x29: {  	_ = 	snop;
	(pc) =	sbr.rel @p1 .LBB1_7-.Ltmp2, $1  }
0x2a: {  	_ =	sdelay $0x3  }
0x2b: {  	s16 =	simm.s32 $0x1;
	s19 =	sand.u32 $0x1, s12  }
0x2c: {  	_ =	swait.ge [sflag:s4], $0x4000;
	s16 =	simm.s32 @!p0 $0x0;
	s20 =	smul.u32 $0x12000, s19  }
0x2d: {  	s21 =	simm.s32 $0x0;
	[sflag:s4] =	ssyncset.done $0x0;
	s17 =	smul.u32 $0x12000, s16  }
0x2e: {  	s19 =	sshll.u32 s19, $0xE;
	s16 =	sshll.u32 s16, $0xE;
	[sflag:s4] =	ssyncadd.s32 $0xFFFFC000  }
0x2f: {  	s18 =	sor.u32 $0x410, s16;
	s31 =	sshrl.u32 s20, $0x2;
	s17 =	sshrl.u32 s17, $0x2  }
0x30: {  	s20 =	simm.s32 $0x0;
	s16 =	sor.u32 $0x8000, s31;
	s17 =	sor.u32 $0x8000, s17  }
.LBB1_3:
0x31: {  	s22 =	sshll.u32 s21, $0xB  }
0x32: {  	v2 =	vld [tilespmem:s18+$0xFFFFFBF0];
	v0 =	vmov s22  }
0x33: {  	v3 =	vld [tilespmem:s18+$0xFFFFFC00]  }
0x34: {  	s31 =	sand.u32 $0x300, s20;
	v4 =	vld [tilespmem:s18+$0xFFFFFC10]  }
0x35: {  	s23 =	sand.u32 $0x80, s20;
	v6 =	vld [tilespmem:s18+$0xFFFFFC20];
	s22 =	sadd.s32 s31, s19  }
0x36: {  	v7 =	vld [tilespmem:s18+$0xFFFFFC30];
	s22 =	sadd.s32 s23, s22  }
0x37: {  	v1 =	vld.idx.msk [tilespmem:v0+s22+$0x400 ss:$0x1], $0xffff;
	s22 =	sadd.s32 $0x0, s17  }
0x38: {  	v8 =	vld [tilespmem:s18+$0xFFFFFC40];
	[tilespmem:s22+$0x0 ss:$0x48] =	vst.msk $0xffff, v2  }
0x39: {  	v9 =	vld [tilespmem:s18+$0xFFFFFC50];
	[tilespmem:s22+$0x480 ss:$0x48] =	vst.msk $0xffff, v3  }
0x3a: {  	v5 =	vld [tilespmem:s18+$0xFFFFFC60];
	[tilespmem:s22+$0x900 ss:$0x48] =	vst.msk $0xffff, v4  }
0x3b: {  	v4 =	vld [tilespmem:s18+$0x0];
	[tilespmem:s22+$0xD80 ss:$0x48] =	vst.msk $0xffff, v6  }
0x3c: {  	v3 =	vld [tilespmem:s18+$0x10];
	[tilespmem:s22+$0x1200 ss:$0x48] =	vst.msk $0xffff, v7  }
0x3d: {  	[tilespmem:s22+$0x1680 ss:$0x48] =	vst.msk $0xffff, v8;
	v2 =	vld [tilespmem:s18+$0x30]  }
0x3e: {  	s25 =	simm.s32 $0x80;
	s26 =	simm.s32 $0x8;
	[tilespmem:s22+$0x2400 ss:$0x48] =	vst.msk $0xffff, v1;
	v1 =	vld [tilespmem:s18+$0x20]  }
0x3f: {  	s24 =	smov.u32 s18;
	s27 =	sand.u32 $0x300, s25;
	s23 =	simm.s32 $0x4;
	[tilespmem:s22+$0x1B00 ss:$0x48] =	vst.msk $0xffff, v9;
	v6 =	vld [tilespmem:s18+$0x40]  }
.LBB1_4:
0x40: {  	p1 =	sne.s32 s26, $0x1C;
	s28 =	sand.u32 $0x80, s25;
	s27 =	sadd.s32 s27, s19;
	[tilespmem:s22+$0x1F80 ss:$0x48] =	vst.msk $0xffff, v5;
	v5 =	vld [tilespmem:s24+$0x50]  }
0x41: {  	s27 =	sadd.s32 s28, s27;
	[tilespmem:s22+$0x2880 ss:$0x48] =	vst.msk $0xffff, v4;
	v4 =	vld [tilespmem:s24+$0x60]  }
0x42: {  	s24 =	sadd.s32 $0x80, s24;
	v7 =	vld.idx.msk [tilespmem:v0+s27+$0x400 ss:$0x1], $0xffff;
	[tilespmem:s22+$0x2D00 ss:$0x48] =	vst.msk $0xffff, v3  }
0x43: {  	v3 =	vld [tilespmem:s24+$0xFFFFFBF0];
	[tilespmem:s22+$0x3180 ss:$0x48] =	vst.msk $0xffff, v1  }
0x44: {  	v1 =	vld [tilespmem:s24+$0xFFFFFC00];
	[tilespmem:s22+$0x3600 ss:$0x48] =	vst.msk $0xffff, v2  }
0x45: {  	v2 =	vld [tilespmem:s24+$0xFFFFFC10];
	[tilespmem:s22+$0x3A80 ss:$0x48] =	vst.msk $0xffff, v6  }
0x46: {  	s27 =	sshra.s32 s23, $0x2;
	s23 =	smov.u32 s26;
	v6 =	vld [tilespmem:s24+$0xFFFFFC20];
	[tilespmem:s22+$0x3F00 ss:$0x48] =	vst.msk $0xffff, v5  }
0x47: {  	v8 =	vld [tilespmem:s24+$0xFFFFFC30];
	[tilespmem:s22+$0x4380 ss:$0x48] =	vst.msk $0xffff, v4;
	s22 =	sadd.s32 s27, s17  }
0x48: {  	v9 =	vld [tilespmem:s24+$0xFFFFFC40];
	[tilespmem:s22+$0x2400 ss:$0x48] =	vst.msk $0xffff, v7  }
0x49: {  	[tilespmem:s22+$0x0 ss:$0x48] =	vst.msk $0xffff, v3;
	v7 =	vld [tilespmem:s24+$0xFFFFFC50]  }
0x4a: {  	[tilespmem:s22+$0x480 ss:$0x48] =	vst.msk $0xffff, v1;
	v5 =	vld [tilespmem:s24+$0xFFFFFC60]  }
.Ltmp3:
0x4b: {  	[tilespmem:s22+$0x900 ss:$0x48] =	vst.msk $0xffff, v2;
	v4 =	vld [tilespmem:s24+$0x0];
	(pc) =	sbr.rel @p1 .LBB1_4-.Ltmp3, $4  }
0x4c: {  	[tilespmem:s22+$0xD80 ss:$0x48] =	vst.msk $0xffff, v6;
	v3 =	vld [tilespmem:s24+$0x10]  }
0x4d: {  	[tilespmem:s22+$0x1200 ss:$0x48] =	vst.msk $0xffff, v8;
	v1 =	vld [tilespmem:s24+$0x20]  }
0x4e: {  	s25 =	sadd.s32 $0x80, s25;
	[tilespmem:s22+$0x1680 ss:$0x48] =	vst.msk $0xffff, v9;
	v2 =	vld [tilespmem:s24+$0x30]  }
0x4f: {  	s26 =	sadd.s32 $0x4, s26;
	s27 =	sand.u32 $0x300, s25;
	[tilespmem:s22+$0x1B00 ss:$0x48] =	vst.msk $0xffff, v7;
	v6 =	vld [tilespmem:s24+$0x40]  }
0x50: {  	[tilespmem:s22+$0x1F80 ss:$0x48] =	vst.msk $0xffff, v5  }
0x51: {  	v47 =	vld [tilespmem:s24+$0x50];
	[tilespmem:s22+$0x2880 ss:$0x48] =	vst.msk $0xffff, v4  }
0x52: {  	v48 =	vld [tilespmem:s24+$0x60];
	s31 =	sadd.s32 $0x80, s24;
	[tilespmem:s22+$0x2D00 ss:$0x48] =	vst.msk $0xffff, v3  }
0x53: {  	v49 =	vld [tilespmem:s31+$0xFFFFFBF0];
	[tilespmem:s22+$0x3180 ss:$0x48] =	vst.msk $0xffff, v1  }
0x54: {  	v50 =	vld [tilespmem:s31+$0xFFFFFC00];
	[tilespmem:s22+$0x3600 ss:$0x48] =	vst.msk $0xffff, v2  }
0x55: {  	v51 =	vld [tilespmem:s31+$0xFFFFFC10];
	[tilespmem:s22+$0x3A80 ss:$0x48] =	vst.msk $0xffff, v6  }
0x56: {  	s23 =	sshra.s32 s23, $0x2;
	v52 =	vld [tilespmem:s31+$0xFFFFFC20];
	[tilespmem:s22+$0x3F00 ss:$0x48] =	vst.msk $0xffff, v47  }
0x57: {  	s23 =	sadd.s32 s23, s17;
	v53 =	vld [tilespmem:s31+$0xFFFFFC30];
	[tilespmem:s22+$0x4380 ss:$0x48] =	vst.msk $0xffff, v48  }
0x58: {  	v54 =	vld [tilespmem:s31+$0xFFFFFC40];
	[tilespmem:s23+$0x0 ss:$0x48] =	vst.msk $0xffff, v49  }
0x59: {  	v55 =	vld [tilespmem:s31+$0xFFFFFC50];
	[tilespmem:s23+$0x480 ss:$0x48] =	vst.msk $0xffff, v50  }
0x5a: {  	v56 =	vld [tilespmem:s31+$0xFFFFFC60];
	[tilespmem:s23+$0x900 ss:$0x48] =	vst.msk $0xffff, v51  }
0x5b: {  	v57 =	vld [tilespmem:s31+$0x0];
	[tilespmem:s23+$0xD80 ss:$0x48] =	vst.msk $0xffff, v52  }
0x5c: {  	v58 =	vld [tilespmem:s31+$0x10];
	[tilespmem:s23+$0x1200 ss:$0x48] =	vst.msk $0xffff, v53  }
0x5d: {  	v59 =	vld [tilespmem:s31+$0x20];
	[tilespmem:s23+$0x1680 ss:$0x48] =	vst.msk $0xffff, v54  }
0x5e: {  	v60 =	vld [tilespmem:s31+$0x30];
	[tilespmem:s23+$0x1B00 ss:$0x48] =	vst.msk $0xffff, v55  }
0x5f: {  	v61 =	vld [tilespmem:s31+$0x40];
	[tilespmem:s23+$0x1F80 ss:$0x48] =	vst.msk $0xffff, v56  }
0x60: {  	s25 =	sand.u32 $0x80, s25;
	s26 =	sadd.s32 s27, s19;
	v62 =	vld [tilespmem:s31+$0x50];
	[tilespmem:s23+$0x2880 ss:$0x48] =	vst.msk $0xffff, v57  }
0x61: {  	s21 =	sadd.s32 $0x1, s21;
	s25 =	sadd.s32 s25, s26;
	v63 =	vld [tilespmem:s31+$0x60];
	[tilespmem:s23+$0x2D00 ss:$0x48] =	vst.msk $0xffff, v58  }
0x62: {  	p1 =	sne.s32 s21, $0x8;
	v0 =	vld.idx.msk [tilespmem:v0+s25+$0x400 ss:$0x1], $0xffff;
	[tilespmem:s23+$0x3180 ss:$0x48] =	vst.msk $0xffff, v59  }
.Ltmp4:
0x63: {  	[tilespmem:s23+$0x3600 ss:$0x48] =	vst.msk $0xffff, v60;
	(pc) =	sbr.rel @p1 .LBB1_3-.Ltmp4, $4  }
0x64: {  	[tilespmem:s23+$0x3A80 ss:$0x48] =	vst.msk $0xffff, v61  }
0x65: {  	[tilespmem:s23+$0x3F00 ss:$0x48] =	vst.msk $0xffff, v62  }
0x66: {  	[tilespmem:s23+$0x4380 ss:$0x48] =	vst.msk $0xffff, v63  }
0x67: {  	s18 =	sadd.s32 $0x800, s18;
	s17 =	sadd.s32 $0x9, s17;
	[tilespmem:s23+$0x2400 ss:$0x48] =	vst.msk $0xffff, v0  }
0x68: {  	s15 =	sshll.u32 s15, $0x4  }
.Ltmp5:
0x69: {  	s13 =	sshll.u32 s13, $0x7;
	s15 =	sand.u32 $0x70, s15;
	(pc) =	sbr.rel .LBB1_7-.Ltmp5, $4  }
0x6a: {  	s17 =	sshrl.u32 s14, $0x3;
	s31 =	sand.u32 $0x7, s14;
	s15 =	sadd.s32 s5, s15  }
0x6b: {  	s17 =	sand.u32 $0xF, s17;
	s14 =	sshll.u32 s31, $0x12;
	s13 =	sadd.s32 s13, s15  }
0x6c: {  	s14 =	sor.u32 $0x8, s14;
	s13 =	sadd.s32 s17, s13  }
0x6d: {  	[hbm4b:s13+s14] =	stream.strided.scatter [tilespmem:s16], [sflag:$0x2], $0x4000, s8, s14, $0x0;
	[tilespmem:$0x11000] =	vst v63  }
.LBB1_8:
0x6e: {  	_ =	sfence.sel $0x180000  }
0x6f: {  	s2 =	simm.s32 $0x1;
	[bflag:$0x0] =	sbarrier.arrive $0xFFFF  }
0x70: {  	s31 =	simm.s32 $0x2;
	[sflag:s2] =	ssyncpa.u1 $0x1  }
0x71: {  	[sflag:s31] =	ssyncpa.u1 $0x1  }
0x72: {  	p0 =	sne.s32 s0, $0x0;
	_ =	strace $0x90000053  }
0x73: {  	s0 =	sadd.s32 @!p0 $0x100000, s1;
	[bflag:$0x2] =	sbarrier.arrive $0xFFFF  }
0x74: {  	[sflag:s0] =	ssyncadd.tile.s32 @!p0 $0x1;
	_ =	shalt  }
.Lfunc_end1:
_tile_overlayer_lowered:
.L_overlay_start_2:
0x75: {  	(tag) =	ssettag $0x2  }
0x76: {  	s0 =	rddreg [dreg:$0x0];
	s2 =	stileid.u32  }
0x77: {  	s1 =	rddreg [dreg:$0x1];
	p0 =	sne.s32 s2, $0x0  }
0x78: {  	s3 =	rddreg [dreg:$0x2];
	[bflag:$0x3] =	sbarrier.arrive $0xFFFF;
	s2 =	simm.s32 @!p0 $0x1C01  }
0x79: {  	[timem:s3], [sflag:s2] =	dma.local @!p0 [hbm:s0], s1  }
0x7a: {  	s0 =	simm.s32 @!p0 $0x1  }
0x7b: {  	_ =	swait.ge @!p0 [sflag:s0], s1  }
0x7c: {  	s1 =	ssub.s32 @!p0 $0x0, s1;
	[sflag:s0] =	ssyncset.done @!p0 $0x0  }
0x7d: {  	[sflag:s0] =	ssyncadd.s32 @!p0 s1  }
0x7e: {  	[bflag:$0x3] =	sbarrier.arrive $0xFFFF  }
0x7f: {  	_ =	shalt  }

// kernel: sparse-core-data-format-call.3.cloned.1.call-start
scs
called_computation.5_lowered:
.L_overlay_start_0:
0x0: {  	s1 =	sld [smem:$0x3FD9]  }
0x1: {  	s2 =	sld [smem:$0x3FFE];
	_ =	sdelay $0x1  }
0x2: {  	s3 =	srdreg.scid  }
0x3: {  	s0 =	sand.u32 $0x1, s3  }
0x4: {  	s17 =	sshll.u32 s0, $0xA;
	s1 =	sadd.s32 s2, s1  }
0x5: {  	s1 =	sadd.s32 s1, s17  }
0x6: {  	[smem:$0x3FB0] =	sst s1  }
0x7: {  	_ = 	snop  }
0x8: {  	(tm) =	ssettm $0x1  }
0x9: {  	s18 =	sld [smem:$0x3FFB];
	_ =	sdelay $0x3  }
0xa: {  	_ =	strace s18  }
0xb: {  	s1 =	sld [smem:$0x3FFC];
	_ =	sdelay $0x3  }
0xc: {  	_ =	strace s1  }
0xd: {  	s1 =	sld [smem:$0x3FFD];
	_ =	sdelay $0x3  }
0xe: {  	_ =	strace s1  }
0xf: {  	_ =	strace $0x8FFFFFFF  }
0x10: {  	s19 =	sld [smem:$0x3FDB];
	_ =	sdelay $0x1  }
0x11: {  	s20 =	simm.s32 $_scs_section_size  }
0x12: {  	s4 =	simm.s32 $_size__tile_overlayer_lowered;
	s5 =	simm.s32 $_tile_overlayer_lowered  }
0x13: {  	s23 =	simm.s32 $0x1BFF;
	s22 =	sshll.u32 s5, $0x1;
	s1 =	sadd.s32 s20, s19  }
0x14: {  	s6 =	simm.s32 $0x0;
	s21 =	sshll.u32 s4, $0x1;
	s4 =	sadd.s32 s22, s1  }
0x15: {  	[timem:s6], [sflag:s23] =	dma.local [hbm:s4], s21  }
0x16: {  	_ =	swait.ge [sflag:s23], s21  }
0x17: {  	s2 =	ssub.s32 $0x0, s21;
	[sflag:s23] =	ssyncset.done $0x0  }
0x18: {  	[sflag:s23] =	ssyncadd.s32 s2;
	_ =	sdelay $0x1  }
0x19: {  	s24 =	simm.s32 $0x1B8B  }
0x1a: {  	_ =	swait.ge [sflag:s24], $0x1  }
0x1b: {  	[sflag:s24] =	ssyncset.done $0x0  }
0x1c: {  	s26 =	simm.s32 $0x1B8E;
	s25 =	sld [smem:$0x3FFE];
	[sflag:s24] =	ssyncadd.s32 $0xFFFFFFFF  }
0x1d: {  	s27 =	simm.s32 $execute0_lowered;
	[smem:$0x3FD2] =	sst s26  }
0x1e: {  	s4 =	sshll.u32 s27, $0x1;
	_ =	strace $0x8000004C;
	[dreg:$0x1] =	wrdreg $0xFFFFFFFF  }
0x1f: {  	s28 =	simm.s32 $_size_execute0_lowered;
	s1 =	sadd.s32 s1, s4;
	[dreg:$0x0] =	wrdreg $0x0  }
0x20: {  	s4 =	sshll.u32 s28, $0x1;
	[dreg:$0x2] =	wrdreg s1  }
0x21: {  	[dreg:$0x3] =	wrdreg s4  }
0x22: {  	[dreg:$0x4] =	wrdreg $0xC0  }
0x23: {  	_ =	task [dreg:s6], $0x5FFFF  }
0x24: {  	[dreg:$0x1] =	wrdreg $0xFFFFFFFF  }
0x25: {  	[dreg:$0x0] =	wrdreg $0x60  }
0x26: {  	[dreg:$0x2] =	wrdreg s25  }
0x27: {  	[dreg:$0x3] =	wrdreg $0xA  }
0x28: {  	_ =	task.clear_ibuf [dreg:s6], $0x4FFFF;
	_ =	strace $0x9000004C  }
0x29: {  	s29 =	simm.s32 $0xA;
	_ =	strace $0x8000004E  }
0x2a: {  	_ =	swait.ge [sflag:s29], $0x1  }
0x2b: {  	[sflag:s29] =	ssyncadd.s32 $0xFFFFFFFF  }
0x2c: {  	_ =	strace $0x9000004E  }
0x2d: {  	_ =	sfence  }
0x2e: {  	s30 =	sld [smem:$0x0];
	_ =	sdelay $0x2  }
0x2f: {  	s31 =	sshll.u32 s3, $0xD;
	s3 =	sshrl.u32 s3, $0x2  }
0x30: {  	s2 =	sand.u32 $0x4000, s31;
	s1 =	sadd.s32 s3, s30  }
0x31: {  	s0 =	sor.u32 s2, s0;
	s1 =	sshll.u32 s1, $0x11  }
0x32: {  	s0 =	sor.u32 s1, s0  }
0x33: {  	s0 =	sadd.s32 $0x8F2B, s0  }
0x34: {  	[sflag:s0] =	ssyncadd.remote.s32 $0x1  }
0x35: {  	_ =	sfence.sel $0xFFFF  }
0x36: {  	[dreg:$0x0] =	wrdreg $0xFFFFFFFF;
	(pc) =	sbr.abs _section_cstart, $3  }
0x37: {  	[dreg:$0x1] =	wrdreg $0xFFFFFFFF  }
0x38: {  	_ =	task.clear_ibuf [dreg:s6], $0x2FFFF;
	_ =	strace $0x9FFFFFFF  }
0x39: {  	(tm) =	ssettm $0x7FFFFFFF  }
tec
execute0_lowered:
.L_overlay_start_1:
0x0: {  	(tag) =	ssettag $0x1  }
0x1: {  	s0 =	srdreg.scid;
	s5 =	rddreg [dreg:$0x0];
	s4 =	simm.s32 $0x1  }
0x2: {  	s8 =	simm.s32 $0x2;
	s13 =	simm.s32 $0x0;
	s1 =	sshll.u32 s0, $0x4  }
0x3: {  	s14 =	simm.s32 $0x0;
	s0 =	stileid.u32;
	s1 =	sand.u32 $0x10, s1  }
0x4: {  	s15 =	simm.s32 $0x0;
	s10 =	simm.s32 $0x0;
	s2 =	sor.u32 s0, s1  }
0x5: {  	s11 =	simm.s32 $0x0;
	s12 =	simm.s32 $0x0;
	s2 =	sshll.u32 s2, $0x8  }
0x6: {  	s3 =	sadd.s32 $0x3DE00, s5;
	s5 =	sadd.s32 $0x658600, s5;
	s6 =	ssub.s32 $0xC3500, s2  }
.Ltmp0:
0x7: {  	s1 =	rddreg [dreg:$0x1];
	s7 =	sand.u32 $0x1F00, s6;
	(pc) =	sbr.rel .LBB1_1-.Ltmp0, $4  }
0x8: {  	_ =	strace $0x8000004D;
	p0 =	sne.s32 s7, $0x0;
	s7 =	simm.s32 $0x1  }
0x9: {  	[sflag:s4] =	ssyncpa.u1 $0x0;
	s6 =	sshrl.u32 s6, $0xD;
	s7 =	simm.s32 @!p0 $0x0  }
0xa: {  	[sflag:s8] =	ssyncpa.u1 $0x0;
	s8 =	simm.s32 $0x80;
	s6 =	sadd.s32 s7, s6  }
0xb: {  	s9 =	smov.u32 s2;
	p0 =	por $0x0, $0x0;
	s7 =	sadd.s32 $0x1, s6  }
.LBB1_7:
0xc: {  	s16 =	sadd.s32 $0x2000, s9  }
0xd: {  	s13 =	sadd.s32 $0x8, s10;
	s17 =	smov.u32 s10;
	p2 =	sgt.s32 s16, $0xC34FF  }
0xe: {  	s17 =	smov.u32 @p2 s13  }
0xf: {  	s19 =	smov.u32 s11;
	s13 =	sadd.s32 $0x8, s11;
	p3 =	sgt.s32 s17, $0x7  }
0x10: {  	s19 =	smov.u32 @p3 s13  }
0x11: {  	s16 =	smov.u32 @p2 s2;
	p2 =	sgt.s32 s19, $0x7  }
0x12: {  	p1 =	slt.u32 s12, $0x2;
	s19 =	simm.s32 @p2 $0x0;
	p2 =	sne.s32 s12, s7  }
.Ltmp1:
0x13: {  	s18 =	simm.s32 @!p1 $0x2;
	(pc) =	sbr.rel @!p2 .LBB1_8-.Ltmp1, $4  }
0x14: {  	s14 =	smov.u32 s10;
	s15 =	smov.u32 s11;
	_ =	swait.ge @!p1 [sflag:s18], $0x4000  }
0x15: {  	p0 =	por !p0, !p0;
	[sflag:s18] =	ssyncset.done @!p1 $0x0;
	s17 =	simm.s32 @p3 $0x0  }
0x16: {  	s13 =	smov.u32 s9;
	[sflag:s18] =	ssyncadd.s32 @!p1 $0xFFFFC000;
	s9 =	smov.u32 s16  }
0x17: {  	s10 =	smov.u32 s17;
	s12 =	sadd.s32 $0x1, s12;
	s11 =	smov.u32 s19  }
.LBB1_1:
0x18: {  	p1 =	sge.u32 s12, s6  }
0x19: {  	s16 =	sshrl.u32 @!p1 s10, $0x3  }
0x1a: {  	s17 =	sshll.u32 @!p1 s9, $0x3;
	s16 =	smul.u32 @!p1 $0x61A800, s16  }
0x1b: {  	s18 =	sshll.u32 @!p1 s10, $0x7;
	s17 =	sand.u32 @!p1 $0xFFFFFC00, s17  }
0x1c: {  	s16 =	sadd.s32 @!p1 s16, s17;
	s17 =	sand.u32 @!p1 $0x380, s18  }
0x1d: {  	s16 =	sor.u32 @!p1 s17, s16  }
0x1e: {  	s17 =	sshrl.u32 @!p1 s16, $0x8  }
0x1f: {  	s17 =	smulhi.u32 @!p1 $0x14F8B59, s17;
	_ =	sdelay $0x1  }
0x20: {  	s31 =	sadd.s32 $0xFFFFFFFF, s12;
	s17 =	sshrl.u32 @!p1 s17, $0x4  }
0x21: {  	s19 =	sand.u32 @!p1 $0x7F, s9;
	s18 =	sxor.u32 @!p1 $0xFFFFFFFF, s12;
	s20 =	smul.u32 @!p1 $0xC3500, s17  }
0x22: {  	s16 =	sor.u32 @!p1 s19, s16;
	s19 =	smul.u32 @!p1 $0xC3500, s11;
	s17 =	sand.u32 @!p1 $0x7, s17  }
0x23: {  	s18 =	sshll.u32 @!p1 s18, $0xE;
	s17 =	smul.u32 @!p1 $0x186A0, s17;
	s16 =	ssub.s32 @!p1 s16, s20  }
0x24: {  	s18 =	sand.u32 @!p1 $0x4000, s18;
	s19 =	sadd.s32 @!p1 s3, s19;
	s20 =	sand.u32 @!p1 $0x7, s16  }
0x25: {  	s16 =	sshrl.u32 @!p1 s16, $0x3;
	s17 =	sadd.s32 @!p1 s17, s19;
	s19 =	sshll.u32 @!p1 s20, $0x12  }
0x26: {  	s16 =	sadd.s32 @!p1 s16, s17;
	s17 =	sor.u32 @!p1 $0x800, s19;
	s19 =	simm.s32 @!p1 $0x61A800  }
0x27: {  	[tilespmem:s18], [sflag:$0x1] =	stream.strided.gather @!p1 [hbm4b:s16+s17], $0x4000, s19, s17, $0x38;
	[tilespmem:$0x11000] =	vst v63  }
0x28: {  	p1 =	sge.u32 s31, s6  }
.Ltmp2:
0x29: {  	_ = 	snop;
	(pc) =	sbr.rel @p1 .LBB1_7-.Ltmp2, $1  }
0x2a: {  	_ =	sdelay $0x3  }
0x2b: {  	s16 =	simm.s32 $0x1;
	s19 =	sand.u32 $0x1, s12  }
0x2c: {  	_ =	swait.ge [sflag:s4], $0x4000;
	s16 =	simm.s32 @!p0 $0x0;
	s20 =	smul.u32 $0x12000, s19  }
0x2d: {  	s21 =	simm.s32 $0x0;
	[sflag:s4] =	ssyncset.done $0x0;
	s17 =	smul.u32 $0x12000, s16  }
0x2e: {  	s19 =	sshll.u32 s19, $0xE;
	s16 =	sshll.u32 s16, $0xE;
	[sflag:s4] =	ssyncadd.s32 $0xFFFFC000  }
0x2f: {  	s18 =	sor.u32 $0x410, s16;
	s31 =	sshrl.u32 s20, $0x2;
	s17 =	sshrl.u32 s17, $0x2  }
0x30: {  	s20 =	simm.s32 $0x0;
	s16 =	sor.u32 $0x8000, s31;
	s17 =	sor.u32 $0x8000, s17  }
.LBB1_3:
0x31: {  	s22 =	sshll.u32 s21, $0xB  }
0x32: {  	v2 =	vld [tilespmem:s18+$0xFFFFFBF0];
	v0 =	vmov s22  }
0x33: {  	v3 =	vld [tilespmem:s18+$0xFFFFFC00]  }
0x34: {  	s31 =	sand.u32 $0x300, s20;
	v4 =	vld [tilespmem:s18+$0xFFFFFC10]  }
0x35: {  	s23 =	sand.u32 $0x80, s20;
	v6 =	vld [tilespmem:s18+$0xFFFFFC20];
	s22 =	sadd.s32 s31, s19  }
0x36: {  	v7 =	vld [tilespmem:s18+$0xFFFFFC30];
	s22 =	sadd.s32 s23, s22  }
0x37: {  	v1 =	vld.idx.msk [tilespmem:v0+s22+$0x400 ss:$0x1], $0xffff;
	s22 =	sadd.s32 $0x0, s17  }
0x38: {  	v8 =	vld [tilespmem:s18+$0xFFFFFC40];
	[tilespmem:s22+$0x0 ss:$0x48] =	vst.msk $0xffff, v2  }
0x39: {  	v9 =	vld [tilespmem:s18+$0xFFFFFC50];
	[tilespmem:s22+$0x480 ss:$0x48] =	vst.msk $0xffff, v3  }
0x3a: {  	v5 =	vld [tilespmem:s18+$0xFFFFFC60];
	[tilespmem:s22+$0x900 ss:$0x48] =	vst.msk $0xffff, v4  }
0x3b: {  	v4 =	vld [tilespmem:s18+$0x0];
	[tilespmem:s22+$0xD80 ss:$0x48] =	vst.msk $0xffff, v6  }
0x3c: {  	v3 =	vld [tilespmem:s18+$0x10];
	[tilespmem:s22+$0x1200 ss:$0x48] =	vst.msk $0xffff, v7  }
0x3d: {  	[tilespmem:s22+$0x1680 ss:$0x48] =	vst.msk $0xffff, v8;
	v2 =	vld [tilespmem:s18+$0x30]  }
0x3e: {  	s25 =	simm.s32 $0x80;
	s26 =	simm.s32 $0x8;
	[tilespmem:s22+$0x2400 ss:$0x48] =	vst.msk $0xffff, v1;
	v1 =	vld [tilespmem:s18+$0x20]  }
0x3f: {  	s24 =	smov.u32 s18;
	s27 =	sand.u32 $0x300, s25;
	s23 =	simm.s32 $0x4;
	[tilespmem:s22+$0x1B00 ss:$0x48] =	vst.msk $0xffff, v9;
	v6 =	vld [tilespmem:s18+$0x40]  }
.LBB1_4:
0x40: {  	p1 =	sne.s32 s26, $0x1C;
	s28 =	sand.u32 $0x80, s25;
	s27 =	sadd.s32 s27, s19;
	[tilespmem:s22+$0x1F80 ss:$0x48] =	vst.msk $0xffff, v5;
	v5 =	vld [tilespmem:s24+$0x50]  }
0x41: {  	s27 =	sadd.s32 s28, s27;
	[tilespmem:s22+$0x2880 ss:$0x48] =	vst.msk $0xffff, v4;
	v4 =	vld [tilespmem:s24+$0x60]  }
0x42: {  	s24 =	sadd.s32 $0x80, s24;
	v7 =	vld.idx.msk [tilespmem:v0+s27+$0x400 ss:$0x1], $0xffff;
	[tilespmem:s22+$0x2D00 ss:$0x48] =	vst.msk $0xffff, v3  }
0x43: {  	v3 =	vld [tilespmem:s24+$0xFFFFFBF0];
	[tilespmem:s22+$0x3180 ss:$0x48] =	vst.msk $0xffff, v1  }
0x44: {  	v1 =	vld [tilespmem:s24+$0xFFFFFC00];
	[tilespmem:s22+$0x3600 ss:$0x48] =	vst.msk $0xffff, v2  }
0x45: {  	v2 =	vld [tilespmem:s24+$0xFFFFFC10];
	[tilespmem:s22+$0x3A80 ss:$0x48] =	vst.msk $0xffff, v6  }
0x46: {  	s27 =	sshra.s32 s23, $0x2;
	s23 =	smov.u32 s26;
	v6 =	vld [tilespmem:s24+$0xFFFFFC20];
	[tilespmem:s22+$0x3F00 ss:$0x48] =	vst.msk $0xffff, v5  }
0x47: {  	v8 =	vld [tilespmem:s24+$0xFFFFFC30];
	[tilespmem:s22+$0x4380 ss:$0x48] =	vst.msk $0xffff, v4;
	s22 =	sadd.s32 s27, s17  }
0x48: {  	v9 =	vld [tilespmem:s24+$0xFFFFFC40];
	[tilespmem:s22+$0x2400 ss:$0x48] =	vst.msk $0xffff, v7  }
0x49: {  	[tilespmem:s22+$0x0 ss:$0x48] =	vst.msk $0xffff, v3;
	v7 =	vld [tilespmem:s24+$0xFFFFFC50]  }
0x4a: {  	[tilespmem:s22+$0x480 ss:$0x48] =	vst.msk $0xffff, v1;
	v5 =	vld [tilespmem:s24+$0xFFFFFC60]  }
.Ltmp3:
0x4b: {  	[tilespmem:s22+$0x900 ss:$0x48] =	vst.msk $0xffff, v2;
	v4 =	vld [tilespmem:s24+$0x0];
	(pc) =	sbr.rel @p1 .LBB1_4-.Ltmp3, $4  }
0x4c: {  	[tilespmem:s22+$0xD80 ss:$0x48] =	vst.msk $0xffff, v6;
	v3 =	vld [tilespmem:s24+$0x10]  }
0x4d: {  	[tilespmem:s22+$0x1200 ss:$0x48] =	vst.msk $0xffff, v8;
	v1 =	vld [tilespmem:s24+$0x20]  }
0x4e: {  	s25 =	sadd.s32 $0x80, s25;
	[tilespmem:s22+$0x1680 ss:$0x48] =	vst.msk $0xffff, v9;
	v2 =	vld [tilespmem:s24+$0x30]  }
0x4f: {  	s26 =	sadd.s32 $0x4, s26;
	s27 =	sand.u32 $0x300, s25;
	[tilespmem:s22+$0x1B00 ss:$0x48] =	vst.msk $0xffff, v7;
	v6 =	vld [tilespmem:s24+$0x40]  }
0x50: {  	[tilespmem:s22+$0x1F80 ss:$0x48] =	vst.msk $0xffff, v5  }
0x51: {  	v47 =	vld [tilespmem:s24+$0x50];
	[tilespmem:s22+$0x2880 ss:$0x48] =	vst.msk $0xffff, v4  }
0x52: {  	v48 =	vld [tilespmem:s24+$0x60];
	s31 =	sadd.s32 $0x80, s24;
	[tilespmem:s22+$0x2D00 ss:$0x48] =	vst.msk $0xffff, v3  }
0x53: {  	v49 =	vld [tilespmem:s31+$0xFFFFFBF0];
	[tilespmem:s22+$0x3180 ss:$0x48] =	vst.msk $0xffff, v1  }
0x54: {  	v50 =	vld [tilespmem:s31+$0xFFFFFC00];
	[tilespmem:s22+$0x3600 ss:$0x48] =	vst.msk $0xffff, v2  }
0x55: {  	v51 =	vld [tilespmem:s31+$0xFFFFFC10];
	[tilespmem:s22+$0x3A80 ss:$0x48] =	vst.msk $0xffff, v6  }
0x56: {  	s23 =	sshra.s32 s23, $0x2;
	v52 =	vld [tilespmem:s31+$0xFFFFFC20];
	[tilespmem:s22+$0x3F00 ss:$0x48] =	vst.msk $0xffff, v47  }
0x57: {  	s23 =	sadd.s32 s23, s17;
	v53 =	vld [tilespmem:s31+$0xFFFFFC30];
	[tilespmem:s22+$0x4380 ss:$0x48] =	vst.msk $0xffff, v48  }
0x58: {  	v54 =	vld [tilespmem:s31+$0xFFFFFC40];
	[tilespmem:s23+$0x0 ss:$0x48] =	vst.msk $0xffff, v49  }
0x59: {  	v55 =	vld [tilespmem:s31+$0xFFFFFC50];
	[tilespmem:s23+$0x480 ss:$0x48] =	vst.msk $0xffff, v50  }
0x5a: {  	v56 =	vld [tilespmem:s31+$0xFFFFFC60];
	[tilespmem:s23+$0x900 ss:$0x48] =	vst.msk $0xffff, v51  }
0x5b: {  	v57 =	vld [tilespmem:s31+$0x0];
	[tilespmem:s23+$0xD80 ss:$0x48] =	vst.msk $0xffff, v52  }
0x5c: {  	v58 =	vld [tilespmem:s31+$0x10];
	[tilespmem:s23+$0x1200 ss:$0x48] =	vst.msk $0xffff, v53  }
0x5d: {  	v59 =	vld [tilespmem:s31+$0x20];
	[tilespmem:s23+$0x1680 ss:$0x48] =	vst.msk $0xffff, v54  }
0x5e: {  	v60 =	vld [tilespmem:s31+$0x30];
	[tilespmem:s23+$0x1B00 ss:$0x48] =	vst.msk $0xffff, v55  }
0x5f: {  	v61 =	vld [tilespmem:s31+$0x40];
	[tilespmem:s23+$0x1F80 ss:$0x48] =	vst.msk $0xffff, v56  }
0x60: {  	s25 =	sand.u32 $0x80, s25;
	s26 =	sadd.s32 s27, s19;
	v62 =	vld [tilespmem:s31+$0x50];
	[tilespmem:s23+$0x2880 ss:$0x48] =	vst.msk $0xffff, v57  }
0x61: {  	s21 =	sadd.s32 $0x1, s21;
	s25 =	sadd.s32 s25, s26;
	v63 =	vld [tilespmem:s31+$0x60];
	[tilespmem:s23+$0x2D00 ss:$0x48] =	vst.msk $0xffff, v58  }
0x62: {  	p1 =	sne.s32 s21, $0x8;
	v0 =	vld.idx.msk [tilespmem:v0+s25+$0x400 ss:$0x1], $0xffff;
	[tilespmem:s23+$0x3180 ss:$0x48] =	vst.msk $0xffff, v59  }
.Ltmp4:
0x63: {  	[tilespmem:s23+$0x3600 ss:$0x48] =	vst.msk $0xffff, v60;
	(pc) =	sbr.rel @p1 .LBB1_3-.Ltmp4, $4  }
0x64: {  	[tilespmem:s23+$0x3A80 ss:$0x48] =	vst.msk $0xffff, v61  }
0x65: {  	[tilespmem:s23+$0x3F00 ss:$0x48] =	vst.msk $0xffff, v62  }
0x66: {  	[tilespmem:s23+$0x4380 ss:$0x48] =	vst.msk $0xffff, v63  }
0x67: {  	s18 =	sadd.s32 $0x800, s18;
	s17 =	sadd.s32 $0x9, s17;
	[tilespmem:s23+$0x2400 ss:$0x48] =	vst.msk $0xffff, v0  }
0x68: {  	s15 =	sshll.u32 s15, $0x4  }
.Ltmp5:
0x69: {  	s13 =	sshll.u32 s13, $0x7;
	s15 =	sand.u32 $0x70, s15;
	(pc) =	sbr.rel .LBB1_7-.Ltmp5, $4  }
0x6a: {  	s17 =	sshrl.u32 s14, $0x3;
	s31 =	sand.u32 $0x7, s14;
	s15 =	sadd.s32 s5, s15  }
0x6b: {  	s17 =	sand.u32 $0xF, s17;
	s14 =	sshll.u32 s31, $0x12;
	s13 =	sadd.s32 s13, s15  }
0x6c: {  	s14 =	sor.u32 $0x8, s14;
	s13 =	sadd.s32 s17, s13  }
0x6d: {  	[hbm4b:s13+s14] =	stream.strided.scatter [tilespmem:s16], [sflag:$0x2], $0x4000, s8, s14, $0x0;
	[tilespmem:$0x11000] =	vst v63  }
.LBB1_8:
0x6e: {  	_ =	sfence.sel $0x180000  }
0x6f: {  	s2 =	simm.s32 $0x1;
	[bflag:$0x0] =	sbarrier.arrive $0xFFFF  }
0x70: {  	s31 =	simm.s32 $0x2;
	[sflag:s2] =	ssyncpa.u1 $0x1  }
0x71: {  	[sflag:s31] =	ssyncpa.u1 $0x1  }
0x72: {  	p0 =	sne.s32 s0, $0x0;
	_ =	strace $0x9000004D  }
0x73: {  	s0 =	sadd.s32 @!p0 $0x100000, s1;
	[bflag:$0x2] =	sbarrier.arrive $0xFFFF  }
0x74: {  	[sflag:s0] =	ssyncadd.tile.s32 @!p0 $0x1;
	_ =	shalt  }
.Lfunc_end1:
_tile_overlayer_lowered:
.L_overlay_start_2:
0x75: {  	(tag) =	ssettag $0x2  }
0x76: {  	s0 =	rddreg [dreg:$0x0];
	s2 =	stileid.u32  }
0x77: {  	s1 =	rddreg [dreg:$0x1];
	p0 =	sne.s32 s2, $0x0  }
0x78: {  	s3 =	rddreg [dreg:$0x2];
	[bflag:$0x3] =	sbarrier.arrive $0xFFFF;
	s2 =	simm.s32 @!p0 $0x1C01  }
0x79: {  	[timem:s3], [sflag:s2] =	dma.local @!p0 [hbm:s0], s1  }
0x7a: {  	s0 =	simm.s32 @!p0 $0x1  }
0x7b: {  	_ =	swait.ge @!p0 [sflag:s0], s1  }
0x7c: {  	s1 =	ssub.s32 @!p0 $0x0, s1;
	[sflag:s0] =	ssyncset.done @!p0 $0x0  }
0x7d: {  	[sflag:s0] =	ssyncadd.s32 @!p0 s1  }
0x7e: {  	[bflag:$0x3] =	sbarrier.arrive $0xFFFF  }
0x7f: {  	_ =	shalt  }

// kernel: sparse-core-data-format-call.cloned.1.call-start
scs
called_computation.2_lowered:
.L_overlay_start_0:
0x0: {  	s2 =	sld [smem:$0x3FD9]  }
0x1: {  	s3 =	sld [smem:$0x3FFE];
	_ =	sdelay $0x1  }
0x2: {  	s1 =	srdreg.scid  }
0x3: {  	s0 =	sand.u32 $0x1, s1  }
0x4: {  	s18 =	sshll.u32 s0, $0xA;
	s2 =	sadd.s32 s3, s2  }
0x5: {  	s2 =	sadd.s32 s2, s18  }
0x6: {  	[smem:$0x3FB0] =	sst s2  }
0x7: {  	_ = 	snop  }
0x8: {  	(tm) =	ssettm $0x1  }
0x9: {  	s19 =	sld [smem:$0x3FFB];
	_ =	sdelay $0x3  }
0xa: {  	_ =	strace s19  }
0xb: {  	s2 =	sld [smem:$0x3FFC];
	_ =	sdelay $0x3  }
0xc: {  	_ =	strace s2  }
0xd: {  	s2 =	sld [smem:$0x3FFD];
	_ =	sdelay $0x3  }
0xe: {  	_ =	strace s2  }
0xf: {  	_ =	strace $0x8FFFFFFF  }
0x10: {  	s20 =	sld [smem:$0x3FDB];
	_ =	sdelay $0x1  }
0x11: {  	s21 =	simm.s32 $_scs_section_size  }
0x12: {  	s4 =	simm.s32 $_size__tile_overlayer_lowered;
	s5 =	simm.s32 $_tile_overlayer_lowered  }
0x13: {  	s6 =	simm.s32 $0x1BFF;
	s22 =	sshll.u32 s5, $0x1;
	s3 =	sadd.s32 s21, s20  }
0x14: {  	s23 =	simm.s32 $0x0;
	s4 =	sshll.u32 s4, $0x1;
	s5 =	sadd.s32 s22, s3  }
0x15: {  	[timem:s23], [sflag:s6] =	dma.local [hbm:s5], s4  }
0x16: {  	_ =	swait.ge [sflag:s6], s4  }
0x17: {  	s4 =	ssub.s32 $0x0, s4;
	[sflag:s6] =	ssyncset.done $0x0  }
0x18: {  	[sflag:s6] =	ssyncadd.s32 s4;
	_ =	sdelay $0x1  }
0x19: {  	s24 =	simm.s32 $0x1B8B  }
0x1a: {  	_ =	swait.ge [sflag:s24], $0x1  }
0x1b: {  	[sflag:s24] =	ssyncset.done $0x0  }
0x1c: {  	[sflag:s24] =	ssyncadd.s32 $0xFFFFFFFF  }
0x1d: {  	s4 =	sld [smem:$0x0]  }
0x1e: {  	s5 =	sand.u32 $0xFFFFFFFE, s1  }
0x1f: {  	p0 =	sne.s32 s1, s5  }
0x20: {  	s5 =	sshll.u32 @p0 s5, $0xE  }
0x21: {  	s5 =	sadd.s32 @p0 $0x11B8D, s5;
	s6 =	sshll.u32 @p0 s4, $0x11  }
0x22: {  	s5 =	sor.u32 @p0 s6, s5  }
0x23: {  	[sflag:s5] =	ssyncadd.remote.s32 @p0 $0x1;
	_ =	sdelay $0x1  }
0x24: {  	s5 =	simm.s32 @p0 $0x1B8D  }
0x25: {  	_ =	swait.eq @p0 [sflag:s5], $0x1  }
0x26: {  	[sflag:s5] =	ssyncadd.s32 @p0 $0xFFFFFFFF  }
0x27: {  	s6 =	sshll.u32 @!p0 s1, $0xE  }
0x28: {  	s6 =	sor.u32 @!p0 $0x4000, s6;
	s5 =	simm.s32 @!p0 $0x1B8D  }
0x29: {  	s4 =	sshll.u32 @!p0 s4, $0x11;
	s6 =	sadd.s32 @!p0 $0x11B8D, s6;
	_ =	swait.eq @!p0 [sflag:s5], $0x1  }
0x2a: {  	s4 =	sor.u32 @!p0 s4, s6;
	[sflag:s5] =	ssyncadd.s32 @!p0 $0xFFFFFFFF  }
0x2b: {  	s26 =	simm.s32 $0x1B8E;
	s25 =	sld [smem:$0x3FFE];
	[sflag:s4] =	ssyncadd.remote.s32 @!p0 $0x1  }
0x2c: {  	s27 =	simm.s32 $execute0_lowered;
	[smem:$0x3FD2] =	sst s26  }
0x2d: {  	s5 =	sshll.u32 s27, $0x1;
	_ =	strace $0x80000055;
	[dreg:$0x1] =	wrdreg $0xFFFFFFFF  }
0x2e: {  	s28 =	simm.s32 $_size_execute0_lowered;
	s3 =	sadd.s32 s3, s5;
	[dreg:$0x0] =	wrdreg $0x0  }
0x2f: {  	s5 =	sshll.u32 s28, $0x1;
	[dreg:$0x2] =	wrdreg s3  }
0x30: {  	[dreg:$0x3] =	wrdreg s5  }
0x31: {  	[dreg:$0x4] =	wrdreg $0xC0  }
0x32: {  	_ =	task [dreg:s23], $0x5FFFF  }
0x33: {  	[dreg:$0x1] =	wrdreg $0xFFFFFFFF  }
0x34: {  	[dreg:$0x0] =	wrdreg $0x60  }
0x35: {  	[dreg:$0x2] =	wrdreg s25  }
0x36: {  	[dreg:$0x3] =	wrdreg $0x9  }
0x37: {  	_ =	task.clear_ibuf [dreg:s23], $0x4FFFF;
	_ =	strace $0x90000055  }
0x38: {  	s29 =	simm.s32 $0x9;
	_ =	strace $0x80000057  }
0x39: {  	_ =	swait.ge [sflag:s29], $0x1  }
0x3a: {  	[sflag:s29] =	ssyncadd.s32 $0xFFFFFFFF  }
0x3b: {  	_ =	strace $0x90000057  }
0x3c: {  	_ =	sfence  }
0x3d: {  	s30 =	sld [smem:$0x0];
	_ =	sdelay $0x2  }
0x3e: {  	s31 =	sshll.u32 s1, $0xD;
	s1 =	sshrl.u32 s1, $0x2  }
0x3f: {  	s4 =	sand.u32 $0x4000, s31;
	s1 =	sadd.s32 s1, s30  }
0x40: {  	s0 =	sor.u32 s4, s0;
	s1 =	sshll.u32 s1, $0x11  }
0x41: {  	s0 =	sor.u32 s1, s0  }
0x42: {  	s0 =	sadd.s32 $0x8F2B, s0  }
0x43: {  	[sflag:s0] =	ssyncadd.remote.s32 $0x1  }
0x44: {  	_ =	sfence.sel $0xFFFF  }
0x45: {  	[dreg:$0x0] =	wrdreg $0xFFFFFFFF;
	(pc) =	sbr.abs _section_cstart, $3  }
0x46: {  	[dreg:$0x1] =	wrdreg $0xFFFFFFFF  }
0x47: {  	_ =	task.clear_ibuf [dreg:s23], $0x2FFFF;
	_ =	strace $0x9FFFFFFF  }
0x48: {  	(tm) =	ssettm $0x7FFFFFFF  }
0x49: {  	_ =	shalt  }
tec
execute0_lowered:
.L_overlay_start_1:
0x0: {  	(tag) =	ssettag $0x1  }
0x1: {  	s0 =	srdreg.scid;
	s5 =	rddreg [dreg:$0x0];
	s4 =	simm.s32 $0x1  }
0x2: {  	s8 =	simm.s32 $0x2;
	s13 =	simm.s32 $0x0;
	s1 =	sshll.u32 s0, $0x4  }
0x3: {  	s14 =	simm.s32 $0x0;
	s0 =	stileid.u32;
	s1 =	sand.u32 $0x10, s1  }
0x4: {  	s15 =	simm.s32 $0x0;
	s10 =	simm.s32 $0x0;
	s2 =	sor.u32 s0, s1  }
0x5: {  	s11 =	simm.s32 $0x0;
	s3 =	sadd.s32 $0x74F8C00, s5;
	s2 =	sshll.u32 s2, $0x8  }
0x6: {  	s12 =	simm.s32 $0x0;
	s5 =	sadd.s32 $0x7B13400, s5;
	s6 =	ssub.s32 $0xC3500, s2  }
.Ltmp0:
0x7: {  	s1 =	rddreg [dreg:$0x1];
	s7 =	sand.u32 $0x1F00, s6;
	(pc) =	sbr.rel .LBB1_1-.Ltmp0, $4  }
0x8: {  	_ =	strace $0x80000056;
	p0 =	sne.s32 s7, $0x0;
	s7 =	simm.s32 $0x1  }
0x9: {  	[sflag:s4] =	ssyncpa.u1 $0x0;
	s6 =	sshrl.u32 s6, $0xD;
	s7 =	simm.s32 @!p0 $0x0  }
0xa: {  	[sflag:s8] =	ssyncpa.u1 $0x0;
	s8 =	simm.s32 $0x80;
	s6 =	sadd.s32 s7, s6  }
0xb: {  	s9 =	smov.u32 s2;
	p0 =	por $0x0, $0x0;
	s7 =	sadd.s32 $0x1, s6  }
.LBB1_7:
0xc: {  	s16 =	sadd.s32 $0x2000, s9  }
0xd: {  	s13 =	sadd.s32 $0x8, s10;
	s17 =	smov.u32 s10;
	p2 =	sgt.s32 s16, $0xC34FF  }
0xe: {  	s17 =	smov.u32 @p2 s13  }
0xf: {  	s19 =	smov.u32 s11;
	s13 =	sadd.s32 $0x8, s11;
	p3 =	sgt.s32 s17, $0x7  }
0x10: {  	s19 =	smov.u32 @p3 s13  }
0x11: {  	s16 =	smov.u32 @p2 s2;
	p2 =	sgt.s32 s19, $0x7  }
0x12: {  	p1 =	slt.u32 s12, $0x2;
	s19 =	simm.s32 @p2 $0x0;
	p2 =	sne.s32 s12, s7  }
.Ltmp1:
0x13: {  	s18 =	simm.s32 @!p1 $0x2;
	(pc) =	sbr.rel @!p2 .LBB1_8-.Ltmp1, $4  }
0x14: {  	s14 =	smov.u32 s10;
	s15 =	smov.u32 s11;
	_ =	swait.ge @!p1 [sflag:s18], $0x4000  }
0x15: {  	p0 =	por !p0, !p0;
	[sflag:s18] =	ssyncset.done @!p1 $0x0;
	s17 =	simm.s32 @p3 $0x0  }
0x16: {  	s13 =	smov.u32 s9;
	[sflag:s18] =	ssyncadd.s32 @!p1 $0xFFFFC000;
	s9 =	smov.u32 s16  }
0x17: {  	s10 =	smov.u32 s17;
	s12 =	sadd.s32 $0x1, s12;
	s11 =	smov.u32 s19  }
.LBB1_1:
0x18: {  	p1 =	sge.u32 s12, s6  }
0x19: {  	s16 =	sshrl.u32 @!p1 s10, $0x3  }
0x1a: {  	s17 =	sshll.u32 @!p1 s9, $0x3;
	s16 =	smul.u32 @!p1 $0x61A800, s16  }
0x1b: {  	s18 =	sshll.u32 @!p1 s10, $0x7;
	s17 =	sand.u32 @!p1 $0xFFFFFC00, s17  }
0x1c: {  	s16 =	sadd.s32 @!p1 s16, s17;
	s17 =	sand.u32 @!p1 $0x380, s18  }
0x1d: {  	s16 =	sor.u32 @!p1 s17, s16  }
0x1e: {  	s17 =	sshrl.u32 @!p1 s16, $0x8  }
0x1f: {  	s17 =	smulhi.u32 @!p1 $0x14F8B59, s17;
	_ =	sdelay $0x1  }
0x20: {  	s31 =	sadd.s32 $0xFFFFFFFF, s12;
	s17 =	sshrl.u32 @!p1 s17, $0x4  }
0x21: {  	s19 =	sand.u32 @!p1 $0x7F, s9;
	s18 =	sxor.u32 @!p1 $0xFFFFFFFF, s12;
	s20 =	smul.u32 @!p1 $0xC3500, s17  }
0x22: {  	s16 =	sor.u32 @!p1 s19, s16;
	s19 =	smul.u32 @!p1 $0xC3500, s11;
	s17 =	sand.u32 @!p1 $0x7, s17  }
0x23: {  	s18 =	sshll.u32 @!p1 s18, $0xE;
	s17 =	smul.u32 @!p1 $0x186A0, s17;
	s16 =	ssub.s32 @!p1 s16, s20  }
0x24: {  	s18 =	sand.u32 @!p1 $0x4000, s18;
	s19 =	sadd.s32 @!p1 s3, s19;
	s20 =	sand.u32 @!p1 $0x7, s16  }
0x25: {  	s16 =	sshrl.u32 @!p1 s16, $0x3;
	s17 =	sadd.s32 @!p1 s17, s19;
	s19 =	sshll.u32 @!p1 s20, $0x12  }
0x26: {  	s16 =	sadd.s32 @!p1 s16, s17;
	s17 =	sor.u32 @!p1 $0x800, s19;
	s19 =	simm.s32 @!p1 $0x61A800  }
0x27: {  	[tilespmem:s18], [sflag:$0x1] =	stream.strided.gather @!p1 [hbm4b:s16+s17], $0x4000, s19, s17, $0x38;
	[tilespmem:$0x11000] =	vst v63  }
0x28: {  	p1 =	sge.u32 s31, s6  }
.Ltmp2:
0x29: {  	_ = 	snop;
	(pc) =	sbr.rel @p1 .LBB1_7-.Ltmp2, $1  }
0x2a: {  	_ =	sdelay $0x3  }
0x2b: {  	s16 =	simm.s32 $0x1;
	s19 =	sand.u32 $0x1, s12  }
0x2c: {  	_ =	swait.ge [sflag:s4], $0x4000;
	s16 =	simm.s32 @!p0 $0x0;
	s20 =	smul.u32 $0x12000, s19  }
0x2d: {  	s21 =	simm.s32 $0x0;
	[sflag:s4] =	ssyncset.done $0x0;
	s17 =	smul.u32 $0x12000, s16  }
0x2e: {  	s19 =	sshll.u32 s19, $0xE;
	s16 =	sshll.u32 s16, $0xE;
	[sflag:s4] =	ssyncadd.s32 $0xFFFFC000  }
0x2f: {  	s18 =	sor.u32 $0x410, s16;
	s31 =	sshrl.u32 s20, $0x2;
	s17 =	sshrl.u32 s17, $0x2  }
0x30: {  	s20 =	simm.s32 $0x0;
	s16 =	sor.u32 $0x8000, s31;
	s17 =	sor.u32 $0x8000, s17  }
.LBB1_3:
0x31: {  	s22 =	sshll.u32 s21, $0xB  }
0x32: {  	v2 =	vld [tilespmem:s18+$0xFFFFFBF0];
	v0 =	vmov s22  }
0x33: {  	v3 =	vld [tilespmem:s18+$0xFFFFFC00]  }
0x34: {  	s31 =	sand.u32 $0x300, s20;
	v4 =	vld [tilespmem:s18+$0xFFFFFC10]  }
0x35: {  	s23 =	sand.u32 $0x80, s20;
	v6 =	vld [tilespmem:s18+$0xFFFFFC20];
	s22 =	sadd.s32 s31, s19  }
0x36: {  	v7 =	vld [tilespmem:s18+$0xFFFFFC30];
	s22 =	sadd.s32 s23, s22  }
0x37: {  	v1 =	vld.idx.msk [tilespmem:v0+s22+$0x400 ss:$0x1], $0xffff;
	s22 =	sadd.s32 $0x0, s17  }
0x38: {  	v8 =	vld [tilespmem:s18+$0xFFFFFC40];
	[tilespmem:s22+$0x0 ss:$0x48] =	vst.msk $0xffff, v2  }
0x39: {  	v9 =	vld [tilespmem:s18+$0xFFFFFC50];
	[tilespmem:s22+$0x480 ss:$0x48] =	vst.msk $0xffff, v3  }
0x3a: {  	v5 =	vld [tilespmem:s18+$0xFFFFFC60];
	[tilespmem:s22+$0x900 ss:$0x48] =	vst.msk $0xffff, v4  }
0x3b: {  	v4 =	vld [tilespmem:s18+$0x0];
	[tilespmem:s22+$0xD80 ss:$0x48] =	vst.msk $0xffff, v6  }
0x3c: {  	v3 =	vld [tilespmem:s18+$0x10];
	[tilespmem:s22+$0x1200 ss:$0x48] =	vst.msk $0xffff, v7  }
0x3d: {  	[tilespmem:s22+$0x1680 ss:$0x48] =	vst.msk $0xffff, v8;
	v2 =	vld [tilespmem:s18+$0x30]  }
0x3e: {  	s25 =	simm.s32 $0x80;
	s26 =	simm.s32 $0x8;
	[tilespmem:s22+$0x2400 ss:$0x48] =	vst.msk $0xffff, v1;
	v1 =	vld [tilespmem:s18+$0x20]  }
0x3f: {  	s24 =	smov.u32 s18;
	s27 =	sand.u32 $0x300, s25;
	s23 =	simm.s32 $0x4;
	[tilespmem:s22+$0x1B00 ss:$0x48] =	vst.msk $0xffff, v9;
	v6 =	vld [tilespmem:s18+$0x40]  }
.LBB1_4:
0x40: {  	p1 =	sne.s32 s26, $0x1C;
	s28 =	sand.u32 $0x80, s25;
	s27 =	sadd.s32 s27, s19;
	[tilespmem:s22+$0x1F80 ss:$0x48] =	vst.msk $0xffff, v5;
	v5 =	vld [tilespmem:s24+$0x50]  }
0x41: {  	s27 =	sadd.s32 s28, s27;
	[tilespmem:s22+$0x2880 ss:$0x48] =	vst.msk $0xffff, v4;
	v4 =	vld [tilespmem:s24+$0x60]  }
0x42: {  	s24 =	sadd.s32 $0x80, s24;
	v7 =	vld.idx.msk [tilespmem:v0+s27+$0x400 ss:$0x1], $0xffff;
	[tilespmem:s22+$0x2D00 ss:$0x48] =	vst.msk $0xffff, v3  }
0x43: {  	v3 =	vld [tilespmem:s24+$0xFFFFFBF0];
	[tilespmem:s22+$0x3180 ss:$0x48] =	vst.msk $0xffff, v1  }
0x44: {  	v1 =	vld [tilespmem:s24+$0xFFFFFC00];
	[tilespmem:s22+$0x3600 ss:$0x48] =	vst.msk $0xffff, v2  }
0x45: {  	v2 =	vld [tilespmem:s24+$0xFFFFFC10];
	[tilespmem:s22+$0x3A80 ss:$0x48] =	vst.msk $0xffff, v6  }
0x46: {  	s27 =	sshra.s32 s23, $0x2;
	s23 =	smov.u32 s26;
	v6 =	vld [tilespmem:s24+$0xFFFFFC20];
	[tilespmem:s22+$0x3F00 ss:$0x48] =	vst.msk $0xffff, v5  }
0x47: {  	v8 =	vld [tilespmem:s24+$0xFFFFFC30];
	[tilespmem:s22+$0x4380 ss:$0x48] =	vst.msk $0xffff, v4;
	s22 =	sadd.s32 s27, s17  }
0x48: {  	v9 =	vld [tilespmem:s24+$0xFFFFFC40];
	[tilespmem:s22+$0x2400 ss:$0x48] =	vst.msk $0xffff, v7  }
0x49: {  	[tilespmem:s22+$0x0 ss:$0x48] =	vst.msk $0xffff, v3;
	v7 =	vld [tilespmem:s24+$0xFFFFFC50]  }
0x4a: {  	[tilespmem:s22+$0x480 ss:$0x48] =	vst.msk $0xffff, v1;
	v5 =	vld [tilespmem:s24+$0xFFFFFC60]  }
.Ltmp3:
0x4b: {  	[tilespmem:s22+$0x900 ss:$0x48] =	vst.msk $0xffff, v2;
	v4 =	vld [tilespmem:s24+$0x0];
	(pc) =	sbr.rel @p1 .LBB1_4-.Ltmp3, $4  }
0x4c: {  	[tilespmem:s22+$0xD80 ss:$0x48] =	vst.msk $0xffff, v6;
	v3 =	vld [tilespmem:s24+$0x10]  }
0x4d: {  	[tilespmem:s22+$0x1200 ss:$0x48] =	vst.msk $0xffff, v8;
	v1 =	vld [tilespmem:s24+$0x20]  }
0x4e: {  	s25 =	sadd.s32 $0x80, s25;
	[tilespmem:s22+$0x1680 ss:$0x48] =	vst.msk $0xffff, v9;
	v2 =	vld [tilespmem:s24+$0x30]  }
0x4f: {  	s26 =	sadd.s32 $0x4, s26;
	s27 =	sand.u32 $0x300, s25;
	[tilespmem:s22+$0x1B00 ss:$0x48] =	vst.msk $0xffff, v7;
	v6 =	vld [tilespmem:s24+$0x40]  }
0x50: {  	[tilespmem:s22+$0x1F80 ss:$0x48] =	vst.msk $0xffff, v5  }
0x51: {  	v47 =	vld [tilespmem:s24+$0x50];
	[tilespmem:s22+$0x2880 ss:$0x48] =	vst.msk $0xffff, v4  }
0x52: {  	v48 =	vld [tilespmem:s24+$0x60];
	s31 =	sadd.s32 $0x80, s24;
	[tilespmem:s22+$0x2D00 ss:$0x48] =	vst.msk $0xffff, v3  }
0x53: {  	v49 =	vld [tilespmem:s31+$0xFFFFFBF0];
	[tilespmem:s22+$0x3180 ss:$0x48] =	vst.msk $0xffff, v1  }
0x54: {  	v50 =	vld [tilespmem:s31+$0xFFFFFC00];
	[tilespmem:s22+$0x3600 ss:$0x48] =	vst.msk $0xffff, v2  }
0x55: {  	v51 =	vld [tilespmem:s31+$0xFFFFFC10];
	[tilespmem:s22+$0x3A80 ss:$0x48] =	vst.msk $0xffff, v6  }
0x56: {  	s23 =	sshra.s32 s23, $0x2;
	v52 =	vld [tilespmem:s31+$0xFFFFFC20];
	[tilespmem:s22+$0x3F00 ss:$0x48] =	vst.msk $0xffff, v47  }
0x57: {  	s23 =	sadd.s32 s23, s17;
	v53 =	vld [tilespmem:s31+$0xFFFFFC30];
	[tilespmem:s22+$0x4380 ss:$0x48] =	vst.msk $0xffff, v48  }
0x58: {  	v54 =	vld [tilespmem:s31+$0xFFFFFC40];
	[tilespmem:s23+$0x0 ss:$0x48] =	vst.msk $0xffff, v49  }
0x59: {  	v55 =	vld [tilespmem:s31+$0xFFFFFC50];
	[tilespmem:s23+$0x480 ss:$0x48] =	vst.msk $0xffff, v50  }
0x5a: {  	v56 =	vld [tilespmem:s31+$0xFFFFFC60];
	[tilespmem:s23+$0x900 ss:$0x48] =	vst.msk $0xffff, v51  }
0x5b: {  	v57 =	vld [tilespmem:s31+$0x0];
	[tilespmem:s23+$0xD80 ss:$0x48] =	vst.msk $0xffff, v52  }
0x5c: {  	v58 =	vld [tilespmem:s31+$0x10];
	[tilespmem:s23+$0x1200 ss:$0x48] =	vst.msk $0xffff, v53  }
0x5d: {  	v59 =	vld [tilespmem:s31+$0x20];
	[tilespmem:s23+$0x1680 ss:$0x48] =	vst.msk $0xffff, v54  }
0x5e: {  	v60 =	vld [tilespmem:s31+$0x30];
	[tilespmem:s23+$0x1B00 ss:$0x48] =	vst.msk $0xffff, v55  }
0x5f: {  	v61 =	vld [tilespmem:s31+$0x40];
	[tilespmem:s23+$0x1F80 ss:$0x48] =	vst.msk $0xffff, v56  }
0x60: {  	s25 =	sand.u32 $0x80, s25;
	s26 =	sadd.s32 s27, s19;
	v62 =	vld [tilespmem:s31+$0x50];
	[tilespmem:s23+$0x2880 ss:$0x48] =	vst.msk $0xffff, v57  }
0x61: {  	s21 =	sadd.s32 $0x1, s21;
	s25 =	sadd.s32 s25, s26;
	v63 =	vld [tilespmem:s31+$0x60];
	[tilespmem:s23+$0x2D00 ss:$0x48] =	vst.msk $0xffff, v58  }
0x62: {  	p1 =	sne.s32 s21, $0x8;
	v0 =	vld.idx.msk [tilespmem:v0+s25+$0x400 ss:$0x1], $0xffff;
	[tilespmem:s23+$0x3180 ss:$0x48] =	vst.msk $0xffff, v59  }
.Ltmp4:
0x63: {  	[tilespmem:s23+$0x3600 ss:$0x48] =	vst.msk $0xffff, v60;
	(pc) =	sbr.rel @p1 .LBB1_3-.Ltmp4, $4  }
0x64: {  	[tilespmem:s23+$0x3A80 ss:$0x48] =	vst.msk $0xffff, v61  }
0x65: {  	[tilespmem:s23+$0x3F00 ss:$0x48] =	vst.msk $0xffff, v62  }
0x66: {  	[tilespmem:s23+$0x4380 ss:$0x48] =	vst.msk $0xffff, v63  }
0x67: {  	s18 =	sadd.s32 $0x800, s18;
	s17 =	sadd.s32 $0x9, s17;
	[tilespmem:s23+$0x2400 ss:$0x48] =	vst.msk $0xffff, v0  }
0x68: {  	s15 =	sshll.u32 s15, $0x4  }
.Ltmp5:
0x69: {  	s13 =	sshll.u32 s13, $0x7;
	s15 =	sand.u32 $0x70, s15;
	(pc) =	sbr.rel .LBB1_7-.Ltmp5, $4  }
0x6a: {  	s17 =	sshrl.u32 s14, $0x3;
	s31 =	sand.u32 $0x7, s14;
	s15 =	sadd.s32 s5, s15  }
0x6b: {  	s17 =	sand.u32 $0xF, s17;
	s14 =	sshll.u32 s31, $0x12;
	s13 =	sadd.s32 s13, s15  }
0x6c: {  	s14 =	sor.u32 $0x8, s14;
	s13 =	sadd.s32 s17, s13  }
0x6d: {  	[hbm4b:s13+s14] =	stream.strided.scatter [tilespmem:s16], [sflag:$0x2], $0x4000, s8, s14, $0x0;
	[tilespmem:$0x11000] =	vst v63  }
.LBB1_8:
0x6e: {  	_ =	sfence.sel $0x180000  }
0x6f: {  	s2 =	simm.s32 $0x1;
	[bflag:$0x0] =	sbarrier.arrive $0xFFFF  }
0x70: {  	s31 =	simm.s32 $0x2;
	[sflag:s2] =	ssyncpa.u1 $0x1  }
0x71: {  	[sflag:s31] =	ssyncpa.u1 $0x1  }
0x72: {  	p0 =	sne.s32 s0, $0x0;
	_ =	strace $0x90000056  }
0x73: {  	s0 =	sadd.s32 @!p0 $0x100000, s1;
	[bflag:$0x2] =	sbarrier.arrive $0xFFFF  }
0x74: {  	[sflag:s0] =	ssyncadd.tile.s32 @!p0 $0x1;
	_ =	shalt  }
.Lfunc_end1:
_tile_overlayer_lowered:
.L_overlay_start_2:
0x75: {  	(tag) =	ssettag $0x2  }
0x76: {  	s0 =	rddreg [dreg:$0x0];
	s2 =	stileid.u32  }
0x77: {  	s1 =	rddreg [dreg:$0x1];
	p0 =	sne.s32 s2, $0x0  }
0x78: {  	s3 =	rddreg [dreg:$0x2];
	[bflag:$0x3] =	sbarrier.arrive $0xFFFF;
	s2 =	simm.s32 @!p0 $0x1C01  }
0x79: {  	[timem:s3], [sflag:s2] =	dma.local @!p0 [hbm:s0], s1  }
0x7a: {  	s0 =	simm.s32 @!p0 $0x1  }
0x7b: {  	_ =	swait.ge @!p0 [sflag:s0], s1  }
0x7c: {  	s1 =	ssub.s32 @!p0 $0x0, s1;
	[sflag:s0] =	ssyncset.done @!p0 $0x0  }
0x7d: {  	[sflag:s0] =	ssyncadd.s32 @!p0 s1  }
0x7e: {  	[bflag:$0x3] =	sbarrier.arrive $0xFFFF  }
0x7f: {  	_ =	shalt  }

</sc_bundles>
